<compile_context>
chip_gen: v7x
topology: tpu7x:2x2x1
jax: 0.10.2.dev20260603
libtpu: 0.0.44.dev20260713+nightly
codegen_flags: <defaults>
</compile_context>

<pallas_src>
import jax
import jax.numpy as jnp
from jax import lax
from jax.experimental import pallas as pl
from jax.experimental.pallas import tpu as pltpu
from jax.experimental.pallas import tpu_sc as plsc

NUM_CLASSES = 21
V = 1024
N = 512
NC = 2
NS = 16
NW = NC * NS
ROWS_PW = N // NW
GROUPS = ROWS_PW * N // 16
VROWS_PS = 128
NBINS = 64


def _sc_body(outT_hbm, seg_hbm, tgt_hbm, hist_hbm,
             amx_v, lab64_v, lab_sh, lab_v, seg_v, tgt_v,
             hist_o, hist_t, hist_m, sem1, sem2):
    cid = lax.axis_index("c")
    sid = lax.axis_index("s")
    wid = sid * NC + cid
    row0 = wid * ROWS_PW
    cp1 = pltpu.async_copy(seg_hbm.at[pl.ds(row0, ROWS_PW), :], seg_v, sem1)
    cp2 = pltpu.async_copy(tgt_hbm.at[pl.ds(row0, ROWS_PW), :], tgt_v, sem2)

    @pl.when(sid < V // VROWS_PS)
    def _argmax():
        pltpu.sync_copy(outT_hbm.at[:, pl.ds(sid * VROWS_PS, VROWS_PS)],
                        amx_v)
        for g in range(VROWS_PS // 16):
            bv = amx_v[0, pl.ds(g * 16, 16)]
            bi = jnp.zeros((16,), jnp.int32)
            for c in range(1, NUM_CLASSES):
                v = amx_v[c, pl.ds(g * 16, 16)]
                upd = v > bv
                bv = jnp.where(upd, v, bv)
                bi = jnp.where(upd, jnp.full((16,), c, jnp.int32), bi)
            lab64_v[pl.ds(g * 16, 16)] = bi
        pltpu.sync_copy(lab64_v, lab_sh.at[pl.ds(sid * VROWS_PS, VROWS_PS)])

    plsc.subcore_barrier()
    pltpu.sync_copy(lab_sh, lab_v)

    zeros = jnp.zeros((16,), jnp.int32)
    for h in (hist_o, hist_t, hist_m):
        for b in range(NBINS):
            h[b, :] = zeros

    cp1.wait()
    cp2.wait()

    lanes = lax.iota(jnp.int32, 16)
    ones = jnp.ones((16,), jnp.int32)

    @plsc.parallel_loop(0, GROUPS, unroll=4)
    def _hist_loop(i):
        r = i >> 5
        col = (i & 31) * 16
        seg = seg_v[r, pl.ds(col, 16)]
        tgt = tgt_v[r, pl.ds(col, 16)]
        lab = plsc.load_gather(lab_v, [seg])
        plsc.addupdate_scatter(hist_o, [lab, lanes], ones)
        plsc.addupdate_scatter(hist_t, [tgt, lanes], ones)
        plsc.addupdate_scatter(hist_m, [lab, lanes], ones,
                               mask=lab == tgt)

    pltpu.sync_copy(hist_o, hist_hbm.at[wid, 0])
    pltpu.sync_copy(hist_t, hist_hbm.at[wid, 1])
    pltpu.sync_copy(hist_m, hist_hbm.at[wid, 2])


def _fin_body(hist_ref, out_ref):
    h = hist_ref[...].astype(jnp.float32)
    tot = jnp.sum(h, axis=(0, 3))
    o = tot[0:1, 0:NUM_CLASSES]
    t = tot[1:2, 0:NUM_CLASSES]
    m = tot[2:3, 0:NUM_CLASSES]
    score = (2.0 * m) / (o + t + 1e-10)
    out_ref[0, 0] = 1.0 - jnp.sum(score) / NUM_CLASSES


_sc_call = pl.kernel(
    _sc_body,
    out_type=jax.ShapeDtypeStruct((NW, 3, NBINS, 16), jnp.int32),
    mesh=plsc.VectorSubcoreMesh(core_axis_name="c", subcore_axis_name="s"),
    compiler_params=pltpu.CompilerParams(needs_layout_passes=False),
    scratch_types=[
        pltpu.VMEM((NUM_CLASSES, VROWS_PS), jnp.float32),
        pltpu.VMEM((VROWS_PS,), jnp.int32),
        pltpu.VMEM_SHARED((V,), jnp.int32),
        pltpu.VMEM((V,), jnp.int32),
        pltpu.VMEM((ROWS_PW, N), jnp.int32),
        pltpu.VMEM((ROWS_PW, N), jnp.int32),
        pltpu.VMEM((NBINS, 16), jnp.int32),
        pltpu.VMEM((NBINS, 16), jnp.int32),
        pltpu.VMEM((NBINS, 16), jnp.int32),
        pltpu.SemaphoreType.DMA,
        pltpu.SemaphoreType.DMA,
    ],
)


def kernel(output, target, segments):
    hist = _sc_call(output.T, segments, target)
    loss = pl.pallas_call(
        _fin_body,
        out_shape=jax.ShapeDtypeStruct((1, 1), jnp.float32),
        out_specs=pl.BlockSpec(memory_space=pltpu.SMEM),
    )(hist)
    return loss[0, 0]

# --- scband reference (transcript-rebuilt; emitter-appended) ---
"""Pipeline reference for scband-dice-loss-48627619725802 (READ-ONLY COPY).

The authoritative reference and input builder live on the scoring server;
editing this copy changes nothing except your own understanding.
"""

import jax, jax.numpy as jnp
import numpy as np


def setup_inputs(seed: int = 0) -> dict:
    key = jax.random.key(seed)
    k1, k2, k3 = jax.random.split(key, 3)
    output = jax.random.normal(k1, (1024, 21), dtype=jnp.float32)
    target = jax.random.randint(k2, (512, 512), 0, 21)
    segments = jax.random.randint(k3, (512, 512), 0, 1024)
    return {"output": output, "target": target, "segments": segments}


def reference(output, target, segments):
    # output: (V, F) float32; target: (N, N) int; segments: (N, N) int
    n_class = output.shape[1]
    V = output.shape[0]
    # argmax over classes per superpixel
    out_arg = jnp.argmax(output, axis=1)
    # n_range = min(V, segments.max() + 1); loop over superpixels collapses to a gather
    n_range = jnp.minimum(V, jnp.max(segments) + 1)
    seg_safe = jnp.clip(segments, 0, V - 1)
    output_img = jnp.where(segments < n_range, out_arg[seg_safe], 0)
    # scatter_(0, idx, 1) on zeros template == one-hot along leading class dim
    t_oh = jnp.moveaxis(jax.nn.one_hot(target, n_class, dtype=jnp.float32), -1, 0)
    o_oh = jnp.moveaxis(jax.nn.one_hot(output_img, n_class, dtype=jnp.float32), -1, 0)
    intersection = 2.0 * jnp.sum(o_oh * t_oh, axis=(1, 2))
    union = jnp.sum(o_oh ** 2, axis=(1, 2)) + jnp.sum(t_oh ** 2, axis=(1, 2))
    score = intersection / (union + 1e-10)
    return 1.0 - jnp.mean(score)

if __name__ == "__main__":
    import jax
    _d = setup_inputs()
    print(jax.jit(kernel)(*tuple(_d.values())))

</pallas_src>

<mosaic_0001>
#map = affine_map<(d0, d1) -> (0, 0)>
#map1 = affine_map<(d0, d1) -> (0, 0, 0, 0)>
module attributes {stable_mosaic.version = 14 : i64} {
  func.func @_sc_body(%arg0: i32, %arg1: i32, %arg2: memref<21x1024xf32, #tpu.memory_space<hbm>>, %arg3: memref<512x512xi32, #tpu.memory_space<hbm>>, %arg4: memref<512x512xi32, #tpu.memory_space<hbm>>, %arg5: memref<32x3x64x16xi32, #tpu.memory_space<hbm>>, %arg6: memref<21x128xf32, #tpu.memory_space<vmem>>, %arg7: memref<128xi32, #tpu.memory_space<vmem>>, %arg8: memref<1024xi32, #tpu.memory_space<vmem_shared>>, %arg9: memref<1024xi32, #tpu.memory_space<vmem>>, %arg10: memref<16x512xi32, #tpu.memory_space<vmem>>, %arg11: memref<16x512xi32, #tpu.memory_space<vmem>>, %arg12: memref<64x16xi32, #tpu.memory_space<vmem>>, %arg13: memref<64x16xi32, #tpu.memory_space<vmem>>, %arg14: memref<64x16xi32, #tpu.memory_space<vmem>>, %arg15: memref<!tpu.dma_semaphore, #tpu.memory_space<semaphore_mem>>, %arg16: memref<!tpu.dma_semaphore, #tpu.memory_space<semaphore_mem>>) attributes {dimension_semantics = [#tpu.dimension_semantics<core_parallel>, #tpu.dimension_semantics<subcore_parallel>], iteration_bounds = array<i64: 2, 16>, scalar_prefetch = 0 : i64, scratch_operands = 11 : i64, tpu.core_type = #tpu.core_type<sc_vector_subcore>, window_params = [{transform_indices = #map}, {transform_indices = #map}, {transform_indices = #map}, {transform_indices = #map1}]} {
    %mul3A = arith.constant 2 : i32
    %mul3A_0 = arith.muli %arg1, %mul3A : i32
    %add3A = arith.addi %mul3A_0, %arg0 : i32
    %mul3A_1 = arith.constant 16 : i32
    %mul3A_2 = arith.muli %add3A, %mul3A_1 : i32
    %dma_start3A = arith.constant 0 : i32
    %dma_start3A_3 = tpu.memref_slice %arg3[%mul3A_2, %dma_start3A] : memref<512x512xi32, #tpu.memory_space<hbm>> -> memref<16x512xi32, #tpu.memory_space<hbm>>
    %dma_start3A_4 = arith.constant 0 : i32
    %dma_start3A_5 = tpu.memref_slice %arg3[%mul3A_2, %dma_start3A_4] : memref<512x512xi32, #tpu.memory_space<hbm>> -> memref<16x512xi32, #tpu.memory_space<hbm>>
    tpu.enqueue_dma source(%dma_start3A_5 : memref<16x512xi32, #tpu.memory_space<hbm>>) target(%arg10 : memref<16x512xi32, #tpu.memory_space<vmem>>) target_semaphore(%arg15 : memref<!tpu.dma_semaphore, #tpu.memory_space<semaphore_mem>>)
    %dma_start3A_6 = arith.constant 0 : i32
    %dma_start3A_7 = tpu.memref_slice %arg4[%mul3A_2, %dma_start3A_6] : memref<512x512xi32, #tpu.memory_space<hbm>> -> memref<16x512xi32, #tpu.memory_space<hbm>>
    %dma_start3A_8 = arith.constant 0 : i32
    %dma_start3A_9 = tpu.memref_slice %arg4[%mul3A_2, %dma_start3A_8] : memref<512x512xi32, #tpu.memory_space<hbm>> -> memref<16x512xi32, #tpu.memory_space<hbm>>
    tpu.enqueue_dma source(%dma_start3A_9 : memref<16x512xi32, #tpu.memory_space<hbm>>) target(%arg11 : memref<16x512xi32, #tpu.memory_space<vmem>>) target_semaphore(%arg16 : memref<!tpu.dma_semaphore, #tpu.memory_space<semaphore_mem>>)
    %lt3A = arith.constant 8 : i32
    %lt3A_10 = arith.cmpi slt, %arg1, %lt3A : i32
    %convert_element_type3A = arith.extui %lt3A_10 : i1 to i32
    %cond3A = arith.constant 0 : i32
    %cond3A_11 = arith.cmpi ne, %convert_element_type3A, %cond3A : i32
    scf.if %cond3A_11 {
      %mul3A_793 = arith.constant 128 : i32
      %mul3A_794 = arith.muli %arg1, %mul3A_793 : i32
      "tpu.region"() ({
        %run_scoped3A_2298 = tpu.sem_alloc : memref<!tpu.dma_semaphore, #tpu.memory_space<semaphore_mem>>
        %dma_start3A_2299 = arith.constant 0 : i32
        %dma_start3A_2300 = tpu.memref_slice %arg2[%dma_start3A_2299, %mul3A_794] : memref<21x1024xf32, #tpu.memory_space<hbm>> -> memref<21x128xf32, #tpu.memory_space<hbm>>
        %dma_start3A_2301 = arith.constant 0 : i32
        %dma_start3A_2302 = tpu.memref_slice %arg2[%dma_start3A_2301, %mul3A_794] : memref<21x1024xf32, #tpu.memory_space<hbm>> -> memref<21x128xf32, #tpu.memory_space<hbm>>
        tpu.enqueue_dma source(%dma_start3A_2302 : memref<21x128xf32, #tpu.memory_space<hbm>>) target(%arg6 : memref<21x128xf32, #tpu.memory_space<vmem>>) target_semaphore(%run_scoped3A_2298 : memref<!tpu.dma_semaphore, #tpu.memory_space<semaphore_mem>>)
        %dma_wait3A_2303 = arith.constant 0 : i32
        %dma_wait3A_2304 = tpu.memref_slice %arg2[%dma_wait3A_2303, %mul3A_794] : memref<21x1024xf32, #tpu.memory_space<hbm>> -> memref<21x128xf32, #tpu.memory_space<hbm>>
        %dma_wait3A_2305 = arith.constant 0 : i32
        %dma_wait3A_2306 = tpu.memref_slice %arg2[%dma_wait3A_2305, %mul3A_794] : memref<21x1024xf32, #tpu.memory_space<hbm>> -> memref<21x128xf32, #tpu.memory_space<hbm>>
        tpu.wait_dma2 semaphore(%run_scoped3A_2298 : memref<!tpu.dma_semaphore, #tpu.memory_space<semaphore_mem>>) src(%dma_wait3A_2306 : memref<21x128xf32, #tpu.memory_space<hbm>>) dst(%arg6 : memref<21x128xf32, #tpu.memory_space<vmem>>)
        tpu.yield
      }) : () -> ()
      %get3A = arith.constant 0 : i32
      %get3A_795 = arith.index_cast %get3A : i32 to index
      %get3A_796 = arith.constant 0 : index
      %get3A_797 = tpu.vector_load %arg6[%get3A_795, %get3A_796] {strides = array<i32>} : memref<21x128xf32, #tpu.memory_space<vmem>>, vector<16xf32>,
      %broadcast_in_dim3A_798 = arith.constant 0 : i32
      %broadcast_in_dim3A_799 = vector.broadcast %broadcast_in_dim3A_798 : i32 to vector<16xi32>
      %get3A_800 = arith.constant 1 : i32
      %get3A_801 = arith.index_cast %get3A_800 : i32 to index
      %get3A_802 = arith.constant 0 : index
      %get3A_803 = tpu.vector_load %arg6[%get3A_801, %get3A_802] {strides = array<i32>} : memref<21x128xf32, #tpu.memory_space<vmem>>, vector<16xf32>,
      %gt3A = arith.cmpf ogt, %get3A_803, %get3A_797 : vector<16xf32>
      %select_n3A = arith.select %gt3A, %get3A_803, %get3A_797 : vector<16xi1>, vector<16xf32>
      %broadcast_in_dim3A_804 = arith.constant 1 : i32
      %broadcast_in_dim3A_805 = vector.broadcast %broadcast_in_dim3A_804 : i32 to vector<16xi32>
      %select_n3A_806 = arith.select %gt3A, %broadcast_in_dim3A_805, %broadcast_in_dim3A_799 : vector<16xi1>, vector<16xi32>
      %get3A_807 = arith.constant 2 : i32
      %get3A_808 = arith.index_cast %get3A_807 : i32 to index
      %get3A_809 = arith.constant 0 : index
      %get3A_810 = tpu.vector_load %arg6[%get3A_808, %get3A_809] {strides = array<i32>} : memref<21x128xf32, #tpu.memory_space<vmem>>, vector<16xf32>,
      %gt3A_811 = arith.cmpf ogt, %get3A_810, %select_n3A : vector<16xf32>
      %select_n3A_812 = arith.select %gt3A_811, %get3A_810, %select_n3A : vector<16xi1>, vector<16xf32>
      %broadcast_in_dim3A_813 = arith.constant 2 : i32
      %broadcast_in_dim3A_814 = vector.broadcast %broadcast_in_dim3A_813 : i32 to vector<16xi32>
      %select_n3A_815 = arith.select %gt3A_811, %broadcast_in_dim3A_814, %select_n3A_806 : vector<16xi1>, vector<16xi32>
      %get3A_816 = arith.constant 3 : i32
      %get3A_817 = arith.index_cast %get3A_816 : i32 to index
      %get3A_818 = arith.constant 0 : index
      %get3A_819 = tpu.vector_load %arg6[%get3A_817, %get3A_818] {strides = array<i32>} : memref<21x128xf32, #tpu.memory_space<vmem>>, vector<16xf32>,
      %gt3A_820 = arith.cmpf ogt, %get3A_819, %select_n3A_812 : vector<16xf32>
      %select_n3A_821 = arith.select %gt3A_820, %get3A_819, %select_n3A_812 : vector<16xi1>, vector<16xf32>
      %broadcast_in_dim3A_822 = arith.constant 3 : i32
      %broadcast_in_dim3A_823 = vector.broadcast %broadcast_in_dim3A_822 : i32 to vector<16xi32>
      %select_n3A_824 = arith.select %gt3A_820, %broadcast_in_dim3A_823, %select_n3A_815 : vector<16xi1>, vector<16xi32>
      %get3A_825 = arith.constant 4 : i32
      %get3A_826 = arith.index_cast %get3A_825 : i32 to index
      %get3A_827 = arith.constant 0 : index
      %get3A_828 = tpu.vector_load %arg6[%get3A_826, %get3A_827] {strides = array<i32>} : memref<21x128xf32, #tpu.memory_space<vmem>>, vector<16xf32>,
      %gt3A_829 = arith.cmpf ogt, %get3A_828, %select_n3A_821 : vector<16xf32>
      %select_n3A_830 = arith.select %gt3A_829, %get3A_828, %select_n3A_821 : vector<16xi1>, vector<16xf32>
      %broadcast_in_dim3A_831 = arith.constant 4 : i32
      %broadcast_in_dim3A_832 = vector.broadcast %broadcast_in_dim3A_831 : i32 to vector<16xi32>
      %select_n3A_833 = arith.select %gt3A_829, %broadcast_in_dim3A_832, %select_n3A_824 : vector<16xi1>, vector<16xi32>
      %get3A_834 = arith.constant 5 : i32
      %get3A_835 = arith.index_cast %get3A_834 : i32 to index
      %get3A_836 = arith.constant 0 : index
      %get3A_837 = tpu.vector_load %arg6[%get3A_835, %get3A_836] {strides = array<i32>} : memref<21x128xf32, #tpu.memory_space<vmem>>, vector<16xf32>,
      %gt3A_838 = arith.cmpf ogt, %get3A_837, %select_n3A_830 : vector<16xf32>
      %select_n3A_839 = arith.select %gt3A_838, %get3A_837, %select_n3A_830 : vector<16xi1>, vector<16xf32>
      %broadcast_in_dim3A_840 = arith.constant 5 : i32
      %broadcast_in_dim3A_841 = vector.broadcast %broadcast_in_dim3A_840 : i32 to vector<16xi32>
      %select_n3A_842 = arith.select %gt3A_838, %broadcast_in_dim3A_841, %select_n3A_833 : vector<16xi1>, vector<16xi32>
      %get3A_843 = arith.constant 6 : i32
      %get3A_844 = arith.index_cast %get3A_843 : i32 to index
      %get3A_845 = arith.constant 0 : index
      %get3A_846 = tpu.vector_load %arg6[%get3A_844, %get3A_845] {strides = array<i32>} : memref<21x128xf32, #tpu.memory_space<vmem>>, vector<16xf32>,
      %gt3A_847 = arith.cmpf ogt, %get3A_846, %select_n3A_839 : vector<16xf32>
      %select_n3A_848 = arith.select %gt3A_847, %get3A_846, %select_n3A_839 : vector<16xi1>, vector<16xf32>
      %broadcast_in_dim3A_849 = arith.constant 6 : i32
      %broadcast_in_dim3A_850 = vector.broadcast %broadcast_in_dim3A_849 : i32 to vector<16xi32>
      %select_n3A_851 = arith.select %gt3A_847, %broadcast_in_dim3A_850, %select_n3A_842 : vector<16xi1>, vector<16xi32>
      %get3A_852 = arith.constant 7 : i32
      %get3A_853 = arith.index_cast %get3A_852 : i32 to index
      %get3A_854 = arith.constant 0 : index
      %get3A_855 = tpu.vector_load %arg6[%get3A_853, %get3A_854] {strides = array<i32>} : memref<21x128xf32, #tpu.memory_space<vmem>>, vector<16xf32>,
      %gt3A_856 = arith.cmpf ogt, %get3A_855, %select_n3A_848 : vector<16xf32>
      %select_n3A_857 = arith.select %gt3A_856, %get3A_855, %select_n3A_848 : vector<16xi1>, vector<16xf32>
      %broadcast_in_dim3A_858 = arith.constant 7 : i32
      %broadcast_in_dim3A_859 = vector.broadcast %broadcast_in_dim3A_858 : i32 to vector<16xi32>
      %select_n3A_860 = arith.select %gt3A_856, %broadcast_in_dim3A_859, %select_n3A_851 : vector<16xi1>, vector<16xi32>
      %get3A_861 = arith.constant 8 : i32
      %get3A_862 = arith.index_cast %get3A_861 : i32 to index
      %get3A_863 = arith.constant 0 : index
      %get3A_864 = tpu.vector_load %arg6[%get3A_862, %get3A_863] {strides = array<i32>} : memref<21x128xf32, #tpu.memory_space<vmem>>, vector<16xf32>,
      %gt3A_865 = arith.cmpf ogt, %get3A_864, %select_n3A_857 : vector<16xf32>
      %select_n3A_866 = arith.select %gt3A_865, %get3A_864, %select_n3A_857 : vector<16xi1>, vector<16xf32>
      %broadcast_in_dim3A_867 = arith.constant 8 : i32
      %broadcast_in_dim3A_868 = vector.broadcast %broadcast_in_dim3A_867 : i32 to vector<16xi32>
      %select_n3A_869 = arith.select %gt3A_865, %broadcast_in_dim3A_868, %select_n3A_860 : vector<16xi1>, vector<16xi32>
      %get3A_870 = arith.constant 9 : i32
      %get3A_871 = arith.index_cast %get3A_870 : i32 to index
      %get3A_872 = arith.constant 0 : index
      %get3A_873 = tpu.vector_load %arg6[%get3A_871, %get3A_872] {strides = array<i32>} : memref<21x128xf32, #tpu.memory_space<vmem>>, vector<16xf32>,
      %gt3A_874 = arith.cmpf ogt, %get3A_873, %select_n3A_866 : vector<16xf32>
      %select_n3A_875 = arith.select %gt3A_874, %get3A_873, %select_n3A_866 : vector<16xi1>, vector<16xf32>
      %broadcast_in_dim3A_876 = arith.constant 9 : i32
      %broadcast_in_dim3A_877 = vector.broadcast %broadcast_in_dim3A_876 : i32 to vector<16xi32>
      %select_n3A_878 = arith.select %gt3A_874, %broadcast_in_dim3A_877, %select_n3A_869 : vector<16xi1>, vector<16xi32>
      %get3A_879 = arith.constant 10 : i32
      %get3A_880 = arith.index_cast %get3A_879 : i32 to index
      %get3A_881 = arith.constant 0 : index
      %get3A_882 = tpu.vector_load %arg6[%get3A_880, %get3A_881] {strides = array<i32>} : memref<21x128xf32, #tpu.memory_space<vmem>>, vector<16xf32>,
      %gt3A_883 = arith.cmpf ogt, %get3A_882, %select_n3A_875 : vector<16xf32>
      %select_n3A_884 = arith.select %gt3A_883, %get3A_882, %select_n3A_875 : vector<16xi1>, vector<16xf32>
      %broadcast_in_dim3A_885 = arith.constant 10 : i32
      %broadcast_in_dim3A_886 = vector.broadcast %broadcast_in_dim3A_885 : i32 to vector<16xi32>
      %select_n3A_887 = arith.select %gt3A_883, %broadcast_in_dim3A_886, %select_n3A_878 : vector<16xi1>, vector<16xi32>
      %get3A_888 = arith.constant 11 : i32
      %get3A_889 = arith.index_cast %get3A_888 : i32 to index
      %get3A_890 = arith.constant 0 : index
      %get3A_891 = tpu.vector_load %arg6[%get3A_889, %get3A_890] {strides = array<i32>} : memref<21x128xf32, #tpu.memory_space<vmem>>, vector<16xf32>,
      %gt3A_892 = arith.cmpf ogt, %get3A_891, %select_n3A_884 : vector<16xf32>
      %select_n3A_893 = arith.select %gt3A_892, %get3A_891, %select_n3A_884 : vector<16xi1>, vector<16xf32>
      %broadcast_in_dim3A_894 = arith.constant 11 : i32
      %broadcast_in_dim3A_895 = vector.broadcast %broadcast_in_dim3A_894 : i32 to vector<16xi32>
      %select_n3A_896 = arith.select %gt3A_892, %broadcast_in_dim3A_895, %select_n3A_887 : vector<16xi1>, vector<16xi32>
      %get3A_897 = arith.constant 12 : i32
      %get3A_898 = arith.index_cast %get3A_897 : i32 to index
      %get3A_899 = arith.constant 0 : index
      %get3A_900 = tpu.vector_load %arg6[%get3A_898, %get3A_899] {strides = array<i32>} : memref<21x128xf32, #tpu.memory_space<vmem>>, vector<16xf32>,
      %gt3A_901 = arith.cmpf ogt, %get3A_900, %select_n3A_893 : vector<16xf32>
      %select_n3A_902 = arith.select %gt3A_901, %get3A_900, %select_n3A_893 : vector<16xi1>, vector<16xf32>
      %broadcast_in_dim3A_903 = arith.constant 12 : i32
      %broadcast_in_dim3A_904 = vector.broadcast %broadcast_in_dim3A_903 : i32 to vector<16xi32>
      %select_n3A_905 = arith.select %gt3A_901, %broadcast_in_dim3A_904, %select_n3A_896 : vector<16xi1>, vector<16xi32>
      %get3A_906 = arith.constant 13 : i32
      %get3A_907 = arith.index_cast %get3A_906 : i32 to index
      %get3A_908 = arith.constant 0 : index
      %get3A_909 = tpu.vector_load %arg6[%get3A_907, %get3A_908] {strides = array<i32>} : memref<21x128xf32, #tpu.memory_space<vmem>>, vector<16xf32>,
      %gt3A_910 = arith.cmpf ogt, %get3A_909, %select_n3A_902 : vector<16xf32>
      %select_n3A_911 = arith.select %gt3A_910, %get3A_909, %select_n3A_902 : vector<16xi1>, vector<16xf32>
      %broadcast_in_dim3A_912 = arith.constant 13 : i32
      %broadcast_in_dim3A_913 = vector.broadcast %broadcast_in_dim3A_912 : i32 to vector<16xi32>
      %select_n3A_914 = arith.select %gt3A_910, %broadcast_in_dim3A_913, %select_n3A_905 : vector<16xi1>, vector<16xi32>
      %get3A_915 = arith.constant 14 : i32
      %get3A_916 = arith.index_cast %get3A_915 : i32 to index
      %get3A_917 = arith.constant 0 : index
      %get3A_918 = tpu.vector_load %arg6[%get3A_916, %get3A_917] {strides = array<i32>} : memref<21x128xf32, #tpu.memory_space<vmem>>, vector<16xf32>,
      %gt3A_919 = arith.cmpf ogt, %get3A_918, %select_n3A_911 : vector<16xf32>
      %select_n3A_920 = arith.select %gt3A_919, %get3A_918, %select_n3A_911 : vector<16xi1>, vector<16xf32>
      %broadcast_in_dim3A_921 = arith.constant 14 : i32
      %broadcast_in_dim3A_922 = vector.broadcast %broadcast_in_dim3A_921 : i32 to vector<16xi32>
      %select_n3A_923 = arith.select %gt3A_919, %broadcast_in_dim3A_922, %select_n3A_914 : vector<16xi1>, vector<16xi32>
      %get3A_924 = arith.constant 15 : i32
      %get3A_925 = arith.index_cast %get3A_924 : i32 to index
      %get3A_926 = arith.constant 0 : index
      %get3A_927 = tpu.vector_load %arg6[%get3A_925, %get3A_926] {strides = array<i32>} : memref<21x128xf32, #tpu.memory_space<vmem>>, vector<16xf32>,
      %gt3A_928 = arith.cmpf ogt, %get3A_927, %select_n3A_920 : vector<16xf32>
      %select_n3A_929 = arith.select %gt3A_928, %get3A_927, %select_n3A_920 : vector<16xi1>, vector<16xf32>
      %broadcast_in_dim3A_930 = arith.constant 15 : i32
      %broadcast_in_dim3A_931 = vector.broadcast %broadcast_in_dim3A_930 : i32 to vector<16xi32>
      %select_n3A_932 = arith.select %gt3A_928, %broadcast_in_dim3A_931, %select_n3A_923 : vector<16xi1>, vector<16xi32>
      %get3A_933 = arith.constant 16 : i32
      %get3A_934 = arith.index_cast %get3A_933 : i32 to index
      %get3A_935 = arith.constant 0 : index
      %get3A_936 = tpu.vector_load %arg6[%get3A_934, %get3A_935] {strides = array<i32>} : memref<21x128xf32, #tpu.memory_space<vmem>>, vector<16xf32>,
      %gt3A_937 = arith.cmpf ogt, %get3A_936, %select_n3A_929 : vector<16xf32>
      %select_n3A_938 = arith.select %gt3A_937, %get3A_936, %select_n3A_929 : vector<16xi1>, vector<16xf32>
      %broadcast_in_dim3A_939 = arith.constant 16 : i32
      %broadcast_in_dim3A_940 = vector.broadcast %broadcast_in_dim3A_939 : i32 to vector<16xi32>
      %select_n3A_941 = arith.select %gt3A_937, %broadcast_in_dim3A_940, %select_n3A_932 : vector<16xi1>, vector<16xi32>
      %get3A_942 = arith.constant 17 : i32
      %get3A_943 = arith.index_cast %get3A_942 : i32 to index
      %get3A_944 = arith.constant 0 : index
      %get3A_945 = tpu.vector_load %arg6[%get3A_943, %get3A_944] {strides = array<i32>} : memref<21x128xf32, #tpu.memory_space<vmem>>, vector<16xf32>,
      %gt3A_946 = arith.cmpf ogt, %get3A_945, %select_n3A_938 : vector<16xf32>
      %select_n3A_947 = arith.select %gt3A_946, %get3A_945, %select_n3A_938 : vector<16xi1>, vector<16xf32>
      %broadcast_in_dim3A_948 = arith.constant 17 : i32
      %broadcast_in_dim3A_949 = vector.broadcast %broadcast_in_dim3A_948 : i32 to vector<16xi32>
      %select_n3A_950 = arith.select %gt3A_946, %broadcast_in_dim3A_949, %select_n3A_941 : vector<16xi1>, vector<16xi32>
      %get3A_951 = arith.constant 18 : i32
      %get3A_952 = arith.index_cast %get3A_951 : i32 to index
      %get3A_953 = arith.constant 0 : index
      %get3A_954 = tpu.vector_load %arg6[%get3A_952, %get3A_953] {strides = array<i32>} : memref<21x128xf32, #tpu.memory_space<vmem>>, vector<16xf32>,
      %gt3A_955 = arith.cmpf ogt, %get3A_954, %select_n3A_947 : vector<16xf32>
      %select_n3A_956 = arith.select %gt3A_955, %get3A_954, %select_n3A_947 : vector<16xi1>, vector<16xf32>
      %broadcast_in_dim3A_957 = arith.constant 18 : i32
      %broadcast_in_dim3A_958 = vector.broadcast %broadcast_in_dim3A_957 : i32 to vector<16xi32>
      %select_n3A_959 = arith.select %gt3A_955, %broadcast_in_dim3A_958, %select_n3A_950 : vector<16xi1>, vector<16xi32>
      %get3A_960 = arith.constant 19 : i32
      %get3A_961 = arith.index_cast %get3A_960 : i32 to index
      %get3A_962 = arith.constant 0 : index
      %get3A_963 = tpu.vector_load %arg6[%get3A_961, %get3A_962] {strides = array<i32>} : memref<21x128xf32, #tpu.memory_space<vmem>>, vector<16xf32>,
      %gt3A_964 = arith.cmpf ogt, %get3A_963, %select_n3A_956 : vector<16xf32>
      %select_n3A_965 = arith.select %gt3A_964, %get3A_963, %select_n3A_956 : vector<16xi1>, vector<16xf32>
      %broadcast_in_dim3A_966 = arith.constant 19 : i32
      %broadcast_in_dim3A_967 = vector.broadcast %broadcast_in_dim3A_966 : i32 to vector<16xi32>
      %select_n3A_968 = arith.select %gt3A_964, %broadcast_in_dim3A_967, %select_n3A_959 : vector<16xi1>, vector<16xi32>
      %get3A_969 = arith.constant 20 : i32
      %get3A_970 = arith.index_cast %get3A_969 : i32 to index
      %get3A_971 = arith.constant 0 : index
      %get3A_972 = tpu.vector_load %arg6[%get3A_970, %get3A_971] {strides = array<i32>} : memref<21x128xf32, #tpu.memory_space<vmem>>, vector<16xf32>,
      %gt3A_973 = arith.cmpf ogt, %get3A_972, %select_n3A_965 : vector<16xf32>
      %select_n3A_974 = arith.select %gt3A_973, %get3A_972, %select_n3A_965 : vector<16xi1>, vector<16xf32>
      %broadcast_in_dim3A_975 = arith.constant 20 : i32
      %broadcast_in_dim3A_976 = vector.broadcast %broadcast_in_dim3A_975 : i32 to vector<16xi32>
      %select_n3A_977 = arith.select %gt3A_973, %broadcast_in_dim3A_976, %select_n3A_968 : vector<16xi1>, vector<16xi32>
      %swap3A_978 = arith.constant 0 : index
      %swap3A_979 = tpu.vector_load %arg7[%swap3A_978] {strides = array<i32>} : memref<128xi32, #tpu.memory_space<vmem>>, vector<16xi32>,
      tpu.vector_store %arg7[%swap3A_978], %select_n3A_977 {strides = array<i32>} : memref<128xi32, #tpu.memory_space<vmem>>, vector<16xi32>,
      %get3A_980 = arith.constant 0 : i32
      %get3A_981 = arith.index_cast %get3A_980 : i32 to index
      %get3A_982 = arith.constant 16 : index
      %get3A_983 = tpu.vector_load %arg6[%get3A_981, %get3A_982] {strides = array<i32>} : memref<21x128xf32, #tpu.memory_space<vmem>>, vector<16xf32>,
      %broadcast_in_dim3A_984 = arith.constant 0 : i32
      %broadcast_in_dim3A_985 = vector.broadcast %broadcast_in_dim3A_984 : i32 to vector<16xi32>
      %get3A_986 = arith.constant 1 : i32
      %get3A_987 = arith.index_cast %get3A_986 : i32 to index
      %get3A_988 = arith.constant 16 : index
      %get3A_989 = tpu.vector_load %arg6[%get3A_987, %get3A_988] {strides = array<i32>} : memref<21x128xf32, #tpu.memory_space<vmem>>, vector<16xf32>,
      %gt3A_990 = arith.cmpf ogt, %get3A_989, %get3A_983 : vector<16xf32>
      %select_n3A_991 = arith.select %gt3A_990, %get3A_989, %get3A_983 : vector<16xi1>, vector<16xf32>
      %broadcast_in_dim3A_992 = arith.constant 1 : i32
      %broadcast_in_dim3A_993 = vector.broadcast %broadcast_in_dim3A_992 : i32 to vector<16xi32>
      %select_n3A_994 = arith.select %gt3A_990, %broadcast_in_dim3A_993, %broadcast_in_dim3A_985 : vector<16xi1>, vector<16xi32>
      %get3A_995 = arith.constant 2 : i32
      %get3A_996 = arith.index_cast %get3A_995 : i32 to index
      %get3A_997 = arith.constant 16 : index
      %get3A_998 = tpu.vector_load %arg6[%get3A_996, %get3A_997] {strides = array<i32>} : memref<21x128xf32, #tpu.memory_space<vmem>>, vector<16xf32>,
      %gt3A_999 = arith.cmpf ogt, %get3A_998, %select_n3A_991 : vector<16xf32>
      %select_n3A_1000 = arith.select %gt3A_999, %get3A_998, %select_n3A_991 : vector<16xi1>, vector<16xf32>
      %broadcast_in_dim3A_1001 = arith.constant 2 : i32
      %broadcast_in_dim3A_1002 = vector.broadcast %broadcast_in_dim3A_1001 : i32 to vector<16xi32>
      %select_n3A_1003 = arith.select %gt3A_999, %broadcast_in_dim3A_1002, %select_n3A_994 : vector<16xi1>, vector<16xi32>
      %get3A_1004 = arith.constant 3 : i32
      %get3A_1005 = arith.index_cast %get3A_1004 : i32 to index
      %get3A_1006 = arith.constant 16 : index
      %get3A_1007 = tpu.vector_load %arg6[%get3A_1005, %get3A_1006] {strides = array<i32>} : memref<21x128xf32, #tpu.memory_space<vmem>>, vector<16xf32>,
      %gt3A_1008 = arith.cmpf ogt, %get3A_1007, %select_n3A_1000 : vector<16xf32>
      %select_n3A_1009 = arith.select %gt3A_1008, %get3A_1007, %select_n3A_1000 : vector<16xi1>, vector<16xf32>
      %broadcast_in_dim3A_1010 = arith.constant 3 : i32
      %broadcast_in_dim3A_1011 = vector.broadcast %broadcast_in_dim3A_1010 : i32 to vector<16xi32>
      %select_n3A_1012 = arith.select %gt3A_1008, %broadcast_in_dim3A_1011, %select_n3A_1003 : vector<16xi1>, vector<16xi32>
      %get3A_1013 = arith.constant 4 : i32
      %get3A_1014 = arith.index_cast %get3A_1013 : i32 to index
      %get3A_1015 = arith.constant 16 : index
      %get3A_1016 = tpu.vector_load %arg6[%get3A_1014, %get3A_1015] {strides = array<i32>} : memref<21x128xf32, #tpu.memory_space<vmem>>, vector<16xf32>,
      %gt3A_1017 = arith.cmpf ogt, %get3A_1016, %select_n3A_1009 : vector<16xf32>
      %select_n3A_1018 = arith.select %gt3A_1017, %get3A_1016, %select_n3A_1009 : vector<16xi1>, vector<16xf32>
      %broadcast_in_dim3A_1019 = arith.constant 4 : i32
      %broadcast_in_dim3A_1020 = vector.broadcast %broadcast_in_dim3A_1019 : i32 to vector<16xi32>
      %select_n3A_1021 = arith.select %gt3A_1017, %broadcast_in_dim3A_1020, %select_n3A_1012 : vector<16xi1>, vector<16xi32>
      %get3A_1022 = arith.constant 5 : i32
      %get3A_1023 = arith.index_cast %get3A_1022 : i32 to index
      %get3A_1024 = arith.constant 16 : index
      %get3A_1025 = tpu.vector_load %arg6[%get3A_1023, %get3A_1024] {strides = array<i32>} : memref<21x128xf32, #tpu.memory_space<vmem>>, vector<16xf32>,
      %gt3A_1026 = arith.cmpf ogt, %get3A_1025, %select_n3A_1018 : vector<16xf32>
      %select_n3A_1027 = arith.select %gt3A_1026, %get3A_1025, %select_n3A_1018 : vector<16xi1>, vector<16xf32>
      %broadcast_in_dim3A_1028 = arith.constant 5 : i32
      %broadcast_in_dim3A_1029 = vector.broadcast %broadcast_in_dim3A_1028 : i32 to vector<16xi32>
      %select_n3A_1030 = arith.select %gt3A_1026, %broadcast_in_dim3A_1029, %select_n3A_1021 : vector<16xi1>, vector<16xi32>
      %get3A_1031 = arith.constant 6 : i32
      %get3A_1032 = arith.index_cast %get3A_1031 : i32 to index
      %get3A_1033 = arith.constant 16 : index
      %get3A_1034 = tpu.vector_load %arg6[%get3A_1032, %get3A_1033] {strides = array<i32>} : memref<21x128xf32, #tpu.memory_space<vmem>>, vector<16xf32>,
      %gt3A_1035 = arith.cmpf ogt, %get3A_1034, %select_n3A_1027 : vector<16xf32>
      %select_n3A_1036 = arith.select %gt3A_1035, %get3A_1034, %select_n3A_1027 : vector<16xi1>, vector<16xf32>
      %broadcast_in_dim3A_1037 = arith.constant 6 : i32
      %broadcast_in_dim3A_1038 = vector.broadcast %broadcast_in_dim3A_1037 : i32 to vector<16xi32>
      %select_n3A_1039 = arith.select %gt3A_1035, %broadcast_in_dim3A_1038, %select_n3A_1030 : vector<16xi1>, vector<16xi32>
      %get3A_1040 = arith.constant 7 : i32
      %get3A_1041 = arith.index_cast %get3A_1040 : i32 to index
      %get3A_1042 = arith.constant 16 : index
      %get3A_1043 = tpu.vector_load %arg6[%get3A_1041, %get3A_1042] {strides = array<i32>} : memref<21x128xf32, #tpu.memory_space<vmem>>, vector<16xf32>,
      %gt3A_1044 = arith.cmpf ogt, %get3A_1043, %select_n3A_1036 : vector<16xf32>
      %select_n3A_1045 = arith.select %gt3A_1044, %get3A_1043, %select_n3A_1036 : vector<16xi1>, vector<16xf32>
      %broadcast_in_dim3A_1046 = arith.constant 7 : i32
      %broadcast_in_dim3A_1047 = vector.broadcast %broadcast_in_dim3A_1046 : i32 to vector<16xi32>
      %select_n3A_1048 = arith.select %gt3A_1044, %broadcast_in_dim3A_1047, %select_n3A_1039 : vector<16xi1>, vector<16xi32>
      %get3A_1049 = arith.constant 8 : i32
      %get3A_1050 = arith.index_cast %get3A_1049 : i32 to index
      %get3A_1051 = arith.constant 16 : index
      %get3A_1052 = tpu.vector_load %arg6[%get3A_1050, %get3A_1051] {strides = array<i32>} : memref<21x128xf32, #tpu.memory_space<vmem>>, vector<16xf32>,
      %gt3A_1053 = arith.cmpf ogt, %get3A_1052, %select_n3A_1045 : vector<16xf32>
      %select_n3A_1054 = arith.select %gt3A_1053, %get3A_1052, %select_n3A_1045 : vector<16xi1>, vector<16xf32>
      %broadcast_in_dim3A_1055 = arith.constant 8 : i32
      %broadcast_in_dim3A_1056 = vector.broadcast %broadcast_in_dim3A_1055 : i32 to vector<16xi32>
      %select_n3A_1057 = arith.select %gt3A_1053, %broadcast_in_dim3A_1056, %select_n3A_1048 : vector<16xi1>, vector<16xi32>
      %get3A_1058 = arith.constant 9 : i32
      %get3A_1059 = arith.index_cast %get3A_1058 : i32 to index
      %get3A_1060 = arith.constant 16 : index
      %get3A_1061 = tpu.vector_load %arg6[%get3A_1059, %get3A_1060] {strides = array<i32>} : memref<21x128xf32, #tpu.memory_space<vmem>>, vector<16xf32>,
      %gt3A_1062 = arith.cmpf ogt, %get3A_1061, %select_n3A_1054 : vector<16xf32>
      %select_n3A_1063 = arith.select %gt3A_1062, %get3A_1061, %select_n3A_1054 : vector<16xi1>, vector<16xf32>
      %broadcast_in_dim3A_1064 = arith.constant 9 : i32
      %broadcast_in_dim3A_1065 = vector.broadcast %broadcast_in_dim3A_1064 : i32 to vector<16xi32>
      %select_n3A_1066 = arith.select %gt3A_1062, %broadcast_in_dim3A_1065, %select_n3A_1057 : vector<16xi1>, vector<16xi32>
      %get3A_1067 = arith.constant 10 : i32
      %get3A_1068 = arith.index_cast %get3A_1067 : i32 to index
      %get3A_1069 = arith.constant 16 : index
      %get3A_1070 = tpu.vector_load %arg6[%get3A_1068, %get3A_1069] {strides = array<i32>} : memref<21x128xf32, #tpu.memory_space<vmem>>, vector<16xf32>,
      %gt3A_1071 = arith.cmpf ogt, %get3A_1070, %select_n3A_1063 : vector<16xf32>
      %select_n3A_1072 = arith.select %gt3A_1071, %get3A_1070, %select_n3A_1063 : vector<16xi1>, vector<16xf32>
      %broadcast_in_dim3A_1073 = arith.constant 10 : i32
      %broadcast_in_dim3A_1074 = vector.broadcast %broadcast_in_dim3A_1073 : i32 to vector<16xi32>
      %select_n3A_1075 = arith.select %gt3A_1071, %broadcast_in_dim3A_1074, %select_n3A_1066 : vector<16xi1>, vector<16xi32>
      %get3A_1076 = arith.constant 11 : i32
      %get3A_1077 = arith.index_cast %get3A_1076 : i32 to index
      %get3A_1078 = arith.constant 16 : index
      %get3A_1079 = tpu.vector_load %arg6[%get3A_1077, %get3A_1078] {strides = array<i32>} : memref<21x128xf32, #tpu.memory_space<vmem>>, vector<16xf32>,
      %gt3A_1080 = arith.cmpf ogt, %get3A_1079, %select_n3A_1072 : vector<16xf32>
      %select_n3A_1081 = arith.select %gt3A_1080, %get3A_1079, %select_n3A_1072 : vector<16xi1>, vector<16xf32>
      %broadcast_in_dim3A_1082 = arith.constant 11 : i32
      %broadcast_in_dim3A_1083 = vector.broadcast %broadcast_in_dim3A_1082 : i32 to vector<16xi32>
      %select_n3A_1084 = arith.select %gt3A_1080, %broadcast_in_dim3A_1083, %select_n3A_1075 : vector<16xi1>, vector<16xi32>
      %get3A_1085 = arith.constant 12 : i32
      %get3A_1086 = arith.index_cast %get3A_1085 : i32 to index
      %get3A_1087 = arith.constant 16 : index
      %get3A_1088 = tpu.vector_load %arg6[%get3A_1086, %get3A_1087] {strides = array<i32>} : memref<21x128xf32, #tpu.memory_space<vmem>>, vector<16xf32>,
      %gt3A_1089 = arith.cmpf ogt, %get3A_1088, %select_n3A_1081 : vector<16xf32>
      %select_n3A_1090 = arith.select %gt3A_1089, %get3A_1088, %select_n3A_1081 : vector<16xi1>, vector<16xf32>
      %broadcast_in_dim3A_1091 = arith.constant 12 : i32
      %broadcast_in_dim3A_1092 = vector.broadcast %broadcast_in_dim3A_1091 : i32 to vector<16xi32>
      %select_n3A_1093 = arith.select %gt3A_1089, %broadcast_in_dim3A_1092, %select_n3A_1084 : vector<16xi1>, vector<16xi32>
      %get3A_1094 = arith.constant 13 : i32
      %get3A_1095 = arith.index_cast %get3A_1094 : i32 to index
      %get3A_1096 = arith.constant 16 : index
      %get3A_1097 = tpu.vector_load %arg6[%get3A_1095, %get3A_1096] {strides = array<i32>} : memref<21x128xf32, #tpu.memory_space<vmem>>, vector<16xf32>,
      %gt3A_1098 = arith.cmpf ogt, %get3A_1097, %select_n3A_1090 : vector<16xf32>
      %select_n3A_1099 = arith.select %gt3A_1098, %get3A_1097, %select_n3A_1090 : vector<16xi1>, vector<16xf32>
      %broadcast_in_dim3A_1100 = arith.constant 13 : i32
      %broadcast_in_dim3A_1101 = vector.broadcast %broadcast_in_dim3A_1100 : i32 to vector<16xi32>
      %select_n3A_1102 = arith.select %gt3A_1098, %broadcast_in_dim3A_1101, %select_n3A_1093 : vector<16xi1>, vector<16xi32>
      %get3A_1103 = arith.constant 14 : i32
      %get3A_1104 = arith.index_cast %get3A_1103 : i32 to index
      %get3A_1105 = arith.constant 16 : index
      %get3A_1106 = tpu.vector_load %arg6[%get3A_1104, %get3A_1105] {strides = array<i32>} : memref<21x128xf32, #tpu.memory_space<vmem>>, vector<16xf32>,
      %gt3A_1107 = arith.cmpf ogt, %get3A_1106, %select_n3A_1099 : vector<16xf32>
      %select_n3A_1108 = arith.select %gt3A_1107, %get3A_1106, %select_n3A_1099 : vector<16xi1>, vector<16xf32>
      %broadcast_in_dim3A_1109 = arith.constant 14 : i32
      %broadcast_in_dim3A_1110 = vector.broadcast %broadcast_in_dim3A_1109 : i32 to vector<16xi32>
      %select_n3A_1111 = arith.select %gt3A_1107, %broadcast_in_dim3A_1110, %select_n3A_1102 : vector<16xi1>, vector<16xi32>
      %get3A_1112 = arith.constant 15 : i32
      %get3A_1113 = arith.index_cast %get3A_1112 : i32 to index
      %get3A_1114 = arith.constant 16 : index
      %get3A_1115 = tpu.vector_load %arg6[%get3A_1113, %get3A_1114] {strides = array<i32>} : memref<21x128xf32, #tpu.memory_space<vmem>>, vector<16xf32>,
      %gt3A_1116 = arith.cmpf ogt, %get3A_1115, %select_n3A_1108 : vector<16xf32>
      %select_n3A_1117 = arith.select %gt3A_1116, %get3A_1115, %select_n3A_1108 : vector<16xi1>, vector<16xf32>
      %broadcast_in_dim3A_1118 = arith.constant 15 : i32
      %broadcast_in_dim3A_1119 = vector.broadcast %broadcast_in_dim3A_1118 : i32 to vector<16xi32>
      %select_n3A_1120 = arith.select %gt3A_1116, %broadcast_in_dim3A_1119, %select_n3A_1111 : vector<16xi1>, vector<16xi32>
      %get3A_1121 = arith.constant 16 : i32
      %get3A_1122 = arith.index_cast %get3A_1121 : i32 to index
      %get3A_1123 = arith.constant 16 : index
      %get3A_1124 = tpu.vector_load %arg6[%get3A_1122, %get3A_1123] {strides = array<i32>} : memref<21x128xf32, #tpu.memory_space<vmem>>, vector<16xf32>,
      %gt3A_1125 = arith.cmpf ogt, %get3A_1124, %select_n3A_1117 : vector<16xf32>
      %select_n3A_1126 = arith.select %gt3A_1125, %get3A_1124, %select_n3A_1117 : vector<16xi1>, vector<16xf32>
      %broadcast_in_dim3A_1127 = arith.constant 16 : i32
      %broadcast_in_dim3A_1128 = vector.broadcast %broadcast_in_dim3A_1127 : i32 to vector<16xi32>
      %select_n3A_1129 = arith.select %gt3A_1125, %broadcast_in_dim3A_1128, %select_n3A_1120 : vector<16xi1>, vector<16xi32>
      %get3A_1130 = arith.constant 17 : i32
      %get3A_1131 = arith.index_cast %get3A_1130 : i32 to index
      %get3A_1132 = arith.constant 16 : index
      %get3A_1133 = tpu.vector_load %arg6[%get3A_1131, %get3A_1132] {strides = array<i32>} : memref<21x128xf32, #tpu.memory_space<vmem>>, vector<16xf32>,
      %gt3A_1134 = arith.cmpf ogt, %get3A_1133, %select_n3A_1126 : vector<16xf32>
      %select_n3A_1135 = arith.select %gt3A_1134, %get3A_1133, %select_n3A_1126 : vector<16xi1>, vector<16xf32>
      %broadcast_in_dim3A_1136 = arith.constant 17 : i32
      %broadcast_in_dim3A_1137 = vector.broadcast %broadcast_in_dim3A_1136 : i32 to vector<16xi32>
      %select_n3A_1138 = arith.select %gt3A_1134, %broadcast_in_dim3A_1137, %select_n3A_1129 : vector<16xi1>, vector<16xi32>
      %get3A_1139 = arith.constant 18 : i32
      %get3A_1140 = arith.index_cast %get3A_1139 : i32 to index
      %get3A_1141 = arith.constant 16 : index
      %get3A_1142 = tpu.vector_load %arg6[%get3A_1140, %get3A_1141] {strides = array<i32>} : memref<21x128xf32, #tpu.memory_space<vmem>>, vector<16xf32>,
      %gt3A_1143 = arith.cmpf ogt, %get3A_1142, %select_n3A_1135 : vector<16xf32>
      %select_n3A_1144 = arith.select %gt3A_1143, %get3A_1142, %select_n3A_1135 : vector<16xi1>, vector<16xf32>
      %broadcast_in_dim3A_1145 = arith.constant 18 : i32
      %broadcast_in_dim3A_1146 = vector.broadcast %broadcast_in_dim3A_1145 : i32 to vector<16xi32>
      %select_n3A_1147 = arith.select %gt3A_1143, %broadcast_in_dim3A_1146, %select_n3A_1138 : vector<16xi1>, vector<16xi32>
      %get3A_1148 = arith.constant 19 : i32
      %get3A_1149 = arith.index_cast %get3A_1148 : i32 to index
      %get3A_1150 = arith.constant 16 : index
      %get3A_1151 = tpu.vector_load %arg6[%get3A_1149, %get3A_1150] {strides = array<i32>} : memref<21x128xf32, #tpu.memory_space<vmem>>, vector<16xf32>,
      %gt3A_1152 = arith.cmpf ogt, %get3A_1151, %select_n3A_1144 : vector<16xf32>
      %select_n3A_1153 = arith.select %gt3A_1152, %get3A_1151, %select_n3A_1144 : vector<16xi1>, vector<16xf32>
      %broadcast_in_dim3A_1154 = arith.constant 19 : i32
      %broadcast_in_dim3A_1155 = vector.broadcast %broadcast_in_dim3A_1154 : i32 to vector<16xi32>
      %select_n3A_1156 = arith.select %gt3A_1152, %broadcast_in_dim3A_1155, %select_n3A_1147 : vector<16xi1>, vector<16xi32>
      %get3A_1157 = arith.constant 20 : i32
      %get3A_1158 = arith.index_cast %get3A_1157 : i32 to index
      %get3A_1159 = arith.constant 16 : index
      %get3A_1160 = tpu.vector_load %arg6[%get3A_1158, %get3A_1159] {strides = array<i32>} : memref<21x128xf32, #tpu.memory_space<vmem>>, vector<16xf32>,
      %gt3A_1161 = arith.cmpf ogt, %get3A_1160, %select_n3A_1153 : vector<16xf32>
      %select_n3A_1162 = arith.select %gt3A_1161, %get3A_1160, %select_n3A_1153 : vector<16xi1>, vector<16xf32>
      %broadcast_in_dim3A_1163 = arith.constant 20 : i32
      %broadcast_in_dim3A_1164 = vector.broadcast %broadcast_in_dim3A_1163 : i32 to vector<16xi32>
      %select_n3A_1165 = arith.select %gt3A_1161, %broadcast_in_dim3A_1164, %select_n3A_1156 : vector<16xi1>, vector<16xi32>
      %swap3A_1166 = arith.constant 16 : index
      %swap3A_1167 = tpu.vector_load %arg7[%swap3A_1166] {strides = array<i32>} : memref<128xi32, #tpu.memory_space<vmem>>, vector<16xi32>,
      tpu.vector_store %arg7[%swap3A_1166], %select_n3A_1165 {strides = array<i32>} : memref<128xi32, #tpu.memory_space<vmem>>, vector<16xi32>,
      %get3A_1168 = arith.constant 0 : i32
      %get3A_1169 = arith.index_cast %get3A_1168 : i32 to index
      %get3A_1170 = arith.constant 32 : index
      %get3A_1171 = tpu.vector_load %arg6[%get3A_1169, %get3A_1170] {strides = array<i32>} : memref<21x128xf32, #tpu.memory_space<vmem>>, vector<16xf32>,
      %broadcast_in_dim3A_1172 = arith.constant 0 : i32
      %broadcast_in_dim3A_1173 = vector.broadcast %broadcast_in_dim3A_1172 : i32 to vector<16xi32>
      %get3A_1174 = arith.constant 1 : i32
      %get3A_1175 = arith.index_cast %get3A_1174 : i32 to index
      %get3A_1176 = arith.constant 32 : index
      %get3A_1177 = tpu.vector_load %arg6[%get3A_1175, %get3A_1176] {strides = array<i32>} : memref<21x128xf32, #tpu.memory_space<vmem>>, vector<16xf32>,
      %gt3A_1178 = arith.cmpf ogt, %get3A_1177, %get3A_1171 : vector<16xf32>
      %select_n3A_1179 = arith.select %gt3A_1178, %get3A_1177, %get3A_1171 : vector<16xi1>, vector<16xf32>
      %broadcast_in_dim3A_1180 = arith.constant 1 : i32
      %broadcast_in_dim3A_1181 = vector.broadcast %broadcast_in_dim3A_1180 : i32 to vector<16xi32>
      %select_n3A_1182 = arith.select %gt3A_1178, %broadcast_in_dim3A_1181, %broadcast_in_dim3A_1173 : vector<16xi1>, vector<16xi32>
      %get3A_1183 = arith.constant 2 : i32
      %get3A_1184 = arith.index_cast %get3A_1183 : i32 to index
      %get3A_1185 = arith.constant 32 : index
      %get3A_1186 = tpu.vector_load %arg6[%get3A_1184, %get3A_1185] {strides = array<i32>} : memref<21x128xf32, #tpu.memory_space<vmem>>, vector<16xf32>,
      %gt3A_1187 = arith.cmpf ogt, %get3A_1186, %select_n3A_1179 : vector<16xf32>
      %select_n3A_1188 = arith.select %gt3A_1187, %get3A_1186, %select_n3A_1179 : vector<16xi1>, vector<16xf32>
      %broadcast_in_dim3A_1189 = arith.constant 2 : i32
      %broadcast_in_dim3A_1190 = vector.broadcast %broadcast_in_dim3A_1189 : i32 to vector<16xi32>
      %select_n3A_1191 = arith.select %gt3A_1187, %broadcast_in_dim3A_1190, %select_n3A_1182 : vector<16xi1>, vector<16xi32>
      %get3A_1192 = arith.constant 3 : i32
      %get3A_1193 = arith.index_cast %get3A_1192 : i32 to index
      %get3A_1194 = arith.constant 32 : index
      %get3A_1195 = tpu.vector_load %arg6[%get3A_1193, %get3A_1194] {strides = array<i32>} : memref<21x128xf32, #tpu.memory_space<vmem>>, vector<16xf32>,
      %gt3A_1196 = arith.cmpf ogt, %get3A_1195, %select_n3A_1188 : vector<16xf32>
      %select_n3A_1197 = arith.select %gt3A_1196, %get3A_1195, %select_n3A_1188 : vector<16xi1>, vector<16xf32>
      %broadcast_in_dim3A_1198 = arith.constant 3 : i32
      %broadcast_in_dim3A_1199 = vector.broadcast %broadcast_in_dim3A_1198 : i32 to vector<16xi32>
      %select_n3A_1200 = arith.select %gt3A_1196, %broadcast_in_dim3A_1199, %select_n3A_1191 : vector<16xi1>, vector<16xi32>
      %get3A_1201 = arith.constant 4 : i32
      %get3A_1202 = arith.index_cast %get3A_1201 : i32 to index
      %get3A_1203 = arith.constant 32 : index
      %get3A_1204 = tpu.vector_load %arg6[%get3A_1202, %get3A_1203] {strides = array<i32>} : memref<21x128xf32, #tpu.memory_space<vmem>>, vector<16xf32>,
      %gt3A_1205 = arith.cmpf ogt, %get3A_1204, %select_n3A_1197 : vector<16xf32>
      %select_n3A_1206 = arith.select %gt3A_1205, %get3A_1204, %select_n3A_1197 : vector<16xi1>, vector<16xf32>
      %broadcast_in_dim3A_1207 = arith.constant 4 : i32
      %broadcast_in_dim3A_1208 = vector.broadcast %broadcast_in_dim3A_1207 : i32 to vector<16xi32>
      %select_n3A_1209 = arith.select %gt3A_1205, %broadcast_in_dim3A_1208, %select_n3A_1200 : vector<16xi1>, vector<16xi32>
      %get3A_1210 = arith.constant 5 : i32
      %get3A_1211 = arith.index_cast %get3A_1210 : i32 to index
      %get3A_1212 = arith.constant 32 : index
      %get3A_1213 = tpu.vector_load %arg6[%get3A_1211, %get3A_1212] {strides = array<i32>} : memref<21x128xf32, #tpu.memory_space<vmem>>, vector<16xf32>,
      %gt3A_1214 = arith.cmpf ogt, %get3A_1213, %select_n3A_1206 : vector<16xf32>
      %select_n3A_1215 = arith.select %gt3A_1214, %get3A_1213, %select_n3A_1206 : vector<16xi1>, vector<16xf32>
      %broadcast_in_dim3A_1216 = arith.constant 5 : i32
      %broadcast_in_dim3A_1217 = vector.broadcast %broadcast_in_dim3A_1216 : i32 to vector<16xi32>
      %select_n3A_1218 = arith.select %gt3A_1214, %broadcast_in_dim3A_1217, %select_n3A_1209 : vector<16xi1>, vector<16xi32>
      %get3A_1219 = arith.constant 6 : i32
      %get3A_1220 = arith.index_cast %get3A_1219 : i32 to index
      %get3A_1221 = arith.constant 32 : index
      %get3A_1222 = tpu.vector_load %arg6[%get3A_1220, %get3A_1221] {strides = array<i32>} : memref<21x128xf32, #tpu.memory_space<vmem>>, vector<16xf32>,
      %gt3A_1223 = arith.cmpf ogt, %get3A_1222, %select_n3A_1215 : vector<16xf32>
      %select_n3A_1224 = arith.select %gt3A_1223, %get3A_1222, %select_n3A_1215 : vector<16xi1>, vector<16xf32>
      %broadcast_in_dim3A_1225 = arith.constant 6 : i32
      %broadcast_in_dim3A_1226 = vector.broadcast %broadcast_in_dim3A_1225 : i32 to vector<16xi32>
      %select_n3A_1227 = arith.select %gt3A_1223, %broadcast_in_dim3A_1226, %select_n3A_1218 : vector<16xi1>, vector<16xi32>
      %get3A_1228 = arith.constant 7 : i32
      %get3A_1229 = arith.index_cast %get3A_1228 : i32 to index
      %get3A_1230 = arith.constant 32 : index
      %get3A_1231 = tpu.vector_load %arg6[%get3A_1229, %get3A_1230] {strides = array<i32>} : memref<21x128xf32, #tpu.memory_space<vmem>>, vector<16xf32>,
      %gt3A_1232 = arith.cmpf ogt, %get3A_1231, %select_n3A_1224 : vector<16xf32>
      %select_n3A_1233 = arith.select %gt3A_1232, %get3A_1231, %select_n3A_1224 : vector<16xi1>, vector<16xf32>
      %broadcast_in_dim3A_1234 = arith.constant 7 : i32
      %broadcast_in_dim3A_1235 = vector.broadcast %broadcast_in_dim3A_1234 : i32 to vector<16xi32>
      %select_n3A_1236 = arith.select %gt3A_1232, %broadcast_in_dim3A_1235, %select_n3A_1227 : vector<16xi1>, vector<16xi32>
      %get3A_1237 = arith.constant 8 : i32
      %get3A_1238 = arith.index_cast %get3A_1237 : i32 to index
      %get3A_1239 = arith.constant 32 : index
      %get3A_1240 = tpu.vector_load %arg6[%get3A_1238, %get3A_1239] {strides = array<i32>} : memref<21x128xf32, #tpu.memory_space<vmem>>, vector<16xf32>,
      %gt3A_1241 = arith.cmpf ogt, %get3A_1240, %select_n3A_1233 : vector<16xf32>
      %select_n3A_1242 = arith.select %gt3A_1241, %get3A_1240, %select_n3A_1233 : vector<16xi1>, vector<16xf32>
      %broadcast_in_dim3A_1243 = arith.constant 8 : i32
      %broadcast_in_dim3A_1244 = vector.broadcast %broadcast_in_dim3A_1243 : i32 to vector<16xi32>
      %select_n3A_1245 = arith.select %gt3A_1241, %broadcast_in_dim3A_1244, %select_n3A_1236 : vector<16xi1>, vector<16xi32>
      %get3A_1246 = arith.constant 9 : i32
      %get3A_1247 = arith.index_cast %get3A_1246 : i32 to index
      %get3A_1248 = arith.constant 32 : index
      %get3A_1249 = tpu.vector_load %arg6[%get3A_1247, %get3A_1248] {strides = array<i32>} : memref<21x128xf32, #tpu.memory_space<vmem>>, vector<16xf32>,
      %gt3A_1250 = arith.cmpf ogt, %get3A_1249, %select_n3A_1242 : vector<16xf32>
      %select_n3A_1251 = arith.select %gt3A_1250, %get3A_1249, %select_n3A_1242 : vector<16xi1>, vector<16xf32>
      %broadcast_in_dim3A_1252 = arith.constant 9 : i32
      %broadcast_in_dim3A_1253 = vector.broadcast %broadcast_in_dim3A_1252 : i32 to vector<16xi32>
      %select_n3A_1254 = arith.select %gt3A_1250, %broadcast_in_dim3A_1253, %select_n3A_1245 : vector<16xi1>, vector<16xi32>
      %get3A_1255 = arith.constant 10 : i32
      %get3A_1256 = arith.index_cast %get3A_1255 : i32 to index
      %get3A_1257 = arith.constant 32 : index
      %get3A_1258 = tpu.vector_load %arg6[%get3A_1256, %get3A_1257] {strides = array<i32>} : memref<21x128xf32, #tpu.memory_space<vmem>>, vector<16xf32>,
      %gt3A_1259 = arith.cmpf ogt, %get3A_1258, %select_n3A_1251 : vector<16xf32>
      %select_n3A_1260 = arith.select %gt3A_1259, %get3A_1258, %select_n3A_1251 : vector<16xi1>, vector<16xf32>
      %broadcast_in_dim3A_1261 = arith.constant 10 : i32
      %broadcast_in_dim3A_1262 = vector.broadcast %broadcast_in_dim3A_1261 : i32 to vector<16xi32>
      %select_n3A_1263 = arith.select %gt3A_1259, %broadcast_in_dim3A_1262, %select_n3A_1254 : vector<16xi1>, vector<16xi32>
      %get3A_1264 = arith.constant 11 : i32
      %get3A_1265 = arith.index_cast %get3A_1264 : i32 to index
      %get3A_1266 = arith.constant 32 : index
      %get3A_1267 = tpu.vector_load %arg6[%get3A_1265, %get3A_1266] {strides = array<i32>} : memref<21x128xf32, #tpu.memory_space<vmem>>, vector<16xf32>,
      %gt3A_1268 = arith.cmpf ogt, %get3A_1267, %select_n3A_1260 : vector<16xf32>
      %select_n3A_1269 = arith.select %gt3A_1268, %get3A_1267, %select_n3A_1260 : vector<16xi1>, vector<16xf32>
      %broadcast_in_dim3A_1270 = arith.constant 11 : i32
      %broadcast_in_dim3A_1271 = vector.broadcast %broadcast_in_dim3A_1270 : i32 to vector<16xi32>
      %select_n3A_1272 = arith.select %gt3A_1268, %broadcast_in_dim3A_1271, %select_n3A_1263 : vector<16xi1>, vector<16xi32>
      %get3A_1273 = arith.constant 12 : i32
      %get3A_1274 = arith.index_cast %get3A_1273 : i32 to index
      %get3A_1275 = arith.constant 32 : index
      %get3A_1276 = tpu.vector_load %arg6[%get3A_1274, %get3A_1275] {strides = array<i32>} : memref<21x128xf32, #tpu.memory_space<vmem>>, vector<16xf32>,
      %gt3A_1277 = arith.cmpf ogt, %get3A_1276, %select_n3A_1269 : vector<16xf32>
      %select_n3A_1278 = arith.select %gt3A_1277, %get3A_1276, %select_n3A_1269 : vector<16xi1>, vector<16xf32>
      %broadcast_in_dim3A_1279 = arith.constant 12 : i32
      %broadcast_in_dim3A_1280 = vector.broadcast %broadcast_in_dim3A_1279 : i32 to vector<16xi32>
      %select_n3A_1281 = arith.select %gt3A_1277, %broadcast_in_dim3A_1280, %select_n3A_1272 : vector<16xi1>, vector<16xi32>
      %get3A_1282 = arith.constant 13 : i32
      %get3A_1283 = arith.index_cast %get3A_1282 : i32 to index
      %get3A_1284 = arith.constant 32 : index
      %get3A_1285 = tpu.vector_load %arg6[%get3A_1283, %get3A_1284] {strides = array<i32>} : memref<21x128xf32, #tpu.memory_space<vmem>>, vector<16xf32>,
      %gt3A_1286 = arith.cmpf ogt, %get3A_1285, %select_n3A_1278 : vector<16xf32>
      %select_n3A_1287 = arith.select %gt3A_1286, %get3A_1285, %select_n3A_1278 : vector<16xi1>, vector<16xf32>
      %broadcast_in_dim3A_1288 = arith.constant 13 : i32
      %broadcast_in_dim3A_1289 = vector.broadcast %broadcast_in_dim3A_1288 : i32 to vector<16xi32>
      %select_n3A_1290 = arith.select %gt3A_1286, %broadcast_in_dim3A_1289, %select_n3A_1281 : vector<16xi1>, vector<16xi32>
      %get3A_1291 = arith.constant 14 : i32
      %get3A_1292 = arith.index_cast %get3A_1291 : i32 to index
      %get3A_1293 = arith.constant 32 : index
      %get3A_1294 = tpu.vector_load %arg6[%get3A_1292, %get3A_1293] {strides = array<i32>} : memref<21x128xf32, #tpu.memory_space<vmem>>, vector<16xf32>,
      %gt3A_1295 = arith.cmpf ogt, %get3A_1294, %select_n3A_1287 : vector<16xf32>
      %select_n3A_1296 = arith.select %gt3A_1295, %get3A_1294, %select_n3A_1287 : vector<16xi1>, vector<16xf32>
      %broadcast_in_dim3A_1297 = arith.constant 14 : i32
      %broadcast_in_dim3A_1298 = vector.broadcast %broadcast_in_dim3A_1297 : i32 to vector<16xi32>
      %select_n3A_1299 = arith.select %gt3A_1295, %broadcast_in_dim3A_1298, %select_n3A_1290 : vector<16xi1>, vector<16xi32>
      %get3A_1300 = arith.constant 15 : i32
      %get3A_1301 = arith.index_cast %get3A_1300 : i32 to index
      %get3A_1302 = arith.constant 32 : index
      %get3A_1303 = tpu.vector_load %arg6[%get3A_1301, %get3A_1302] {strides = array<i32>} : memref<21x128xf32, #tpu.memory_space<vmem>>, vector<16xf32>,
      %gt3A_1304 = arith.cmpf ogt, %get3A_1303, %select_n3A_1296 : vector<16xf32>
      %select_n3A_1305 = arith.select %gt3A_1304, %get3A_1303, %select_n3A_1296 : vector<16xi1>, vector<16xf32>
      %broadcast_in_dim3A_1306 = arith.constant 15 : i32
      %broadcast_in_dim3A_1307 = vector.broadcast %broadcast_in_dim3A_1306 : i32 to vector<16xi32>
      %select_n3A_1308 = arith.select %gt3A_1304, %broadcast_in_dim3A_1307, %select_n3A_1299 : vector<16xi1>, vector<16xi32>
      %get3A_1309 = arith.constant 16 : i32
      %get3A_1310 = arith.index_cast %get3A_1309 : i32 to index
      %get3A_1311 = arith.constant 32 : index
      %get3A_1312 = tpu.vector_load %arg6[%get3A_1310, %get3A_1311] {strides = array<i32>} : memref<21x128xf32, #tpu.memory_space<vmem>>, vector<16xf32>,
      %gt3A_1313 = arith.cmpf ogt, %get3A_1312, %select_n3A_1305 : vector<16xf32>
      %select_n3A_1314 = arith.select %gt3A_1313, %get3A_1312, %select_n3A_1305 : vector<16xi1>, vector<16xf32>
      %broadcast_in_dim3A_1315 = arith.constant 16 : i32
      %broadcast_in_dim3A_1316 = vector.broadcast %broadcast_in_dim3A_1315 : i32 to vector<16xi32>
      %select_n3A_1317 = arith.select %gt3A_1313, %broadcast_in_dim3A_1316, %select_n3A_1308 : vector<16xi1>, vector<16xi32>
      %get3A_1318 = arith.constant 17 : i32
      %get3A_1319 = arith.index_cast %get3A_1318 : i32 to index
      %get3A_1320 = arith.constant 32 : index
      %get3A_1321 = tpu.vector_load %arg6[%get3A_1319, %get3A_1320] {strides = array<i32>} : memref<21x128xf32, #tpu.memory_space<vmem>>, vector<16xf32>,
      %gt3A_1322 = arith.cmpf ogt, %get3A_1321, %select_n3A_1314 : vector<16xf32>
      %select_n3A_1323 = arith.select %gt3A_1322, %get3A_1321, %select_n3A_1314 : vector<16xi1>, vector<16xf32>
      %broadcast_in_dim3A_1324 = arith.constant 17 : i32
      %broadcast_in_dim3A_1325 = vector.broadcast %broadcast_in_dim3A_1324 : i32 to vector<16xi32>
      %select_n3A_1326 = arith.select %gt3A_1322, %broadcast_in_dim3A_1325, %select_n3A_1317 : vector<16xi1>, vector<16xi32>
      %get3A_1327 = arith.constant 18 : i32
      %get3A_1328 = arith.index_cast %get3A_1327 : i32 to index
      %get3A_1329 = arith.constant 32 : index
      %get3A_1330 = tpu.vector_load %arg6[%get3A_1328, %get3A_1329] {strides = array<i32>} : memref<21x128xf32, #tpu.memory_space<vmem>>, vector<16xf32>,
      %gt3A_1331 = arith.cmpf ogt, %get3A_1330, %select_n3A_1323 : vector<16xf32>
      %select_n3A_1332 = arith.select %gt3A_1331, %get3A_1330, %select_n3A_1323 : vector<16xi1>, vector<16xf32>
      %broadcast_in_dim3A_1333 = arith.constant 18 : i32
      %broadcast_in_dim3A_1334 = vector.broadcast %broadcast_in_dim3A_1333 : i32 to vector<16xi32>
      %select_n3A_1335 = arith.select %gt3A_1331, %broadcast_in_dim3A_1334, %select_n3A_1326 : vector<16xi1>, vector<16xi32>
      %get3A_1336 = arith.constant 19 : i32
      %get3A_1337 = arith.index_cast %get3A_1336 : i32 to index
      %get3A_1338 = arith.constant 32 : index
      %get3A_1339 = tpu.vector_load %arg6[%get3A_1337, %get3A_1338] {strides = array<i32>} : memref<21x128xf32, #tpu.memory_space<vmem>>, vector<16xf32>,
      %gt3A_1340 = arith.cmpf ogt, %get3A_1339, %select_n3A_1332 : vector<16xf32>
      %select_n3A_1341 = arith.select %gt3A_1340, %get3A_1339, %select_n3A_1332 : vector<16xi1>, vector<16xf32>
      %broadcast_in_dim3A_1342 = arith.constant 19 : i32
      %broadcast_in_dim3A_1343 = vector.broadcast %broadcast_in_dim3A_1342 : i32 to vector<16xi32>
      %select_n3A_1344 = arith.select %gt3A_1340, %broadcast_in_dim3A_1343, %select_n3A_1335 : vector<16xi1>, vector<16xi32>
      %get3A_1345 = arith.constant 20 : i32
      %get3A_1346 = arith.index_cast %get3A_1345 : i32 to index
      %get3A_1347 = arith.constant 32 : index
      %get3A_1348 = tpu.vector_load %arg6[%get3A_1346, %get3A_1347] {strides = array<i32>} : memref<21x128xf32, #tpu.memory_space<vmem>>, vector<16xf32>,
      %gt3A_1349 = arith.cmpf ogt, %get3A_1348, %select_n3A_1341 : vector<16xf32>
      %select_n3A_1350 = arith.select %gt3A_1349, %get3A_1348, %select_n3A_1341 : vector<16xi1>, vector<16xf32>
      %broadcast_in_dim3A_1351 = arith.constant 20 : i32
      %broadcast_in_dim3A_1352 = vector.broadcast %broadcast_in_dim3A_1351 : i32 to vector<16xi32>
      %select_n3A_1353 = arith.select %gt3A_1349, %broadcast_in_dim3A_1352, %select_n3A_1344 : vector<16xi1>, vector<16xi32>
      %swap3A_1354 = arith.constant 32 : index
      %swap3A_1355 = tpu.vector_load %arg7[%swap3A_1354] {strides = array<i32>} : memref<128xi32, #tpu.memory_space<vmem>>, vector<16xi32>,
      tpu.vector_store %arg7[%swap3A_1354], %select_n3A_1353 {strides = array<i32>} : memref<128xi32, #tpu.memory_space<vmem>>, vector<16xi32>,
      %get3A_1356 = arith.constant 0 : i32
      %get3A_1357 = arith.index_cast %get3A_1356 : i32 to index
      %get3A_1358 = arith.constant 48 : index
      %get3A_1359 = tpu.vector_load %arg6[%get3A_1357, %get3A_1358] {strides = array<i32>} : memref<21x128xf32, #tpu.memory_space<vmem>>, vector<16xf32>,
      %broadcast_in_dim3A_1360 = arith.constant 0 : i32
      %broadcast_in_dim3A_1361 = vector.broadcast %broadcast_in_dim3A_1360 : i32 to vector<16xi32>
      %get3A_1362 = arith.constant 1 : i32
      %get3A_1363 = arith.index_cast %get3A_1362 : i32 to index
      %get3A_1364 = arith.constant 48 : index
      %get3A_1365 = tpu.vector_load %arg6[%get3A_1363, %get3A_1364] {strides = array<i32>} : memref<21x128xf32, #tpu.memory_space<vmem>>, vector<16xf32>,
      %gt3A_1366 = arith.cmpf ogt, %get3A_1365, %get3A_1359 : vector<16xf32>
      %select_n3A_1367 = arith.select %gt3A_1366, %get3A_1365, %get3A_1359 : vector<16xi1>, vector<16xf32>
      %broadcast_in_dim3A_1368 = arith.constant 1 : i32
      %broadcast_in_dim3A_1369 = vector.broadcast %broadcast_in_dim3A_1368 : i32 to vector<16xi32>
      %select_n3A_1370 = arith.select %gt3A_1366, %broadcast_in_dim3A_1369, %broadcast_in_dim3A_1361 : vector<16xi1>, vector<16xi32>
      %get3A_1371 = arith.constant 2 : i32
      %get3A_1372 = arith.index_cast %get3A_1371 : i32 to index
      %get3A_1373 = arith.constant 48 : index
      %get3A_1374 = tpu.vector_load %arg6[%get3A_1372, %get3A_1373] {strides = array<i32>} : memref<21x128xf32, #tpu.memory_space<vmem>>, vector<16xf32>,
      %gt3A_1375 = arith.cmpf ogt, %get3A_1374, %select_n3A_1367 : vector<16xf32>
      %select_n3A_1376 = arith.select %gt3A_1375, %get3A_1374, %select_n3A_1367 : vector<16xi1>, vector<16xf32>
      %broadcast_in_dim3A_1377 = arith.constant 2 : i32
      %broadcast_in_dim3A_1378 = vector.broadcast %broadcast_in_dim3A_1377 : i32 to vector<16xi32>
      %select_n3A_1379 = arith.select %gt3A_1375, %broadcast_in_dim3A_1378, %select_n3A_1370 : vector<16xi1>, vector<16xi32>
      %get3A_1380 = arith.constant 3 : i32
      %get3A_1381 = arith.index_cast %get3A_1380 : i32 to index
      %get3A_1382 = arith.constant 48 : index
      %get3A_1383 = tpu.vector_load %arg6[%get3A_1381, %get3A_1382] {strides = array<i32>} : memref<21x128xf32, #tpu.memory_space<vmem>>, vector<16xf32>,
      %gt3A_1384 = arith.cmpf ogt, %get3A_1383, %select_n3A_1376 : vector<16xf32>
      %select_n3A_1385 = arith.select %gt3A_1384, %get3A_1383, %select_n3A_1376 : vector<16xi1>, vector<16xf32>
      %broadcast_in_dim3A_1386 = arith.constant 3 : i32
      %broadcast_in_dim3A_1387 = vector.broadcast %broadcast_in_dim3A_1386 : i32 to vector<16xi32>
      %select_n3A_1388 = arith.select %gt3A_1384, %broadcast_in_dim3A_1387, %select_n3A_1379 : vector<16xi1>, vector<16xi32>
      %get3A_1389 = arith.constant 4 : i32
      %get3A_1390 = arith.index_cast %get3A_1389 : i32 to index
      %get3A_1391 = arith.constant 48 : index
      %get3A_1392 = tpu.vector_load %arg6[%get3A_1390, %get3A_1391] {strides = array<i32>} : memref<21x128xf32, #tpu.memory_space<vmem>>, vector<16xf32>,
      %gt3A_1393 = arith.cmpf ogt, %get3A_1392, %select_n3A_1385 : vector<16xf32>
      %select_n3A_1394 = arith.select %gt3A_1393, %get3A_1392, %select_n3A_1385 : vector<16xi1>, vector<16xf32>
      %broadcast_in_dim3A_1395 = arith.constant 4 : i32
      %broadcast_in_dim3A_1396 = vector.broadcast %broadcast_in_dim3A_1395 : i32 to vector<16xi32>
      %select_n3A_1397 = arith.select %gt3A_1393, %broadcast_in_dim3A_1396, %select_n3A_1388 : vector<16xi1>, vector<16xi32>
      %get3A_1398 = arith.constant 5 : i32
      %get3A_1399 = arith.index_cast %get3A_1398 : i32 to index
      %get3A_1400 = arith.constant 48 : index
      %get3A_1401 = tpu.vector_load %arg6[%get3A_1399, %get3A_1400] {strides = array<i32>} : memref<21x128xf32, #tpu.memory_space<vmem>>, vector<16xf32>,
      %gt3A_1402 = arith.cmpf ogt, %get3A_1401, %select_n3A_1394 : vector<16xf32>
      %select_n3A_1403 = arith.select %gt3A_1402, %get3A_1401, %select_n3A_1394 : vector<16xi1>, vector<16xf32>
      %broadcast_in_dim3A_1404 = arith.constant 5 : i32
      %broadcast_in_dim3A_1405 = vector.broadcast %broadcast_in_dim3A_1404 : i32 to vector<16xi32>
      %select_n3A_1406 = arith.select %gt3A_1402, %broadcast_in_dim3A_1405, %select_n3A_1397 : vector<16xi1>, vector<16xi32>
      %get3A_1407 = arith.constant 6 : i32
      %get3A_1408 = arith.index_cast %get3A_1407 : i32 to index
      %get3A_1409 = arith.constant 48 : index
      %get3A_1410 = tpu.vector_load %arg6[%get3A_1408, %get3A_1409] {strides = array<i32>} : memref<21x128xf32, #tpu.memory_space<vmem>>, vector<16xf32>,
      %gt3A_1411 = arith.cmpf ogt, %get3A_1410, %select_n3A_1403 : vector<16xf32>
      %select_n3A_1412 = arith.select %gt3A_1411, %get3A_1410, %select_n3A_1403 : vector<16xi1>, vector<16xf32>
      %broadcast_in_dim3A_1413 = arith.constant 6 : i32
      %broadcast_in_dim3A_1414 = vector.broadcast %broadcast_in_dim3A_1413 : i32 to vector<16xi32>
      %select_n3A_1415 = arith.select %gt3A_1411, %broadcast_in_dim3A_1414, %select_n3A_1406 : vector<16xi1>, vector<16xi32>
      %get3A_1416 = arith.constant 7 : i32
      %get3A_1417 = arith.index_cast %get3A_1416 : i32 to index
      %get3A_1418 = arith.constant 48 : index
      %get3A_1419 = tpu.vector_load %arg6[%get3A_1417, %get3A_1418] {strides = array<i32>} : memref<21x128xf32, #tpu.memory_space<vmem>>, vector<16xf32>,
      %gt3A_1420 = arith.cmpf ogt, %get3A_1419, %select_n3A_1412 : vector<16xf32>
      %select_n3A_1421 = arith.select %gt3A_1420, %get3A_1419, %select_n3A_1412 : vector<16xi1>, vector<16xf32>
      %broadcast_in_dim3A_1422 = arith.constant 7 : i32
      %broadcast_in_dim3A_1423 = vector.broadcast %broadcast_in_dim3A_1422 : i32 to vector<16xi32>
      %select_n3A_1424 = arith.select %gt3A_1420, %broadcast_in_dim3A_1423, %select_n3A_1415 : vector<16xi1>, vector<16xi32>
      %get3A_1425 = arith.constant 8 : i32
      %get3A_1426 = arith.index_cast %get3A_1425 : i32 to index
      %get3A_1427 = arith.constant 48 : index
      %get3A_1428 = tpu.vector_load %arg6[%get3A_1426, %get3A_1427] {strides = array<i32>} : memref<21x128xf32, #tpu.memory_space<vmem>>, vector<16xf32>,
      %gt3A_1429 = arith.cmpf ogt, %get3A_1428, %select_n3A_1421 : vector<16xf32>
      %select_n3A_1430 = arith.select %gt3A_1429, %get3A_1428, %select_n3A_1421 : vector<16xi1>, vector<16xf32>
      %broadcast_in_dim3A_1431 = arith.constant 8 : i32
      %broadcast_in_dim3A_1432 = vector.broadcast %broadcast_in_dim3A_1431 : i32 to vector<16xi32>
      %select_n3A_1433 = arith.select %gt3A_1429, %broadcast_in_dim3A_1432, %select_n3A_1424 : vector<16xi1>, vector<16xi32>
      %get3A_1434 = arith.constant 9 : i32
      %get3A_1435 = arith.index_cast %get3A_1434 : i32 to index
      %get3A_1436 = arith.constant 48 : index
      %get3A_1437 = tpu.vector_load %arg6[%get3A_1435, %get3A_1436] {strides = array<i32>} : memref<21x128xf32, #tpu.memory_space<vmem>>, vector<16xf32>,
      %gt3A_1438 = arith.cmpf ogt, %get3A_1437, %select_n3A_1430 : vector<16xf32>
      %select_n3A_1439 = arith.select %gt3A_1438, %get3A_1437, %select_n3A_1430 : vector<16xi1>, vector<16xf32>
      %broadcast_in_dim3A_1440 = arith.constant 9 : i32
      %broadcast_in_dim3A_1441 = vector.broadcast %broadcast_in_dim3A_1440 : i32 to vector<16xi32>
      %select_n3A_1442 = arith.select %gt3A_1438, %broadcast_in_dim3A_1441, %select_n3A_1433 : vector<16xi1>, vector<16xi32>
      %get3A_1443 = arith.constant 10 : i32
      %get3A_1444 = arith.index_cast %get3A_1443 : i32 to index
      %get3A_1445 = arith.constant 48 : index
      %get3A_1446 = tpu.vector_load %arg6[%get3A_1444, %get3A_1445] {strides = array<i32>} : memref<21x128xf32, #tpu.memory_space<vmem>>, vector<16xf32>,
      %gt3A_1447 = arith.cmpf ogt, %get3A_1446, %select_n3A_1439 : vector<16xf32>
      %select_n3A_1448 = arith.select %gt3A_1447, %get3A_1446, %select_n3A_1439 : vector<16xi1>, vector<16xf32>
      %broadcast_in_dim3A_1449 = arith.constant 10 : i32
      %broadcast_in_dim3A_1450 = vector.broadcast %broadcast_in_dim3A_1449 : i32 to vector<16xi32>
      %select_n3A_1451 = arith.select %gt3A_1447, %broadcast_in_dim3A_1450, %select_n3A_1442 : vector<16xi1>, vector<16xi32>
      %get3A_1452 = arith.constant 11 : i32
      %get3A_1453 = arith.index_cast %get3A_1452 : i32 to index
      %get3A_1454 = arith.constant 48 : index
      %get3A_1455 = tpu.vector_load %arg6[%get3A_1453, %get3A_1454] {strides = array<i32>} : memref<21x128xf32, #tpu.memory_space<vmem>>, vector<16xf32>,
      %gt3A_1456 = arith.cmpf ogt, %get3A_1455, %select_n3A_1448 : vector<16xf32>
      %select_n3A_1457 = arith.select %gt3A_1456, %get3A_1455, %select_n3A_1448 : vector<16xi1>, vector<16xf32>
      %broadcast_in_dim3A_1458 = arith.constant 11 : i32
      %broadcast_in_dim3A_1459 = vector.broadcast %broadcast_in_dim3A_1458 : i32 to vector<16xi32>
      %select_n3A_1460 = arith.select %gt3A_1456, %broadcast_in_dim3A_1459, %select_n3A_1451 : vector<16xi1>, vector<16xi32>
      %get3A_1461 = arith.constant 12 : i32
      %get3A_1462 = arith.index_cast %get3A_1461 : i32 to index
      %get3A_1463 = arith.constant 48 : index
      %get3A_1464 = tpu.vector_load %arg6[%get3A_1462, %get3A_1463] {strides = array<i32>} : memref<21x128xf32, #tpu.memory_space<vmem>>, vector<16xf32>,
      %gt3A_1465 = arith.cmpf ogt, %get3A_1464, %select_n3A_1457 : vector<16xf32>
      %select_n3A_1466 = arith.select %gt3A_1465, %get3A_1464, %select_n3A_1457 : vector<16xi1>, vector<16xf32>
      %broadcast_in_dim3A_1467 = arith.constant 12 : i32
      %broadcast_in_dim3A_1468 = vector.broadcast %broadcast_in_dim3A_1467 : i32 to vector<16xi32>
      %select_n3A_1469 = arith.select %gt3A_1465, %broadcast_in_dim3A_1468, %select_n3A_1460 : vector<16xi1>, vector<16xi32>
      %get3A_1470 = arith.constant 13 : i32
      %get3A_1471 = arith.index_cast %get3A_1470 : i32 to index
      %get3A_1472 = arith.constant 48 : index
      %get3A_1473 = tpu.vector_load %arg6[%get3A_1471, %get3A_1472] {strides = array<i32>} : memref<21x128xf32, #tpu.memory_space<vmem>>, vector<16xf32>,
      %gt3A_1474 = arith.cmpf ogt, %get3A_1473, %select_n3A_1466 : vector<16xf32>
      %select_n3A_1475 = arith.select %gt3A_1474, %get3A_1473, %select_n3A_1466 : vector<16xi1>, vector<16xf32>
      %broadcast_in_dim3A_1476 = arith.constant 13 : i32
      %broadcast_in_dim3A_1477 = vector.broadcast %broadcast_in_dim3A_1476 : i32 to vector<16xi32>
      %select_n3A_1478 = arith.select %gt3A_1474, %broadcast_in_dim3A_1477, %select_n3A_1469 : vector<16xi1>, vector<16xi32>
      %get3A_1479 = arith.constant 14 : i32
      %get3A_1480 = arith.index_cast %get3A_1479 : i32 to index
      %get3A_1481 = arith.constant 48 : index
      %get3A_1482 = tpu.vector_load %arg6[%get3A_1480, %get3A_1481] {strides = array<i32>} : memref<21x128xf32, #tpu.memory_space<vmem>>, vector<16xf32>,
      %gt3A_1483 = arith.cmpf ogt, %get3A_1482, %select_n3A_1475 : vector<16xf32>
      %select_n3A_1484 = arith.select %gt3A_1483, %get3A_1482, %select_n3A_1475 : vector<16xi1>, vector<16xf32>
      %broadcast_in_dim3A_1485 = arith.constant 14 : i32
      %broadcast_in_dim3A_1486 = vector.broadcast %broadcast_in_dim3A_1485 : i32 to vector<16xi32>
      %select_n3A_1487 = arith.select %gt3A_1483, %broadcast_in_dim3A_1486, %select_n3A_1478 : vector<16xi1>, vector<16xi32>
      %get3A_1488 = arith.constant 15 : i32
      %get3A_1489 = arith.index_cast %get3A_1488 : i32 to index
      %get3A_1490 = arith.constant 48 : index
      %get3A_1491 = tpu.vector_load %arg6[%get3A_1489, %get3A_1490] {strides = array<i32>} : memref<21x128xf32, #tpu.memory_space<vmem>>, vector<16xf32>,
      %gt3A_1492 = arith.cmpf ogt, %get3A_1491, %select_n3A_1484 : vector<16xf32>
      %select_n3A_1493 = arith.select %gt3A_1492, %get3A_1491, %select_n3A_1484 : vector<16xi1>, vector<16xf32>
      %broadcast_in_dim3A_1494 = arith.constant 15 : i32
      %broadcast_in_dim3A_1495 = vector.broadcast %broadcast_in_dim3A_1494 : i32 to vector<16xi32>
      %select_n3A_1496 = arith.select %gt3A_1492, %broadcast_in_dim3A_1495, %select_n3A_1487 : vector<16xi1>, vector<16xi32>
      %get3A_1497 = arith.constant 16 : i32
      %get3A_1498 = arith.index_cast %get3A_1497 : i32 to index
      %get3A_1499 = arith.constant 48 : index
      %get3A_1500 = tpu.vector_load %arg6[%get3A_1498, %get3A_1499] {strides = array<i32>} : memref<21x128xf32, #tpu.memory_space<vmem>>, vector<16xf32>,
      %gt3A_1501 = arith.cmpf ogt, %get3A_1500, %select_n3A_1493 : vector<16xf32>
      %select_n3A_1502 = arith.select %gt3A_1501, %get3A_1500, %select_n3A_1493 : vector<16xi1>, vector<16xf32>
      %broadcast_in_dim3A_1503 = arith.constant 16 : i32
      %broadcast_in_dim3A_1504 = vector.broadcast %broadcast_in_dim3A_1503 : i32 to vector<16xi32>
      %select_n3A_1505 = arith.select %gt3A_1501, %broadcast_in_dim3A_1504, %select_n3A_1496 : vector<16xi1>, vector<16xi32>
      %get3A_1506 = arith.constant 17 : i32
      %get3A_1507 = arith.index_cast %get3A_1506 : i32 to index
      %get3A_1508 = arith.constant 48 : index
      %get3A_1509 = tpu.vector_load %arg6[%get3A_1507, %get3A_1508] {strides = array<i32>} : memref<21x128xf32, #tpu.memory_space<vmem>>, vector<16xf32>,
      %gt3A_1510 = arith.cmpf ogt, %get3A_1509, %select_n3A_1502 : vector<16xf32>
      %select_n3A_1511 = arith.select %gt3A_1510, %get3A_1509, %select_n3A_1502 : vector<16xi1>, vector<16xf32>
      %broadcast_in_dim3A_1512 = arith.constant 17 : i32
      %broadcast_in_dim3A_1513 = vector.broadcast %broadcast_in_dim3A_1512 : i32 to vector<16xi32>
      %select_n3A_1514 = arith.select %gt3A_1510, %broadcast_in_dim3A_1513, %select_n3A_1505 : vector<16xi1>, vector<16xi32>
      %get3A_1515 = arith.constant 18 : i32
      %get3A_1516 = arith.index_cast %get3A_1515 : i32 to index
      %get3A_1517 = arith.constant 48 : index
      %get3A_1518 = tpu.vector_load %arg6[%get3A_1516, %get3A_1517] {strides = array<i32>} : memref<21x128xf32, #tpu.memory_space<vmem>>, vector<16xf32>,
      %gt3A_1519 = arith.cmpf ogt, %get3A_1518, %select_n3A_1511 : vector<16xf32>
      %select_n3A_1520 = arith.select %gt3A_1519, %get3A_1518, %select_n3A_1511 : vector<16xi1>, vector<16xf32>
      %broadcast_in_dim3A_1521 = arith.constant 18 : i32
      %broadcast_in_dim3A_1522 = vector.broadcast %broadcast_in_dim3A_1521 : i32 to vector<16xi32>
      %select_n3A_1523 = arith.select %gt3A_1519, %broadcast_in_dim3A_1522, %select_n3A_1514 : vector<16xi1>, vector<16xi32>
      %get3A_1524 = arith.constant 19 : i32
      %get3A_1525 = arith.index_cast %get3A_1524 : i32 to index
      %get3A_1526 = arith.constant 48 : index
      %get3A_1527 = tpu.vector_load %arg6[%get3A_1525, %get3A_1526] {strides = array<i32>} : memref<21x128xf32, #tpu.memory_space<vmem>>, vector<16xf32>,
      %gt3A_1528 = arith.cmpf ogt, %get3A_1527, %select_n3A_1520 : vector<16xf32>
      %select_n3A_1529 = arith.select %gt3A_1528, %get3A_1527, %select_n3A_1520 : vector<16xi1>, vector<16xf32>
      %broadcast_in_dim3A_1530 = arith.constant 19 : i32
      %broadcast_in_dim3A_1531 = vector.broadcast %broadcast_in_dim3A_1530 : i32 to vector<16xi32>
      %select_n3A_1532 = arith.select %gt3A_1528, %broadcast_in_dim3A_1531, %select_n3A_1523 : vector<16xi1>, vector<16xi32>
      %get3A_1533 = arith.constant 20 : i32
      %get3A_1534 = arith.index_cast %get3A_1533 : i32 to index
      %get3A_1535 = arith.constant 48 : index
      %get3A_1536 = tpu.vector_load %arg6[%get3A_1534, %get3A_1535] {strides = array<i32>} : memref<21x128xf32, #tpu.memory_space<vmem>>, vector<16xf32>,
      %gt3A_1537 = arith.cmpf ogt, %get3A_1536, %select_n3A_1529 : vector<16xf32>
      %select_n3A_1538 = arith.select %gt3A_1537, %get3A_1536, %select_n3A_1529 : vector<16xi1>, vector<16xf32>
      %broadcast_in_dim3A_1539 = arith.constant 20 : i32
      %broadcast_in_dim3A_1540 = vector.broadcast %broadcast_in_dim3A_1539 : i32 to vector<16xi32>
      %select_n3A_1541 = arith.select %gt3A_1537, %broadcast_in_dim3A_1540, %select_n3A_1532 : vector<16xi1>, vector<16xi32>
      %swap3A_1542 = arith.constant 48 : index
      %swap3A_1543 = tpu.vector_load %arg7[%swap3A_1542] {strides = array<i32>} : memref<128xi32, #tpu.memory_space<vmem>>, vector<16xi32>,
      tpu.vector_store %arg7[%swap3A_1542], %select_n3A_1541 {strides = array<i32>} : memref<128xi32, #tpu.memory_space<vmem>>, vector<16xi32>,
      %get3A_1544 = arith.constant 0 : i32
      %get3A_1545 = arith.index_cast %get3A_1544 : i32 to index
      %get3A_1546 = arith.constant 64 : index
      %get3A_1547 = tpu.vector_load %arg6[%get3A_1545, %get3A_1546] {strides = array<i32>} : memref<21x128xf32, #tpu.memory_space<vmem>>, vector<16xf32>,
      %broadcast_in_dim3A_1548 = arith.constant 0 : i32
      %broadcast_in_dim3A_1549 = vector.broadcast %broadcast_in_dim3A_1548 : i32 to vector<16xi32>
      %get3A_1550 = arith.constant 1 : i32
      %get3A_1551 = arith.index_cast %get3A_1550 : i32 to index
      %get3A_1552 = arith.constant 64 : index
      %get3A_1553 = tpu.vector_load %arg6[%get3A_1551, %get3A_1552] {strides = array<i32>} : memref<21x128xf32, #tpu.memory_space<vmem>>, vector<16xf32>,
      %gt3A_1554 = arith.cmpf ogt, %get3A_1553, %get3A_1547 : vector<16xf32>
      %select_n3A_1555 = arith.select %gt3A_1554, %get3A_1553, %get3A_1547 : vector<16xi1>, vector<16xf32>
      %broadcast_in_dim3A_1556 = arith.constant 1 : i32
      %broadcast_in_dim3A_1557 = vector.broadcast %broadcast_in_dim3A_1556 : i32 to vector<16xi32>
      %select_n3A_1558 = arith.select %gt3A_1554, %broadcast_in_dim3A_1557, %broadcast_in_dim3A_1549 : vector<16xi1>, vector<16xi32>
      %get3A_1559 = arith.constant 2 : i32
      %get3A_1560 = arith.index_cast %get3A_1559 : i32 to index
      %get3A_1561 = arith.constant 64 : index
      %get3A_1562 = tpu.vector_load %arg6[%get3A_1560, %get3A_1561] {strides = array<i32>} : memref<21x128xf32, #tpu.memory_space<vmem>>, vector<16xf32>,
      %gt3A_1563 = arith.cmpf ogt, %get3A_1562, %select_n3A_1555 : vector<16xf32>
      %select_n3A_1564 = arith.select %gt3A_1563, %get3A_1562, %select_n3A_1555 : vector<16xi1>, vector<16xf32>
      %broadcast_in_dim3A_1565 = arith.constant 2 : i32
      %broadcast_in_dim3A_1566 = vector.broadcast %broadcast_in_dim3A_1565 : i32 to vector<16xi32>
      %select_n3A_1567 = arith.select %gt3A_1563, %broadcast_in_dim3A_1566, %select_n3A_1558 : vector<16xi1>, vector<16xi32>
      %get3A_1568 = arith.constant 3 : i32
      %get3A_1569 = arith.index_cast %get3A_1568 : i32 to index
      %get3A_1570 = arith.constant 64 : index
      %get3A_1571 = tpu.vector_load %arg6[%get3A_1569, %get3A_1570] {strides = array<i32>} : memref<21x128xf32, #tpu.memory_space<vmem>>, vector<16xf32>,
      %gt3A_1572 = arith.cmpf ogt, %get3A_1571, %select_n3A_1564 : vector<16xf32>
      %select_n3A_1573 = arith.select %gt3A_1572, %get3A_1571, %select_n3A_1564 : vector<16xi1>, vector<16xf32>
      %broadcast_in_dim3A_1574 = arith.constant 3 : i32
      %broadcast_in_dim3A_1575 = vector.broadcast %broadcast_in_dim3A_1574 : i32 to vector<16xi32>
      %select_n3A_1576 = arith.select %gt3A_1572, %broadcast_in_dim3A_1575, %select_n3A_1567 : vector<16xi1>, vector<16xi32>
      %get3A_1577 = arith.constant 4 : i32
      %get3A_1578 = arith.index_cast %get3A_1577 : i32 to index
      %get3A_1579 = arith.constant 64 : index
      %get3A_1580 = tpu.vector_load %arg6[%get3A_1578, %get3A_1579] {strides = array<i32>} : memref<21x128xf32, #tpu.memory_space<vmem>>, vector<16xf32>,
      %gt3A_1581 = arith.cmpf ogt, %get3A_1580, %select_n3A_1573 : vector<16xf32>
      %select_n3A_1582 = arith.select %gt3A_1581, %get3A_1580, %select_n3A_1573 : vector<16xi1>, vector<16xf32>
      %broadcast_in_dim3A_1583 = arith.constant 4 : i32
      %broadcast_in_dim3A_1584 = vector.broadcast %broadcast_in_dim3A_1583 : i32 to vector<16xi32>
      %select_n3A_1585 = arith.select %gt3A_1581, %broadcast_in_dim3A_1584, %select_n3A_1576 : vector<16xi1>, vector<16xi32>
      %get3A_1586 = arith.constant 5 : i32
      %get3A_1587 = arith.index_cast %get3A_1586 : i32 to index
      %get3A_1588 = arith.constant 64 : index
      %get3A_1589 = tpu.vector_load %arg6[%get3A_1587, %get3A_1588] {strides = array<i32>} : memref<21x128xf32, #tpu.memory_space<vmem>>, vector<16xf32>,
      %gt3A_1590 = arith.cmpf ogt, %get3A_1589, %select_n3A_1582 : vector<16xf32>
      %select_n3A_1591 = arith.select %gt3A_1590, %get3A_1589, %select_n3A_1582 : vector<16xi1>, vector<16xf32>
      %broadcast_in_dim3A_1592 = arith.constant 5 : i32
      %broadcast_in_dim3A_1593 = vector.broadcast %broadcast_in_dim3A_1592 : i32 to vector<16xi32>
      %select_n3A_1594 = arith.select %gt3A_1590, %broadcast_in_dim3A_1593, %select_n3A_1585 : vector<16xi1>, vector<16xi32>
      %get3A_1595 = arith.constant 6 : i32
      %get3A_1596 = arith.index_cast %get3A_1595 : i32 to index
      %get3A_1597 = arith.constant 64 : index
      %get3A_1598 = tpu.vector_load %arg6[%get3A_1596, %get3A_1597] {strides = array<i32>} : memref<21x128xf32, #tpu.memory_space<vmem>>, vector<16xf32>,
      %gt3A_1599 = arith.cmpf ogt, %get3A_1598, %select_n3A_1591 : vector<16xf32>
      %select_n3A_1600 = arith.select %gt3A_1599, %get3A_1598, %select_n3A_1591 : vector<16xi1>, vector<16xf32>
      %broadcast_in_dim3A_1601 = arith.constant 6 : i32
      %broadcast_in_dim3A_1602 = vector.broadcast %broadcast_in_dim3A_1601 : i32 to vector<16xi32>
      %select_n3A_1603 = arith.select %gt3A_1599, %broadcast_in_dim3A_1602, %select_n3A_1594 : vector<16xi1>, vector<16xi32>
      %get3A_1604 = arith.constant 7 : i32
      %get3A_1605 = arith.index_cast %get3A_1604 : i32 to index
      %get3A_1606 = arith.constant 64 : index
      %get3A_1607 = tpu.vector_load %arg6[%get3A_1605, %get3A_1606] {strides = array<i32>} : memref<21x128xf32, #tpu.memory_space<vmem>>, vector<16xf32>,
      %gt3A_1608 = arith.cmpf ogt, %get3A_1607, %select_n3A_1600 : vector<16xf32>
      %select_n3A_1609 = arith.select %gt3A_1608, %get3A_1607, %select_n3A_1600 : vector<16xi1>, vector<16xf32>
      %broadcast_in_dim3A_1610 = arith.constant 7 : i32
      %broadcast_in_dim3A_1611 = vector.broadcast %broadcast_in_dim3A_1610 : i32 to vector<16xi32>
      %select_n3A_1612 = arith.select %gt3A_1608, %broadcast_in_dim3A_1611, %select_n3A_1603 : vector<16xi1>, vector<16xi32>
      %get3A_1613 = arith.constant 8 : i32
      %get3A_1614 = arith.index_cast %get3A_1613 : i32 to index
      %get3A_1615 = arith.constant 64 : index
      %get3A_1616 = tpu.vector_load %arg6[%get3A_1614, %get3A_1615] {strides = array<i32>} : memref<21x128xf32, #tpu.memory_space<vmem>>, vector<16xf32>,
      %gt3A_1617 = arith.cmpf ogt, %get3A_1616, %select_n3A_1609 : vector<16xf32>
      %select_n3A_1618 = arith.select %gt3A_1617, %get3A_1616, %select_n3A_1609 : vector<16xi1>, vector<16xf32>
      %broadcast_in_dim3A_1619 = arith.constant 8 : i32
      %broadcast_in_dim3A_1620 = vector.broadcast %broadcast_in_dim3A_1619 : i32 to vector<16xi32>
      %select_n3A_1621 = arith.select %gt3A_1617, %broadcast_in_dim3A_1620, %select_n3A_1612 : vector<16xi1>, vector<16xi32>
      %get3A_1622 = arith.constant 9 : i32
      %get3A_1623 = arith.index_cast %get3A_1622 : i32 to index
      %get3A_1624 = arith.constant 64 : index
      %get3A_1625 = tpu.vector_load %arg6[%get3A_1623, %get3A_1624] {strides = array<i32>} : memref<21x128xf32, #tpu.memory_space<vmem>>, vector<16xf32>,
      %gt3A_1626 = arith.cmpf ogt, %get3A_1625, %select_n3A_1618 : vector<16xf32>
      %select_n3A_1627 = arith.select %gt3A_1626, %get3A_1625, %select_n3A_1618 : vector<16xi1>, vector<16xf32>
      %broadcast_in_dim3A_1628 = arith.constant 9 : i32
      %broadcast_in_dim3A_1629 = vector.broadcast %broadcast_in_dim3A_1628 : i32 to vector<16xi32>
      %select_n3A_1630 = arith.select %gt3A_1626, %broadcast_in_dim3A_1629, %select_n3A_1621 : vector<16xi1>, vector<16xi32>
      %get3A_1631 = arith.constant 10 : i32
      %get3A_1632 = arith.index_cast %get3A_1631 : i32 to index
      %get3A_1633 = arith.constant 64 : index
      %get3A_1634 = tpu.vector_load %arg6[%get3A_1632, %get3A_1633] {strides = array<i32>} : memref<21x128xf32, #tpu.memory_space<vmem>>, vector<16xf32>,
      %gt3A_1635 = arith.cmpf ogt, %get3A_1634, %select_n3A_1627 : vector<16xf32>
      %select_n3A_1636 = arith.select %gt3A_1635, %get3A_1634, %select_n3A_1627 : vector<16xi1>, vector<16xf32>
      %broadcast_in_dim3A_1637 = arith.constant 10 : i32
      %broadcast_in_dim3A_1638 = vector.broadcast %broadcast_in_dim3A_1637 : i32 to vector<16xi32>
      %select_n3A_1639 = arith.select %gt3A_1635, %broadcast_in_dim3A_1638, %select_n3A_1630 : vector<16xi1>, vector<16xi32>
      %get3A_1640 = arith.constant 11 : i32
      %get3A_1641 = arith.index_cast %get3A_1640 : i32 to index
      %get3A_1642 = arith.constant 64 : index
      %get3A_1643 = tpu.vector_load %arg6[%get3A_1641, %get3A_1642] {strides = array<i32>} : memref<21x128xf32, #tpu.memory_space<vmem>>, vector<16xf32>,
      %gt3A_1644 = arith.cmpf ogt, %get3A_1643, %select_n3A_1636 : vector<16xf32>
      %select_n3A_1645 = arith.select %gt3A_1644, %get3A_1643, %select_n3A_1636 : vector<16xi1>, vector<16xf32>
      %broadcast_in_dim3A_1646 = arith.constant 11 : i32
      %broadcast_in_dim3A_1647 = vector.broadcast %broadcast_in_dim3A_1646 : i32 to vector<16xi32>
      %select_n3A_1648 = arith.select %gt3A_1644, %broadcast_in_dim3A_1647, %select_n3A_1639 : vector<16xi1>, vector<16xi32>
      %get3A_1649 = arith.constant 12 : i32
      %get3A_1650 = arith.index_cast %get3A_1649 : i32 to index
      %get3A_1651 = arith.constant 64 : index
      %get3A_1652 = tpu.vector_load %arg6[%get3A_1650, %get3A_1651] {strides = array<i32>} : memref<21x128xf32, #tpu.memory_space<vmem>>, vector<16xf32>,
      %gt3A_1653 = arith.cmpf ogt, %get3A_1652, %select_n3A_1645 : vector<16xf32>
      %select_n3A_1654 = arith.select %gt3A_1653, %get3A_1652, %select_n3A_1645 : vector<16xi1>, vector<16xf32>
      %broadcast_in_dim3A_1655 = arith.constant 12 : i32
      %broadcast_in_dim3A_1656 = vector.broadcast %broadcast_in_dim3A_1655 : i32 to vector<16xi32>
      %select_n3A_1657 = arith.select %gt3A_1653, %broadcast_in_dim3A_1656, %select_n3A_1648 : vector<16xi1>, vector<16xi32>
      %get3A_1658 = arith.constant 13 : i32
      %get3A_1659 = arith.index_cast %get3A_1658 : i32 to index
      %get3A_1660 = arith.constant 64 : index
      %get3A_1661 = tpu.vector_load %arg6[%get3A_1659, %get3A_1660] {strides = array<i32>} : memref<21x128xf32, #tpu.memory_space<vmem>>, vector<16xf32>,
      %gt3A_1662 = arith.cmpf ogt, %get3A_1661, %select_n3A_1654 : vector<16xf32>
      %select_n3A_1663 = arith.select %gt3A_1662, %get3A_1661, %select_n3A_1654 : vector<16xi1>, vector<16xf32>
      %broadcast_in_dim3A_1664 = arith.constant 13 : i32
      %broadcast_in_dim3A_1665 = vector.broadcast %broadcast_in_dim3A_1664 : i32 to vector<16xi32>
      %select_n3A_1666 = arith.select %gt3A_1662, %broadcast_in_dim3A_1665, %select_n3A_1657 : vector<16xi1>, vector<16xi32>
      %get3A_1667 = arith.constant 14 : i32
      %get3A_1668 = arith.index_cast %get3A_1667 : i32 to index
      %get3A_1669 = arith.constant 64 : index
      %get3A_1670 = tpu.vector_load %arg6[%get3A_1668, %get3A_1669] {strides = array<i32>} : memref<21x128xf32, #tpu.memory_space<vmem>>, vector<16xf32>,
      %gt3A_1671 = arith.cmpf ogt, %get3A_1670, %select_n3A_1663 : vector<16xf32>
      %select_n3A_1672 = arith.select %gt3A_1671, %get3A_1670, %select_n3A_1663 : vector<16xi1>, vector<16xf32>
      %broadcast_in_dim3A_1673 = arith.constant 14 : i32
      %broadcast_in_dim3A_1674 = vector.broadcast %broadcast_in_dim3A_1673 : i32 to vector<16xi32>
      %select_n3A_1675 = arith.select %gt3A_1671, %broadcast_in_dim3A_1674, %select_n3A_1666 : vector<16xi1>, vector<16xi32>
      %get3A_1676 = arith.constant 15 : i32
      %get3A_1677 = arith.index_cast %get3A_1676 : i32 to index
      %get3A_1678 = arith.constant 64 : index
      %get3A_1679 = tpu.vector_load %arg6[%get3A_1677, %get3A_1678] {strides = array<i32>} : memref<21x128xf32, #tpu.memory_space<vmem>>, vector<16xf32>,
      %gt3A_1680 = arith.cmpf ogt, %get3A_1679, %select_n3A_1672 : vector<16xf32>
      %select_n3A_1681 = arith.select %gt3A_1680, %get3A_1679, %select_n3A_1672 : vector<16xi1>, vector<16xf32>
      %broadcast_in_dim3A_1682 = arith.constant 15 : i32
      %broadcast_in_dim3A_1683 = vector.broadcast %broadcast_in_dim3A_1682 : i32 to vector<16xi32>
      %select_n3A_1684 = arith.select %gt3A_1680, %broadcast_in_dim3A_1683, %select_n3A_1675 : vector<16xi1>, vector<16xi32>
      %get3A_1685 = arith.constant 16 : i32
      %get3A_1686 = arith.index_cast %get3A_1685 : i32 to index
      %get3A_1687 = arith.constant 64 : index
      %get3A_1688 = tpu.vector_load %arg6[%get3A_1686, %get3A_1687] {strides = array<i32>} : memref<21x128xf32, #tpu.memory_space<vmem>>, vector<16xf32>,
      %gt3A_1689 = arith.cmpf ogt, %get3A_1688, %select_n3A_1681 : vector<16xf32>
      %select_n3A_1690 = arith.select %gt3A_1689, %get3A_1688, %select_n3A_1681 : vector<16xi1>, vector<16xf32>
      %broadcast_in_dim3A_1691 = arith.constant 16 : i32
      %broadcast_in_dim3A_1692 = vector.broadcast %broadcast_in_dim3A_1691 : i32 to vector<16xi32>
      %select_n3A_1693 = arith.select %gt3A_1689, %broadcast_in_dim3A_1692, %select_n3A_1684 : vector<16xi1>, vector<16xi32>
      %get3A_1694 = arith.constant 17 : i32
      %get3A_1695 = arith.index_cast %get3A_1694 : i32 to index
      %get3A_1696 = arith.constant 64 : index
      %get3A_1697 = tpu.vector_load %arg6[%get3A_1695, %get3A_1696] {strides = array<i32>} : memref<21x128xf32, #tpu.memory_space<vmem>>, vector<16xf32>,
      %gt3A_1698 = arith.cmpf ogt, %get3A_1697, %select_n3A_1690 : vector<16xf32>
      %select_n3A_1699 = arith.select %gt3A_1698, %get3A_1697, %select_n3A_1690 : vector<16xi1>, vector<16xf32>
      %broadcast_in_dim3A_1700 = arith.constant 17 : i32
      %broadcast_in_dim3A_1701 = vector.broadcast %broadcast_in_dim3A_1700 : i32 to vector<16xi32>
      %select_n3A_1702 = arith.select %gt3A_1698, %broadcast_in_dim3A_1701, %select_n3A_1693 : vector<16xi1>, vector<16xi32>
      %get3A_1703 = arith.constant 18 : i32
      %get3A_1704 = arith.index_cast %get3A_1703 : i32 to index
      %get3A_1705 = arith.constant 64 : index
      %get3A_1706 = tpu.vector_load %arg6[%get3A_1704, %get3A_1705] {strides = array<i32>} : memref<21x128xf32, #tpu.memory_space<vmem>>, vector<16xf32>,
      %gt3A_1707 = arith.cmpf ogt, %get3A_1706, %select_n3A_1699 : vector<16xf32>
      %select_n3A_1708 = arith.select %gt3A_1707, %get3A_1706, %select_n3A_1699 : vector<16xi1>, vector<16xf32>
      %broadcast_in_dim3A_1709 = arith.constant 18 : i32
      %broadcast_in_dim3A_1710 = vector.broadcast %broadcast_in_dim3A_1709 : i32 to vector<16xi32>
      %select_n3A_1711 = arith.select %gt3A_1707, %broadcast_in_dim3A_1710, %select_n3A_1702 : vector<16xi1>, vector<16xi32>
      %get3A_1712 = arith.constant 19 : i32
      %get3A_1713 = arith.index_cast %get3A_1712 : i32 to index
      %get3A_1714 = arith.constant 64 : index
      %get3A_1715 = tpu.vector_load %arg6[%get3A_1713, %get3A_1714] {strides = array<i32>} : memref<21x128xf32, #tpu.memory_space<vmem>>, vector<16xf32>,
      %gt3A_1716 = arith.cmpf ogt, %get3A_1715, %select_n3A_1708 : vector<16xf32>
      %select_n3A_1717 = arith.select %gt3A_1716, %get3A_1715, %select_n3A_1708 : vector<16xi1>, vector<16xf32>
      %broadcast_in_dim3A_1718 = arith.constant 19 : i32
      %broadcast_in_dim3A_1719 = vector.broadcast %broadcast_in_dim3A_1718 : i32 to vector<16xi32>
      %select_n3A_1720 = arith.select %gt3A_1716, %broadcast_in_dim3A_1719, %select_n3A_1711 : vector<16xi1>, vector<16xi32>
      %get3A_1721 = arith.constant 20 : i32
      %get3A_1722 = arith.index_cast %get3A_1721 : i32 to index
      %get3A_1723 = arith.constant 64 : index
      %get3A_1724 = tpu.vector_load %arg6[%get3A_1722, %get3A_1723] {strides = array<i32>} : memref<21x128xf32, #tpu.memory_space<vmem>>, vector<16xf32>,
      %gt3A_1725 = arith.cmpf ogt, %get3A_1724, %select_n3A_1717 : vector<16xf32>
      %select_n3A_1726 = arith.select %gt3A_1725, %get3A_1724, %select_n3A_1717 : vector<16xi1>, vector<16xf32>
      %broadcast_in_dim3A_1727 = arith.constant 20 : i32
      %broadcast_in_dim3A_1728 = vector.broadcast %broadcast_in_dim3A_1727 : i32 to vector<16xi32>
      %select_n3A_1729 = arith.select %gt3A_1725, %broadcast_in_dim3A_1728, %select_n3A_1720 : vector<16xi1>, vector<16xi32>
      %swap3A_1730 = arith.constant 64 : index
      %swap3A_1731 = tpu.vector_load %arg7[%swap3A_1730] {strides = array<i32>} : memref<128xi32, #tpu.memory_space<vmem>>, vector<16xi32>,
      tpu.vector_store %arg7[%swap3A_1730], %select_n3A_1729 {strides = array<i32>} : memref<128xi32, #tpu.memory_space<vmem>>, vector<16xi32>,
      %get3A_1732 = arith.constant 0 : i32
      %get3A_1733 = arith.index_cast %get3A_1732 : i32 to index
      %get3A_1734 = arith.constant 80 : index
      %get3A_1735 = tpu.vector_load %arg6[%get3A_1733, %get3A_1734] {strides = array<i32>} : memref<21x128xf32, #tpu.memory_space<vmem>>, vector<16xf32>,
      %broadcast_in_dim3A_1736 = arith.constant 0 : i32
      %broadcast_in_dim3A_1737 = vector.broadcast %broadcast_in_dim3A_1736 : i32 to vector<16xi32>
      %get3A_1738 = arith.constant 1 : i32
      %get3A_1739 = arith.index_cast %get3A_1738 : i32 to index
      %get3A_1740 = arith.constant 80 : index
      %get3A_1741 = tpu.vector_load %arg6[%get3A_1739, %get3A_1740] {strides = array<i32>} : memref<21x128xf32, #tpu.memory_space<vmem>>, vector<16xf32>,
      %gt3A_1742 = arith.cmpf ogt, %get3A_1741, %get3A_1735 : vector<16xf32>
      %select_n3A_1743 = arith.select %gt3A_1742, %get3A_1741, %get3A_1735 : vector<16xi1>, vector<16xf32>
      %broadcast_in_dim3A_1744 = arith.constant 1 : i32
      %broadcast_in_dim3A_1745 = vector.broadcast %broadcast_in_dim3A_1744 : i32 to vector<16xi32>
      %select_n3A_1746 = arith.select %gt3A_1742, %broadcast_in_dim3A_1745, %broadcast_in_dim3A_1737 : vector<16xi1>, vector<16xi32>
      %get3A_1747 = arith.constant 2 : i32
      %get3A_1748 = arith.index_cast %get3A_1747 : i32 to index
      %get3A_1749 = arith.constant 80 : index
      %get3A_1750 = tpu.vector_load %arg6[%get3A_1748, %get3A_1749] {strides = array<i32>} : memref<21x128xf32, #tpu.memory_space<vmem>>, vector<16xf32>,
      %gt3A_1751 = arith.cmpf ogt, %get3A_1750, %select_n3A_1743 : vector<16xf32>
      %select_n3A_1752 = arith.select %gt3A_1751, %get3A_1750, %select_n3A_1743 : vector<16xi1>, vector<16xf32>
      %broadcast_in_dim3A_1753 = arith.constant 2 : i32
      %broadcast_in_dim3A_1754 = vector.broadcast %broadcast_in_dim3A_1753 : i32 to vector<16xi32>
      %select_n3A_1755 = arith.select %gt3A_1751, %broadcast_in_dim3A_1754, %select_n3A_1746 : vector<16xi1>, vector<16xi32>
      %get3A_1756 = arith.constant 3 : i32
      %get3A_1757 = arith.index_cast %get3A_1756 : i32 to index
      %get3A_1758 = arith.constant 80 : index
      %get3A_1759 = tpu.vector_load %arg6[%get3A_1757, %get3A_1758] {strides = array<i32>} : memref<21x128xf32, #tpu.memory_space<vmem>>, vector<16xf32>,
      %gt3A_1760 = arith.cmpf ogt, %get3A_1759, %select_n3A_1752 : vector<16xf32>
      %select_n3A_1761 = arith.select %gt3A_1760, %get3A_1759, %select_n3A_1752 : vector<16xi1>, vector<16xf32>
      %broadcast_in_dim3A_1762 = arith.constant 3 : i32
      %broadcast_in_dim3A_1763 = vector.broadcast %broadcast_in_dim3A_1762 : i32 to vector<16xi32>
      %select_n3A_1764 = arith.select %gt3A_1760, %broadcast_in_dim3A_1763, %select_n3A_1755 : vector<16xi1>, vector<16xi32>
      %get3A_1765 = arith.constant 4 : i32
      %get3A_1766 = arith.index_cast %get3A_1765 : i32 to index
      %get3A_1767 = arith.constant 80 : index
      %get3A_1768 = tpu.vector_load %arg6[%get3A_1766, %get3A_1767] {strides = array<i32>} : memref<21x128xf32, #tpu.memory_space<vmem>>, vector<16xf32>,
      %gt3A_1769 = arith.cmpf ogt, %get3A_1768, %select_n3A_1761 : vector<16xf32>
      %select_n3A_1770 = arith.select %gt3A_1769, %get3A_1768, %select_n3A_1761 : vector<16xi1>, vector<16xf32>
      %broadcast_in_dim3A_1771 = arith.constant 4 : i32
      %broadcast_in_dim3A_1772 = vector.broadcast %broadcast_in_dim3A_1771 : i32 to vector<16xi32>
      %select_n3A_1773 = arith.select %gt3A_1769, %broadcast_in_dim3A_1772, %select_n3A_1764 : vector<16xi1>, vector<16xi32>
      %get3A_1774 = arith.constant 5 : i32
      %get3A_1775 = arith.index_cast %get3A_1774 : i32 to index
      %get3A_1776 = arith.constant 80 : index
      %get3A_1777 = tpu.vector_load %arg6[%get3A_1775, %get3A_1776] {strides = array<i32>} : memref<21x128xf32, #tpu.memory_space<vmem>>, vector<16xf32>,
      %gt3A_1778 = arith.cmpf ogt, %get3A_1777, %select_n3A_1770 : vector<16xf32>
      %select_n3A_1779 = arith.select %gt3A_1778, %get3A_1777, %select_n3A_1770 : vector<16xi1>, vector<16xf32>
      %broadcast_in_dim3A_1780 = arith.constant 5 : i32
      %broadcast_in_dim3A_1781 = vector.broadcast %broadcast_in_dim3A_1780 : i32 to vector<16xi32>
      %select_n3A_1782 = arith.select %gt3A_1778, %broadcast_in_dim3A_1781, %select_n3A_1773 : vector<16xi1>, vector<16xi32>
      %get3A_1783 = arith.constant 6 : i32
      %get3A_1784 = arith.index_cast %get3A_1783 : i32 to index
      %get3A_1785 = arith.constant 80 : index
      %get3A_1786 = tpu.vector_load %arg6[%get3A_1784, %get3A_1785] {strides = array<i32>} : memref<21x128xf32, #tpu.memory_space<vmem>>, vector<16xf32>,
      %gt3A_1787 = arith.cmpf ogt, %get3A_1786, %select_n3A_1779 : vector<16xf32>
      %select_n3A_1788 = arith.select %gt3A_1787, %get3A_1786, %select_n3A_1779 : vector<16xi1>, vector<16xf32>
      %broadcast_in_dim3A_1789 = arith.constant 6 : i32
      %broadcast_in_dim3A_1790 = vector.broadcast %broadcast_in_dim3A_1789 : i32 to vector<16xi32>
      %select_n3A_1791 = arith.select %gt3A_1787, %broadcast_in_dim3A_1790, %select_n3A_1782 : vector<16xi1>, vector<16xi32>
      %get3A_1792 = arith.constant 7 : i32
      %get3A_1793 = arith.index_cast %get3A_1792 : i32 to index
      %get3A_1794 = arith.constant 80 : index
      %get3A_1795 = tpu.vector_load %arg6[%get3A_1793, %get3A_1794] {strides = array<i32>} : memref<21x128xf32, #tpu.memory_space<vmem>>, vector<16xf32>,
      %gt3A_1796 = arith.cmpf ogt, %get3A_1795, %select_n3A_1788 : vector<16xf32>
      %select_n3A_1797 = arith.select %gt3A_1796, %get3A_1795, %select_n3A_1788 : vector<16xi1>, vector<16xf32>
      %broadcast_in_dim3A_1798 = arith.constant 7 : i32
      %broadcast_in_dim3A_1799 = vector.broadcast %broadcast_in_dim3A_1798 : i32 to vector<16xi32>
      %select_n3A_1800 = arith.select %gt3A_1796, %broadcast_in_dim3A_1799, %select_n3A_1791 : vector<16xi1>, vector<16xi32>
      %get3A_1801 = arith.constant 8 : i32
      %get3A_1802 = arith.index_cast %get3A_1801 : i32 to index
      %get3A_1803 = arith.constant 80 : index
      %get3A_1804 = tpu.vector_load %arg6[%get3A_1802, %get3A_1803] {strides = array<i32>} : memref<21x128xf32, #tpu.memory_space<vmem>>, vector<16xf32>,
      %gt3A_1805 = arith.cmpf ogt, %get3A_1804, %select_n3A_1797 : vector<16xf32>
      %select_n3A_1806 = arith.select %gt3A_1805, %get3A_1804, %select_n3A_1797 : vector<16xi1>, vector<16xf32>
      %broadcast_in_dim3A_1807 = arith.constant 8 : i32
      %broadcast_in_dim3A_1808 = vector.broadcast %broadcast_in_dim3A_1807 : i32 to vector<16xi32>
      %select_n3A_1809 = arith.select %gt3A_1805, %broadcast_in_dim3A_1808, %select_n3A_1800 : vector<16xi1>, vector<16xi32>
      %get3A_1810 = arith.constant 9 : i32
      %get3A_1811 = arith.index_cast %get3A_1810 : i32 to index
      %get3A_1812 = arith.constant 80 : index
      %get3A_1813 = tpu.vector_load %arg6[%get3A_1811, %get3A_1812] {strides = array<i32>} : memref<21x128xf32, #tpu.memory_space<vmem>>, vector<16xf32>,
      %gt3A_1814 = arith.cmpf ogt, %get3A_1813, %select_n3A_1806 : vector<16xf32>
      %select_n3A_1815 = arith.select %gt3A_1814, %get3A_1813, %select_n3A_1806 : vector<16xi1>, vector<16xf32>
      %broadcast_in_dim3A_1816 = arith.constant 9 : i32
      %broadcast_in_dim3A_1817 = vector.broadcast %broadcast_in_dim3A_1816 : i32 to vector<16xi32>
      %select_n3A_1818 = arith.select %gt3A_1814, %broadcast_in_dim3A_1817, %select_n3A_1809 : vector<16xi1>, vector<16xi32>
      %get3A_1819 = arith.constant 10 : i32
      %get3A_1820 = arith.index_cast %get3A_1819 : i32 to index
      %get3A_1821 = arith.constant 80 : index
      %get3A_1822 = tpu.vector_load %arg6[%get3A_1820, %get3A_1821] {strides = array<i32>} : memref<21x128xf32, #tpu.memory_space<vmem>>, vector<16xf32>,
      %gt3A_1823 = arith.cmpf ogt, %get3A_1822, %select_n3A_1815 : vector<16xf32>
      %select_n3A_1824 = arith.select %gt3A_1823, %get3A_1822, %select_n3A_1815 : vector<16xi1>, vector<16xf32>
      %broadcast_in_dim3A_1825 = arith.constant 10 : i32
      %broadcast_in_dim3A_1826 = vector.broadcast %broadcast_in_dim3A_1825 : i32 to vector<16xi32>
      %select_n3A_1827 = arith.select %gt3A_1823, %broadcast_in_dim3A_1826, %select_n3A_1818 : vector<16xi1>, vector<16xi32>
      %get3A_1828 = arith.constant 11 : i32
      %get3A_1829 = arith.index_cast %get3A_1828 : i32 to index
      %get3A_1830 = arith.constant 80 : index
      %get3A_1831 = tpu.vector_load %arg6[%get3A_1829, %get3A_1830] {strides = array<i32>} : memref<21x128xf32, #tpu.memory_space<vmem>>, vector<16xf32>,
      %gt3A_1832 = arith.cmpf ogt, %get3A_1831, %select_n3A_1824 : vector<16xf32>
      %select_n3A_1833 = arith.select %gt3A_1832, %get3A_1831, %select_n3A_1824 : vector<16xi1>, vector<16xf32>
      %broadcast_in_dim3A_1834 = arith.constant 11 : i32
      %broadcast_in_dim3A_1835 = vector.broadcast %broadcast_in_dim3A_1834 : i32 to vector<16xi32>
      %select_n3A_1836 = arith.select %gt3A_1832, %broadcast_in_dim3A_1835, %select_n3A_1827 : vector<16xi1>, vector<16xi32>
      %get3A_1837 = arith.constant 12 : i32
      %get3A_1838 = arith.index_cast %get3A_1837 : i32 to index
      %get3A_1839 = arith.constant 80 : index
      %get3A_1840 = tpu.vector_load %arg6[%get3A_1838, %get3A_1839] {strides = array<i32>} : memref<21x128xf32, #tpu.memory_space<vmem>>, vector<16xf32>,
      %gt3A_1841 = arith.cmpf ogt, %get3A_1840, %select_n3A_1833 : vector<16xf32>
      %select_n3A_1842 = arith.select %gt3A_1841, %get3A_1840, %select_n3A_1833 : vector<16xi1>, vector<16xf32>
      %broadcast_in_dim3A_1843 = arith.constant 12 : i32
      %broadcast_in_dim3A_1844 = vector.broadcast %broadcast_in_dim3A_1843 : i32 to vector<16xi32>
      %select_n3A_1845 = arith.select %gt3A_1841, %broadcast_in_dim3A_1844, %select_n3A_1836 : vector<16xi1>, vector<16xi32>
      %get3A_1846 = arith.constant 13 : i32
      %get3A_1847 = arith.index_cast %get3A_1846 : i32 to index
      %get3A_1848 = arith.constant 80 : index
      %get3A_1849 = tpu.vector_load %arg6[%get3A_1847, %get3A_1848] {strides = array<i32>} : memref<21x128xf32, #tpu.memory_space<vmem>>, vector<16xf32>,
      %gt3A_1850 = arith.cmpf ogt, %get3A_1849, %select_n3A_1842 : vector<16xf32>
      %select_n3A_1851 = arith.select %gt3A_1850, %get3A_1849, %select_n3A_1842 : vector<16xi1>, vector<16xf32>
      %broadcast_in_dim3A_1852 = arith.constant 13 : i32
      %broadcast_in_dim3A_1853 = vector.broadcast %broadcast_in_dim3A_1852 : i32 to vector<16xi32>
      %select_n3A_1854 = arith.select %gt3A_1850, %broadcast_in_dim3A_1853, %select_n3A_1845 : vector<16xi1>, vector<16xi32>
      %get3A_1855 = arith.constant 14 : i32
      %get3A_1856 = arith.index_cast %get3A_1855 : i32 to index
      %get3A_1857 = arith.constant 80 : index
      %get3A_1858 = tpu.vector_load %arg6[%get3A_1856, %get3A_1857] {strides = array<i32>} : memref<21x128xf32, #tpu.memory_space<vmem>>, vector<16xf32>,
      %gt3A_1859 = arith.cmpf ogt, %get3A_1858, %select_n3A_1851 : vector<16xf32>
      %select_n3A_1860 = arith.select %gt3A_1859, %get3A_1858, %select_n3A_1851 : vector<16xi1>, vector<16xf32>
      %broadcast_in_dim3A_1861 = arith.constant 14 : i32
      %broadcast_in_dim3A_1862 = vector.broadcast %broadcast_in_dim3A_1861 : i32 to vector<16xi32>
      %select_n3A_1863 = arith.select %gt3A_1859, %broadcast_in_dim3A_1862, %select_n3A_1854 : vector<16xi1>, vector<16xi32>
      %get3A_1864 = arith.constant 15 : i32
      %get3A_1865 = arith.index_cast %get3A_1864 : i32 to index
      %get3A_1866 = arith.constant 80 : index
      %get3A_1867 = tpu.vector_load %arg6[%get3A_1865, %get3A_1866] {strides = array<i32>} : memref<21x128xf32, #tpu.memory_space<vmem>>, vector<16xf32>,
      %gt3A_1868 = arith.cmpf ogt, %get3A_1867, %select_n3A_1860 : vector<16xf32>
      %select_n3A_1869 = arith.select %gt3A_1868, %get3A_1867, %select_n3A_1860 : vector<16xi1>, vector<16xf32>
      %broadcast_in_dim3A_1870 = arith.constant 15 : i32
      %broadcast_in_dim3A_1871 = vector.broadcast %broadcast_in_dim3A_1870 : i32 to vector<16xi32>
      %select_n3A_1872 = arith.select %gt3A_1868, %broadcast_in_dim3A_1871, %select_n3A_1863 : vector<16xi1>, vector<16xi32>
      %get3A_1873 = arith.constant 16 : i32
      %get3A_1874 = arith.index_cast %get3A_1873 : i32 to index
      %get3A_1875 = arith.constant 80 : index
      %get3A_1876 = tpu.vector_load %arg6[%get3A_1874, %get3A_1875] {strides = array<i32>} : memref<21x128xf32, #tpu.memory_space<vmem>>, vector<16xf32>,
      %gt3A_1877 = arith.cmpf ogt, %get3A_1876, %select_n3A_1869 : vector<16xf32>
      %select_n3A_1878 = arith.select %gt3A_1877, %get3A_1876, %select_n3A_1869 : vector<16xi1>, vector<16xf32>
      %broadcast_in_dim3A_1879 = arith.constant 16 : i32
      %broadcast_in_dim3A_1880 = vector.broadcast %broadcast_in_dim3A_1879 : i32 to vector<16xi32>
      %select_n3A_1881 = arith.select %gt3A_1877, %broadcast_in_dim3A_1880, %select_n3A_1872 : vector<16xi1>, vector<16xi32>
      %get3A_1882 = arith.constant 17 : i32
      %get3A_1883 = arith.index_cast %get3A_1882 : i32 to index
      %get3A_1884 = arith.constant 80 : index
      %get3A_1885 = tpu.vector_load %arg6[%get3A_1883, %get3A_1884] {strides = array<i32>} : memref<21x128xf32, #tpu.memory_space<vmem>>, vector<16xf32>,
      %gt3A_1886 = arith.cmpf ogt, %get3A_1885, %select_n3A_1878 : vector<16xf32>
      %select_n3A_1887 = arith.select %gt3A_1886, %get3A_1885, %select_n3A_1878 : vector<16xi1>, vector<16xf32>
      %broadcast_in_dim3A_1888 = arith.constant 17 : i32
      %broadcast_in_dim3A_1889 = vector.broadcast %broadcast_in_dim3A_1888 : i32 to vector<16xi32>
      %select_n3A_1890 = arith.select %gt3A_1886, %broadcast_in_dim3A_1889, %select_n3A_1881 : vector<16xi1>, vector<16xi32>
      %get3A_1891 = arith.constant 18 : i32
      %get3A_1892 = arith.index_cast %get3A_1891 : i32 to index
      %get3A_1893 = arith.constant 80 : index
      %get3A_1894 = tpu.vector_load %arg6[%get3A_1892, %get3A_1893] {strides = array<i32>} : memref<21x128xf32, #tpu.memory_space<vmem>>, vector<16xf32>,
      %gt3A_1895 = arith.cmpf ogt, %get3A_1894, %select_n3A_1887 : vector<16xf32>
      %select_n3A_1896 = arith.select %gt3A_1895, %get3A_1894, %select_n3A_1887 : vector<16xi1>, vector<16xf32>
      %broadcast_in_dim3A_1897 = arith.constant 18 : i32
      %broadcast_in_dim3A_1898 = vector.broadcast %broadcast_in_dim3A_1897 : i32 to vector<16xi32>
      %select_n3A_1899 = arith.select %gt3A_1895, %broadcast_in_dim3A_1898, %select_n3A_1890 : vector<16xi1>, vector<16xi32>
      %get3A_1900 = arith.constant 19 : i32
      %get3A_1901 = arith.index_cast %get3A_1900 : i32 to index
      %get3A_1902 = arith.constant 80 : index
      %get3A_1903 = tpu.vector_load %arg6[%get3A_1901, %get3A_1902] {strides = array<i32>} : memref<21x128xf32, #tpu.memory_space<vmem>>, vector<16xf32>,
      %gt3A_1904 = arith.cmpf ogt, %get3A_1903, %select_n3A_1896 : vector<16xf32>
      %select_n3A_1905 = arith.select %gt3A_1904, %get3A_1903, %select_n3A_1896 : vector<16xi1>, vector<16xf32>
      %broadcast_in_dim3A_1906 = arith.constant 19 : i32
      %broadcast_in_dim3A_1907 = vector.broadcast %broadcast_in_dim3A_1906 : i32 to vector<16xi32>
      %select_n3A_1908 = arith.select %gt3A_1904, %broadcast_in_dim3A_1907, %select_n3A_1899 : vector<16xi1>, vector<16xi32>
      %get3A_1909 = arith.constant 20 : i32
      %get3A_1910 = arith.index_cast %get3A_1909 : i32 to index
      %get3A_1911 = arith.constant 80 : index
      %get3A_1912 = tpu.vector_load %arg6[%get3A_1910, %get3A_1911] {strides = array<i32>} : memref<21x128xf32, #tpu.memory_space<vmem>>, vector<16xf32>,
      %gt3A_1913 = arith.cmpf ogt, %get3A_1912, %select_n3A_1905 : vector<16xf32>
      %select_n3A_1914 = arith.select %gt3A_1913, %get3A_1912, %select_n3A_1905 : vector<16xi1>, vector<16xf32>
      %broadcast_in_dim3A_1915 = arith.constant 20 : i32
      %broadcast_in_dim3A_1916 = vector.broadcast %broadcast_in_dim3A_1915 : i32 to vector<16xi32>
      %select_n3A_1917 = arith.select %gt3A_1913, %broadcast_in_dim3A_1916, %select_n3A_1908 : vector<16xi1>, vector<16xi32>
      %swap3A_1918 = arith.constant 80 : index
      %swap3A_1919 = tpu.vector_load %arg7[%swap3A_1918] {strides = array<i32>} : memref<128xi32, #tpu.memory_space<vmem>>, vector<16xi32>,
      tpu.vector_store %arg7[%swap3A_1918], %select_n3A_1917 {strides = array<i32>} : memref<128xi32, #tpu.memory_space<vmem>>, vector<16xi32>,
      %get3A_1920 = arith.constant 0 : i32
      %get3A_1921 = arith.index_cast %get3A_1920 : i32 to index
      %get3A_1922 = arith.constant 96 : index
      %get3A_1923 = tpu.vector_load %arg6[%get3A_1921, %get3A_1922] {strides = array<i32>} : memref<21x128xf32, #tpu.memory_space<vmem>>, vector<16xf32>,
      %broadcast_in_dim3A_1924 = arith.constant 0 : i32
      %broadcast_in_dim3A_1925 = vector.broadcast %broadcast_in_dim3A_1924 : i32 to vector<16xi32>
      %get3A_1926 = arith.constant 1 : i32
      %get3A_1927 = arith.index_cast %get3A_1926 : i32 to index
      %get3A_1928 = arith.constant 96 : index
      %get3A_1929 = tpu.vector_load %arg6[%get3A_1927, %get3A_1928] {strides = array<i32>} : memref<21x128xf32, #tpu.memory_space<vmem>>, vector<16xf32>,
      %gt3A_1930 = arith.cmpf ogt, %get3A_1929, %get3A_1923 : vector<16xf32>
      %select_n3A_1931 = arith.select %gt3A_1930, %get3A_1929, %get3A_1923 : vector<16xi1>, vector<16xf32>
      %broadcast_in_dim3A_1932 = arith.constant 1 : i32
      %broadcast_in_dim3A_1933 = vector.broadcast %broadcast_in_dim3A_1932 : i32 to vector<16xi32>
      %select_n3A_1934 = arith.select %gt3A_1930, %broadcast_in_dim3A_1933, %broadcast_in_dim3A_1925 : vector<16xi1>, vector<16xi32>
      %get3A_1935 = arith.constant 2 : i32
      %get3A_1936 = arith.index_cast %get3A_1935 : i32 to index
      %get3A_1937 = arith.constant 96 : index
      %get3A_1938 = tpu.vector_load %arg6[%get3A_1936, %get3A_1937] {strides = array<i32>} : memref<21x128xf32, #tpu.memory_space<vmem>>, vector<16xf32>,
      %gt3A_1939 = arith.cmpf ogt, %get3A_1938, %select_n3A_1931 : vector<16xf32>
      %select_n3A_1940 = arith.select %gt3A_1939, %get3A_1938, %select_n3A_1931 : vector<16xi1>, vector<16xf32>
      %broadcast_in_dim3A_1941 = arith.constant 2 : i32
      %broadcast_in_dim3A_1942 = vector.broadcast %broadcast_in_dim3A_1941 : i32 to vector<16xi32>
      %select_n3A_1943 = arith.select %gt3A_1939, %broadcast_in_dim3A_1942, %select_n3A_1934 : vector<16xi1>, vector<16xi32>
      %get3A_1944 = arith.constant 3 : i32
      %get3A_1945 = arith.index_cast %get3A_1944 : i32 to index
      %get3A_1946 = arith.constant 96 : index
      %get3A_1947 = tpu.vector_load %arg6[%get3A_1945, %get3A_1946] {strides = array<i32>} : memref<21x128xf32, #tpu.memory_space<vmem>>, vector<16xf32>,
      %gt3A_1948 = arith.cmpf ogt, %get3A_1947, %select_n3A_1940 : vector<16xf32>
      %select_n3A_1949 = arith.select %gt3A_1948, %get3A_1947, %select_n3A_1940 : vector<16xi1>, vector<16xf32>
      %broadcast_in_dim3A_1950 = arith.constant 3 : i32
      %broadcast_in_dim3A_1951 = vector.broadcast %broadcast_in_dim3A_1950 : i32 to vector<16xi32>
      %select_n3A_1952 = arith.select %gt3A_1948, %broadcast_in_dim3A_1951, %select_n3A_1943 : vector<16xi1>, vector<16xi32>
      %get3A_1953 = arith.constant 4 : i32
      %get3A_1954 = arith.index_cast %get3A_1953 : i32 to index
      %get3A_1955 = arith.constant 96 : index
      %get3A_1956 = tpu.vector_load %arg6[%get3A_1954, %get3A_1955] {strides = array<i32>} : memref<21x128xf32, #tpu.memory_space<vmem>>, vector<16xf32>,
      %gt3A_1957 = arith.cmpf ogt, %get3A_1956, %select_n3A_1949 : vector<16xf32>
      %select_n3A_1958 = arith.select %gt3A_1957, %get3A_1956, %select_n3A_1949 : vector<16xi1>, vector<16xf32>
      %broadcast_in_dim3A_1959 = arith.constant 4 : i32
      %broadcast_in_dim3A_1960 = vector.broadcast %broadcast_in_dim3A_1959 : i32 to vector<16xi32>
      %select_n3A_1961 = arith.select %gt3A_1957, %broadcast_in_dim3A_1960, %select_n3A_1952 : vector<16xi1>, vector<16xi32>
      %get3A_1962 = arith.constant 5 : i32
      %get3A_1963 = arith.index_cast %get3A_1962 : i32 to index
      %get3A_1964 = arith.constant 96 : index
      %get3A_1965 = tpu.vector_load %arg6[%get3A_1963, %get3A_1964] {strides = array<i32>} : memref<21x128xf32, #tpu.memory_space<vmem>>, vector<16xf32>,
      %gt3A_1966 = arith.cmpf ogt, %get3A_1965, %select_n3A_1958 : vector<16xf32>
      %select_n3A_1967 = arith.select %gt3A_1966, %get3A_1965, %select_n3A_1958 : vector<16xi1>, vector<16xf32>
      %broadcast_in_dim3A_1968 = arith.constant 5 : i32
      %broadcast_in_dim3A_1969 = vector.broadcast %broadcast_in_dim3A_1968 : i32 to vector<16xi32>
      %select_n3A_1970 = arith.select %gt3A_1966, %broadcast_in_dim3A_1969, %select_n3A_1961 : vector<16xi1>, vector<16xi32>
      %get3A_1971 = arith.constant 6 : i32
      %get3A_1972 = arith.index_cast %get3A_1971 : i32 to index
      %get3A_1973 = arith.constant 96 : index
      %get3A_1974 = tpu.vector_load %arg6[%get3A_1972, %get3A_1973] {strides = array<i32>} : memref<21x128xf32, #tpu.memory_space<vmem>>, vector<16xf32>,
      %gt3A_1975 = arith.cmpf ogt, %get3A_1974, %select_n3A_1967 : vector<16xf32>
      %select_n3A_1976 = arith.select %gt3A_1975, %get3A_1974, %select_n3A_1967 : vector<16xi1>, vector<16xf32>
      %broadcast_in_dim3A_1977 = arith.constant 6 : i32
      %broadcast_in_dim3A_1978 = vector.broadcast %broadcast_in_dim3A_1977 : i32 to vector<16xi32>
      %select_n3A_1979 = arith.select %gt3A_1975, %broadcast_in_dim3A_1978, %select_n3A_1970 : vector<16xi1>, vector<16xi32>
      %get3A_1980 = arith.constant 7 : i32
      %get3A_1981 = arith.index_cast %get3A_1980 : i32 to index
      %get3A_1982 = arith.constant 96 : index
      %get3A_1983 = tpu.vector_load %arg6[%get3A_1981, %get3A_1982] {strides = array<i32>} : memref<21x128xf32, #tpu.memory_space<vmem>>, vector<16xf32>,
      %gt3A_1984 = arith.cmpf ogt, %get3A_1983, %select_n3A_1976 : vector<16xf32>
      %select_n3A_1985 = arith.select %gt3A_1984, %get3A_1983, %select_n3A_1976 : vector<16xi1>, vector<16xf32>
      %broadcast_in_dim3A_1986 = arith.constant 7 : i32
      %broadcast_in_dim3A_1987 = vector.broadcast %broadcast_in_dim3A_1986 : i32 to vector<16xi32>
      %select_n3A_1988 = arith.select %gt3A_1984, %broadcast_in_dim3A_1987, %select_n3A_1979 : vector<16xi1>, vector<16xi32>
      %get3A_1989 = arith.constant 8 : i32
      %get3A_1990 = arith.index_cast %get3A_1989 : i32 to index
      %get3A_1991 = arith.constant 96 : index
      %get3A_1992 = tpu.vector_load %arg6[%get3A_1990, %get3A_1991] {strides = array<i32>} : memref<21x128xf32, #tpu.memory_space<vmem>>, vector<16xf32>,
      %gt3A_1993 = arith.cmpf ogt, %get3A_1992, %select_n3A_1985 : vector<16xf32>
      %select_n3A_1994 = arith.select %gt3A_1993, %get3A_1992, %select_n3A_1985 : vector<16xi1>, vector<16xf32>
      %broadcast_in_dim3A_1995 = arith.constant 8 : i32
      %broadcast_in_dim3A_1996 = vector.broadcast %broadcast_in_dim3A_1995 : i32 to vector<16xi32>
      %select_n3A_1997 = arith.select %gt3A_1993, %broadcast_in_dim3A_1996, %select_n3A_1988 : vector<16xi1>, vector<16xi32>
      %get3A_1998 = arith.constant 9 : i32
      %get3A_1999 = arith.index_cast %get3A_1998 : i32 to index
      %get3A_2000 = arith.constant 96 : index
      %get3A_2001 = tpu.vector_load %arg6[%get3A_1999, %get3A_2000] {strides = array<i32>} : memref<21x128xf32, #tpu.memory_space<vmem>>, vector<16xf32>,
      %gt3A_2002 = arith.cmpf ogt, %get3A_2001, %select_n3A_1994 : vector<16xf32>
      %select_n3A_2003 = arith.select %gt3A_2002, %get3A_2001, %select_n3A_1994 : vector<16xi1>, vector<16xf32>
      %broadcast_in_dim3A_2004 = arith.constant 9 : i32
      %broadcast_in_dim3A_2005 = vector.broadcast %broadcast_in_dim3A_2004 : i32 to vector<16xi32>
      %select_n3A_2006 = arith.select %gt3A_2002, %broadcast_in_dim3A_2005, %select_n3A_1997 : vector<16xi1>, vector<16xi32>
      %get3A_2007 = arith.constant 10 : i32
      %get3A_2008 = arith.index_cast %get3A_2007 : i32 to index
      %get3A_2009 = arith.constant 96 : index
      %get3A_2010 = tpu.vector_load %arg6[%get3A_2008, %get3A_2009] {strides = array<i32>} : memref<21x128xf32, #tpu.memory_space<vmem>>, vector<16xf32>,
      %gt3A_2011 = arith.cmpf ogt, %get3A_2010, %select_n3A_2003 : vector<16xf32>
      %select_n3A_2012 = arith.select %gt3A_2011, %get3A_2010, %select_n3A_2003 : vector<16xi1>, vector<16xf32>
      %broadcast_in_dim3A_2013 = arith.constant 10 : i32
      %broadcast_in_dim3A_2014 = vector.broadcast %broadcast_in_dim3A_2013 : i32 to vector<16xi32>
      %select_n3A_2015 = arith.select %gt3A_2011, %broadcast_in_dim3A_2014, %select_n3A_2006 : vector<16xi1>, vector<16xi32>
      %get3A_2016 = arith.constant 11 : i32
      %get3A_2017 = arith.index_cast %get3A_2016 : i32 to index
      %get3A_2018 = arith.constant 96 : index
      %get3A_2019 = tpu.vector_load %arg6[%get3A_2017, %get3A_2018] {strides = array<i32>} : memref<21x128xf32, #tpu.memory_space<vmem>>, vector<16xf32>,
      %gt3A_2020 = arith.cmpf ogt, %get3A_2019, %select_n3A_2012 : vector<16xf32>
      %select_n3A_2021 = arith.select %gt3A_2020, %get3A_2019, %select_n3A_2012 : vector<16xi1>, vector<16xf32>
      %broadcast_in_dim3A_2022 = arith.constant 11 : i32
      %broadcast_in_dim3A_2023 = vector.broadcast %broadcast_in_dim3A_2022 : i32 to vector<16xi32>
      %select_n3A_2024 = arith.select %gt3A_2020, %broadcast_in_dim3A_2023, %select_n3A_2015 : vector<16xi1>, vector<16xi32>
      %get3A_2025 = arith.constant 12 : i32
      %get3A_2026 = arith.index_cast %get3A_2025 : i32 to index
      %get3A_2027 = arith.constant 96 : index
      %get3A_2028 = tpu.vector_load %arg6[%get3A_2026, %get3A_2027] {strides = array<i32>} : memref<21x128xf32, #tpu.memory_space<vmem>>, vector<16xf32>,
      %gt3A_2029 = arith.cmpf ogt, %get3A_2028, %select_n3A_2021 : vector<16xf32>
      %select_n3A_2030 = arith.select %gt3A_2029, %get3A_2028, %select_n3A_2021 : vector<16xi1>, vector<16xf32>
      %broadcast_in_dim3A_2031 = arith.constant 12 : i32
      %broadcast_in_dim3A_2032 = vector.broadcast %broadcast_in_dim3A_2031 : i32 to vector<16xi32>
      %select_n3A_2033 = arith.select %gt3A_2029, %broadcast_in_dim3A_2032, %select_n3A_2024 : vector<16xi1>, vector<16xi32>
      %get3A_2034 = arith.constant 13 : i32
      %get3A_2035 = arith.index_cast %get3A_2034 : i32 to index
      %get3A_2036 = arith.constant 96 : index
      %get3A_2037 = tpu.vector_load %arg6[%get3A_2035, %get3A_2036] {strides = array<i32>} : memref<21x128xf32, #tpu.memory_space<vmem>>, vector<16xf32>,
      %gt3A_2038 = arith.cmpf ogt, %get3A_2037, %select_n3A_2030 : vector<16xf32>
      %select_n3A_2039 = arith.select %gt3A_2038, %get3A_2037, %select_n3A_2030 : vector<16xi1>, vector<16xf32>
      %broadcast_in_dim3A_2040 = arith.constant 13 : i32
      %broadcast_in_dim3A_2041 = vector.broadcast %broadcast_in_dim3A_2040 : i32 to vector<16xi32>
      %select_n3A_2042 = arith.select %gt3A_2038, %broadcast_in_dim3A_2041, %select_n3A_2033 : vector<16xi1>, vector<16xi32>
      %get3A_2043 = arith.constant 14 : i32
      %get3A_2044 = arith.index_cast %get3A_2043 : i32 to index
      %get3A_2045 = arith.constant 96 : index
      %get3A_2046 = tpu.vector_load %arg6[%get3A_2044, %get3A_2045] {strides = array<i32>} : memref<21x128xf32, #tpu.memory_space<vmem>>, vector<16xf32>,
      %gt3A_2047 = arith.cmpf ogt, %get3A_2046, %select_n3A_2039 : vector<16xf32>
      %select_n3A_2048 = arith.select %gt3A_2047, %get3A_2046, %select_n3A_2039 : vector<16xi1>, vector<16xf32>
      %broadcast_in_dim3A_2049 = arith.constant 14 : i32
      %broadcast_in_dim3A_2050 = vector.broadcast %broadcast_in_dim3A_2049 : i32 to vector<16xi32>
      %select_n3A_2051 = arith.select %gt3A_2047, %broadcast_in_dim3A_2050, %select_n3A_2042 : vector<16xi1>, vector<16xi32>
      %get3A_2052 = arith.constant 15 : i32
      %get3A_2053 = arith.index_cast %get3A_2052 : i32 to index
      %get3A_2054 = arith.constant 96 : index
      %get3A_2055 = tpu.vector_load %arg6[%get3A_2053, %get3A_2054] {strides = array<i32>} : memref<21x128xf32, #tpu.memory_space<vmem>>, vector<16xf32>,
      %gt3A_2056 = arith.cmpf ogt, %get3A_2055, %select_n3A_2048 : vector<16xf32>
      %select_n3A_2057 = arith.select %gt3A_2056, %get3A_2055, %select_n3A_2048 : vector<16xi1>, vector<16xf32>
      %broadcast_in_dim3A_2058 = arith.constant 15 : i32
      %broadcast_in_dim3A_2059 = vector.broadcast %broadcast_in_dim3A_2058 : i32 to vector<16xi32>
      %select_n3A_2060 = arith.select %gt3A_2056, %broadcast_in_dim3A_2059, %select_n3A_2051 : vector<16xi1>, vector<16xi32>
      %get3A_2061 = arith.constant 16 : i32
      %get3A_2062 = arith.index_cast %get3A_2061 : i32 to index
      %get3A_2063 = arith.constant 96 : index
      %get3A_2064 = tpu.vector_load %arg6[%get3A_2062, %get3A_2063] {strides = array<i32>} : memref<21x128xf32, #tpu.memory_space<vmem>>, vector<16xf32>,
      %gt3A_2065 = arith.cmpf ogt, %get3A_2064, %select_n3A_2057 : vector<16xf32>
      %select_n3A_2066 = arith.select %gt3A_2065, %get3A_2064, %select_n3A_2057 : vector<16xi1>, vector<16xf32>
      %broadcast_in_dim3A_2067 = arith.constant 16 : i32
      %broadcast_in_dim3A_2068 = vector.broadcast %broadcast_in_dim3A_2067 : i32 to vector<16xi32>
      %select_n3A_2069 = arith.select %gt3A_2065, %broadcast_in_dim3A_2068, %select_n3A_2060 : vector<16xi1>, vector<16xi32>
      %get3A_2070 = arith.constant 17 : i32
      %get3A_2071 = arith.index_cast %get3A_2070 : i32 to index
      %get3A_2072 = arith.constant 96 : index
      %get3A_2073 = tpu.vector_load %arg6[%get3A_2071, %get3A_2072] {strides = array<i32>} : memref<21x128xf32, #tpu.memory_space<vmem>>, vector<16xf32>,
      %gt3A_2074 = arith.cmpf ogt, %get3A_2073, %select_n3A_2066 : vector<16xf32>
      %select_n3A_2075 = arith.select %gt3A_2074, %get3A_2073, %select_n3A_2066 : vector<16xi1>, vector<16xf32>
      %broadcast_in_dim3A_2076 = arith.constant 17 : i32
      %broadcast_in_dim3A_2077 = vector.broadcast %broadcast_in_dim3A_2076 : i32 to vector<16xi32>
      %select_n3A_2078 = arith.select %gt3A_2074, %broadcast_in_dim3A_2077, %select_n3A_2069 : vector<16xi1>, vector<16xi32>
      %get3A_2079 = arith.constant 18 : i32
      %get3A_2080 = arith.index_cast %get3A_2079 : i32 to index
      %get3A_2081 = arith.constant 96 : index
      %get3A_2082 = tpu.vector_load %arg6[%get3A_2080, %get3A_2081] {strides = array<i32>} : memref<21x128xf32, #tpu.memory_space<vmem>>, vector<16xf32>,
      %gt3A_2083 = arith.cmpf ogt, %get3A_2082, %select_n3A_2075 : vector<16xf32>
      %select_n3A_2084 = arith.select %gt3A_2083, %get3A_2082, %select_n3A_2075 : vector<16xi1>, vector<16xf32>
      %broadcast_in_dim3A_2085 = arith.constant 18 : i32
      %broadcast_in_dim3A_2086 = vector.broadcast %broadcast_in_dim3A_2085 : i32 to vector<16xi32>
      %select_n3A_2087 = arith.select %gt3A_2083, %broadcast_in_dim3A_2086, %select_n3A_2078 : vector<16xi1>, vector<16xi32>
      %get3A_2088 = arith.constant 19 : i32
      %get3A_2089 = arith.index_cast %get3A_2088 : i32 to index
      %get3A_2090 = arith.constant 96 : index
      %get3A_2091 = tpu.vector_load %arg6[%get3A_2089, %get3A_2090] {strides = array<i32>} : memref<21x128xf32, #tpu.memory_space<vmem>>, vector<16xf32>,
      %gt3A_2092 = arith.cmpf ogt, %get3A_2091, %select_n3A_2084 : vector<16xf32>
      %select_n3A_2093 = arith.select %gt3A_2092, %get3A_2091, %select_n3A_2084 : vector<16xi1>, vector<16xf32>
      %broadcast_in_dim3A_2094 = arith.constant 19 : i32
      %broadcast_in_dim3A_2095 = vector.broadcast %broadcast_in_dim3A_2094 : i32 to vector<16xi32>
      %select_n3A_2096 = arith.select %gt3A_2092, %broadcast_in_dim3A_2095, %select_n3A_2087 : vector<16xi1>, vector<16xi32>
      %get3A_2097 = arith.constant 20 : i32
      %get3A_2098 = arith.index_cast %get3A_2097 : i32 to index
      %get3A_2099 = arith.constant 96 : index
      %get3A_2100 = tpu.vector_load %arg6[%get3A_2098, %get3A_2099] {strides = array<i32>} : memref<21x128xf32, #tpu.memory_space<vmem>>, vector<16xf32>,
      %gt3A_2101 = arith.cmpf ogt, %get3A_2100, %select_n3A_2093 : vector<16xf32>
      %select_n3A_2102 = arith.select %gt3A_2101, %get3A_2100, %select_n3A_2093 : vector<16xi1>, vector<16xf32>
      %broadcast_in_dim3A_2103 = arith.constant 20 : i32
      %broadcast_in_dim3A_2104 = vector.broadcast %broadcast_in_dim3A_2103 : i32 to vector<16xi32>
      %select_n3A_2105 = arith.select %gt3A_2101, %broadcast_in_dim3A_2104, %select_n3A_2096 : vector<16xi1>, vector<16xi32>
      %swap3A_2106 = arith.constant 96 : index
      %swap3A_2107 = tpu.vector_load %arg7[%swap3A_2106] {strides = array<i32>} : memref<128xi32, #tpu.memory_space<vmem>>, vector<16xi32>,
      tpu.vector_store %arg7[%swap3A_2106], %select_n3A_2105 {strides = array<i32>} : memref<128xi32, #tpu.memory_space<vmem>>, vector<16xi32>,
      %get3A_2108 = arith.constant 0 : i32
      %get3A_2109 = arith.index_cast %get3A_2108 : i32 to index
      %get3A_2110 = arith.constant 112 : index
      %get3A_2111 = tpu.vector_load %arg6[%get3A_2109, %get3A_2110] {strides = array<i32>} : memref<21x128xf32, #tpu.memory_space<vmem>>, vector<16xf32>,
      %broadcast_in_dim3A_2112 = arith.constant 0 : i32
      %broadcast_in_dim3A_2113 = vector.broadcast %broadcast_in_dim3A_2112 : i32 to vector<16xi32>
      %get3A_2114 = arith.constant 1 : i32
      %get3A_2115 = arith.index_cast %get3A_2114 : i32 to index
      %get3A_2116 = arith.constant 112 : index
      %get3A_2117 = tpu.vector_load %arg6[%get3A_2115, %get3A_2116] {strides = array<i32>} : memref<21x128xf32, #tpu.memory_space<vmem>>, vector<16xf32>,
      %gt3A_2118 = arith.cmpf ogt, %get3A_2117, %get3A_2111 : vector<16xf32>
      %select_n3A_2119 = arith.select %gt3A_2118, %get3A_2117, %get3A_2111 : vector<16xi1>, vector<16xf32>
      %broadcast_in_dim3A_2120 = arith.constant 1 : i32
      %broadcast_in_dim3A_2121 = vector.broadcast %broadcast_in_dim3A_2120 : i32 to vector<16xi32>
      %select_n3A_2122 = arith.select %gt3A_2118, %broadcast_in_dim3A_2121, %broadcast_in_dim3A_2113 : vector<16xi1>, vector<16xi32>
      %get3A_2123 = arith.constant 2 : i32
      %get3A_2124 = arith.index_cast %get3A_2123 : i32 to index
      %get3A_2125 = arith.constant 112 : index
      %get3A_2126 = tpu.vector_load %arg6[%get3A_2124, %get3A_2125] {strides = array<i32>} : memref<21x128xf32, #tpu.memory_space<vmem>>, vector<16xf32>,
      %gt3A_2127 = arith.cmpf ogt, %get3A_2126, %select_n3A_2119 : vector<16xf32>
      %select_n3A_2128 = arith.select %gt3A_2127, %get3A_2126, %select_n3A_2119 : vector<16xi1>, vector<16xf32>
      %broadcast_in_dim3A_2129 = arith.constant 2 : i32
      %broadcast_in_dim3A_2130 = vector.broadcast %broadcast_in_dim3A_2129 : i32 to vector<16xi32>
      %select_n3A_2131 = arith.select %gt3A_2127, %broadcast_in_dim3A_2130, %select_n3A_2122 : vector<16xi1>, vector<16xi32>
      %get3A_2132 = arith.constant 3 : i32
      %get3A_2133 = arith.index_cast %get3A_2132 : i32 to index
      %get3A_2134 = arith.constant 112 : index
      %get3A_2135 = tpu.vector_load %arg6[%get3A_2133, %get3A_2134] {strides = array<i32>} : memref<21x128xf32, #tpu.memory_space<vmem>>, vector<16xf32>,
      %gt3A_2136 = arith.cmpf ogt, %get3A_2135, %select_n3A_2128 : vector<16xf32>
      %select_n3A_2137 = arith.select %gt3A_2136, %get3A_2135, %select_n3A_2128 : vector<16xi1>, vector<16xf32>
      %broadcast_in_dim3A_2138 = arith.constant 3 : i32
      %broadcast_in_dim3A_2139 = vector.broadcast %broadcast_in_dim3A_2138 : i32 to vector<16xi32>
      %select_n3A_2140 = arith.select %gt3A_2136, %broadcast_in_dim3A_2139, %select_n3A_2131 : vector<16xi1>, vector<16xi32>
      %get3A_2141 = arith.constant 4 : i32
      %get3A_2142 = arith.index_cast %get3A_2141 : i32 to index
      %get3A_2143 = arith.constant 112 : index
      %get3A_2144 = tpu.vector_load %arg6[%get3A_2142, %get3A_2143] {strides = array<i32>} : memref<21x128xf32, #tpu.memory_space<vmem>>, vector<16xf32>,
      %gt3A_2145 = arith.cmpf ogt, %get3A_2144, %select_n3A_2137 : vector<16xf32>
      %select_n3A_2146 = arith.select %gt3A_2145, %get3A_2144, %select_n3A_2137 : vector<16xi1>, vector<16xf32>
      %broadcast_in_dim3A_2147 = arith.constant 4 : i32
      %broadcast_in_dim3A_2148 = vector.broadcast %broadcast_in_dim3A_2147 : i32 to vector<16xi32>
      %select_n3A_2149 = arith.select %gt3A_2145, %broadcast_in_dim3A_2148, %select_n3A_2140 : vector<16xi1>, vector<16xi32>
      %get3A_2150 = arith.constant 5 : i32
      %get3A_2151 = arith.index_cast %get3A_2150 : i32 to index
      %get3A_2152 = arith.constant 112 : index
      %get3A_2153 = tpu.vector_load %arg6[%get3A_2151, %get3A_2152] {strides = array<i32>} : memref<21x128xf32, #tpu.memory_space<vmem>>, vector<16xf32>,
      %gt3A_2154 = arith.cmpf ogt, %get3A_2153, %select_n3A_2146 : vector<16xf32>
      %select_n3A_2155 = arith.select %gt3A_2154, %get3A_2153, %select_n3A_2146 : vector<16xi1>, vector<16xf32>
      %broadcast_in_dim3A_2156 = arith.constant 5 : i32
      %broadcast_in_dim3A_2157 = vector.broadcast %broadcast_in_dim3A_2156 : i32 to vector<16xi32>
      %select_n3A_2158 = arith.select %gt3A_2154, %broadcast_in_dim3A_2157, %select_n3A_2149 : vector<16xi1>, vector<16xi32>
      %get3A_2159 = arith.constant 6 : i32
      %get3A_2160 = arith.index_cast %get3A_2159 : i32 to index
      %get3A_2161 = arith.constant 112 : index
      %get3A_2162 = tpu.vector_load %arg6[%get3A_2160, %get3A_2161] {strides = array<i32>} : memref<21x128xf32, #tpu.memory_space<vmem>>, vector<16xf32>,
      %gt3A_2163 = arith.cmpf ogt, %get3A_2162, %select_n3A_2155 : vector<16xf32>
      %select_n3A_2164 = arith.select %gt3A_2163, %get3A_2162, %select_n3A_2155 : vector<16xi1>, vector<16xf32>
      %broadcast_in_dim3A_2165 = arith.constant 6 : i32
      %broadcast_in_dim3A_2166 = vector.broadcast %broadcast_in_dim3A_2165 : i32 to vector<16xi32>
      %select_n3A_2167 = arith.select %gt3A_2163, %broadcast_in_dim3A_2166, %select_n3A_2158 : vector<16xi1>, vector<16xi32>
      %get3A_2168 = arith.constant 7 : i32
      %get3A_2169 = arith.index_cast %get3A_2168 : i32 to index
      %get3A_2170 = arith.constant 112 : index
      %get3A_2171 = tpu.vector_load %arg6[%get3A_2169, %get3A_2170] {strides = array<i32>} : memref<21x128xf32, #tpu.memory_space<vmem>>, vector<16xf32>,
      %gt3A_2172 = arith.cmpf ogt, %get3A_2171, %select_n3A_2164 : vector<16xf32>
      %select_n3A_2173 = arith.select %gt3A_2172, %get3A_2171, %select_n3A_2164 : vector<16xi1>, vector<16xf32>
      %broadcast_in_dim3A_2174 = arith.constant 7 : i32
      %broadcast_in_dim3A_2175 = vector.broadcast %broadcast_in_dim3A_2174 : i32 to vector<16xi32>
      %select_n3A_2176 = arith.select %gt3A_2172, %broadcast_in_dim3A_2175, %select_n3A_2167 : vector<16xi1>, vector<16xi32>
      %get3A_2177 = arith.constant 8 : i32
      %get3A_2178 = arith.index_cast %get3A_2177 : i32 to index
      %get3A_2179 = arith.constant 112 : index
      %get3A_2180 = tpu.vector_load %arg6[%get3A_2178, %get3A_2179] {strides = array<i32>} : memref<21x128xf32, #tpu.memory_space<vmem>>, vector<16xf32>,
      %gt3A_2181 = arith.cmpf ogt, %get3A_2180, %select_n3A_2173 : vector<16xf32>
      %select_n3A_2182 = arith.select %gt3A_2181, %get3A_2180, %select_n3A_2173 : vector<16xi1>, vector<16xf32>
      %broadcast_in_dim3A_2183 = arith.constant 8 : i32
      %broadcast_in_dim3A_2184 = vector.broadcast %broadcast_in_dim3A_2183 : i32 to vector<16xi32>
      %select_n3A_2185 = arith.select %gt3A_2181, %broadcast_in_dim3A_2184, %select_n3A_2176 : vector<16xi1>, vector<16xi32>
      %get3A_2186 = arith.constant 9 : i32
      %get3A_2187 = arith.index_cast %get3A_2186 : i32 to index
      %get3A_2188 = arith.constant 112 : index
      %get3A_2189 = tpu.vector_load %arg6[%get3A_2187, %get3A_2188] {strides = array<i32>} : memref<21x128xf32, #tpu.memory_space<vmem>>, vector<16xf32>,
      %gt3A_2190 = arith.cmpf ogt, %get3A_2189, %select_n3A_2182 : vector<16xf32>
      %select_n3A_2191 = arith.select %gt3A_2190, %get3A_2189, %select_n3A_2182 : vector<16xi1>, vector<16xf32>
      %broadcast_in_dim3A_2192 = arith.constant 9 : i32
      %broadcast_in_dim3A_2193 = vector.broadcast %broadcast_in_dim3A_2192 : i32 to vector<16xi32>
      %select_n3A_2194 = arith.select %gt3A_2190, %broadcast_in_dim3A_2193, %select_n3A_2185 : vector<16xi1>, vector<16xi32>
      %get3A_2195 = arith.constant 10 : i32
      %get3A_2196 = arith.index_cast %get3A_2195 : i32 to index
      %get3A_2197 = arith.constant 112 : index
      %get3A_2198 = tpu.vector_load %arg6[%get3A_2196, %get3A_2197] {strides = array<i32>} : memref<21x128xf32, #tpu.memory_space<vmem>>, vector<16xf32>,
      %gt3A_2199 = arith.cmpf ogt, %get3A_2198, %select_n3A_2191 : vector<16xf32>
      %select_n3A_2200 = arith.select %gt3A_2199, %get3A_2198, %select_n3A_2191 : vector<16xi1>, vector<16xf32>
      %broadcast_in_dim3A_2201 = arith.constant 10 : i32
      %broadcast_in_dim3A_2202 = vector.broadcast %broadcast_in_dim3A_2201 : i32 to vector<16xi32>
      %select_n3A_2203 = arith.select %gt3A_2199, %broadcast_in_dim3A_2202, %select_n3A_2194 : vector<16xi1>, vector<16xi32>
      %get3A_2204 = arith.constant 11 : i32
      %get3A_2205 = arith.index_cast %get3A_2204 : i32 to index
      %get3A_2206 = arith.constant 112 : index
      %get3A_2207 = tpu.vector_load %arg6[%get3A_2205, %get3A_2206] {strides = array<i32>} : memref<21x128xf32, #tpu.memory_space<vmem>>, vector<16xf32>,
      %gt3A_2208 = arith.cmpf ogt, %get3A_2207, %select_n3A_2200 : vector<16xf32>
      %select_n3A_2209 = arith.select %gt3A_2208, %get3A_2207, %select_n3A_2200 : vector<16xi1>, vector<16xf32>
      %broadcast_in_dim3A_2210 = arith.constant 11 : i32
      %broadcast_in_dim3A_2211 = vector.broadcast %broadcast_in_dim3A_2210 : i32 to vector<16xi32>
      %select_n3A_2212 = arith.select %gt3A_2208, %broadcast_in_dim3A_2211, %select_n3A_2203 : vector<16xi1>, vector<16xi32>
      %get3A_2213 = arith.constant 12 : i32
      %get3A_2214 = arith.index_cast %get3A_2213 : i32 to index
      %get3A_2215 = arith.constant 112 : index
      %get3A_2216 = tpu.vector_load %arg6[%get3A_2214, %get3A_2215] {strides = array<i32>} : memref<21x128xf32, #tpu.memory_space<vmem>>, vector<16xf32>,
      %gt3A_2217 = arith.cmpf ogt, %get3A_2216, %select_n3A_2209 : vector<16xf32>
      %select_n3A_2218 = arith.select %gt3A_2217, %get3A_2216, %select_n3A_2209 : vector<16xi1>, vector<16xf32>
      %broadcast_in_dim3A_2219 = arith.constant 12 : i32
      %broadcast_in_dim3A_2220 = vector.broadcast %broadcast_in_dim3A_2219 : i32 to vector<16xi32>
      %select_n3A_2221 = arith.select %gt3A_2217, %broadcast_in_dim3A_2220, %select_n3A_2212 : vector<16xi1>, vector<16xi32>
      %get3A_2222 = arith.constant 13 : i32
      %get3A_2223 = arith.index_cast %get3A_2222 : i32 to index
      %get3A_2224 = arith.constant 112 : index
      %get3A_2225 = tpu.vector_load %arg6[%get3A_2223, %get3A_2224] {strides = array<i32>} : memref<21x128xf32, #tpu.memory_space<vmem>>, vector<16xf32>,
      %gt3A_2226 = arith.cmpf ogt, %get3A_2225, %select_n3A_2218 : vector<16xf32>
      %select_n3A_2227 = arith.select %gt3A_2226, %get3A_2225, %select_n3A_2218 : vector<16xi1>, vector<16xf32>
      %broadcast_in_dim3A_2228 = arith.constant 13 : i32
      %broadcast_in_dim3A_2229 = vector.broadcast %broadcast_in_dim3A_2228 : i32 to vector<16xi32>
      %select_n3A_2230 = arith.select %gt3A_2226, %broadcast_in_dim3A_2229, %select_n3A_2221 : vector<16xi1>, vector<16xi32>
      %get3A_2231 = arith.constant 14 : i32
      %get3A_2232 = arith.index_cast %get3A_2231 : i32 to index
      %get3A_2233 = arith.constant 112 : index
      %get3A_2234 = tpu.vector_load %arg6[%get3A_2232, %get3A_2233] {strides = array<i32>} : memref<21x128xf32, #tpu.memory_space<vmem>>, vector<16xf32>,
      %gt3A_2235 = arith.cmpf ogt, %get3A_2234, %select_n3A_2227 : vector<16xf32>
      %select_n3A_2236 = arith.select %gt3A_2235, %get3A_2234, %select_n3A_2227 : vector<16xi1>, vector<16xf32>
      %broadcast_in_dim3A_2237 = arith.constant 14 : i32
      %broadcast_in_dim3A_2238 = vector.broadcast %broadcast_in_dim3A_2237 : i32 to vector<16xi32>
      %select_n3A_2239 = arith.select %gt3A_2235, %broadcast_in_dim3A_2238, %select_n3A_2230 : vector<16xi1>, vector<16xi32>
      %get3A_2240 = arith.constant 15 : i32
      %get3A_2241 = arith.index_cast %get3A_2240 : i32 to index
      %get3A_2242 = arith.constant 112 : index
      %get3A_2243 = tpu.vector_load %arg6[%get3A_2241, %get3A_2242] {strides = array<i32>} : memref<21x128xf32, #tpu.memory_space<vmem>>, vector<16xf32>,
      %gt3A_2244 = arith.cmpf ogt, %get3A_2243, %select_n3A_2236 : vector<16xf32>
      %select_n3A_2245 = arith.select %gt3A_2244, %get3A_2243, %select_n3A_2236 : vector<16xi1>, vector<16xf32>
      %broadcast_in_dim3A_2246 = arith.constant 15 : i32
      %broadcast_in_dim3A_2247 = vector.broadcast %broadcast_in_dim3A_2246 : i32 to vector<16xi32>
      %select_n3A_2248 = arith.select %gt3A_2244, %broadcast_in_dim3A_2247, %select_n3A_2239 : vector<16xi1>, vector<16xi32>
      %get3A_2249 = arith.constant 16 : i32
      %get3A_2250 = arith.index_cast %get3A_2249 : i32 to index
      %get3A_2251 = arith.constant 112 : index
      %get3A_2252 = tpu.vector_load %arg6[%get3A_2250, %get3A_2251] {strides = array<i32>} : memref<21x128xf32, #tpu.memory_space<vmem>>, vector<16xf32>,
      %gt3A_2253 = arith.cmpf ogt, %get3A_2252, %select_n3A_2245 : vector<16xf32>
      %select_n3A_2254 = arith.select %gt3A_2253, %get3A_2252, %select_n3A_2245 : vector<16xi1>, vector<16xf32>
      %broadcast_in_dim3A_2255 = arith.constant 16 : i32
      %broadcast_in_dim3A_2256 = vector.broadcast %broadcast_in_dim3A_2255 : i32 to vector<16xi32>
      %select_n3A_2257 = arith.select %gt3A_2253, %broadcast_in_dim3A_2256, %select_n3A_2248 : vector<16xi1>, vector<16xi32>
      %get3A_2258 = arith.constant 17 : i32
      %get3A_2259 = arith.index_cast %get3A_2258 : i32 to index
      %get3A_2260 = arith.constant 112 : index
      %get3A_2261 = tpu.vector_load %arg6[%get3A_2259, %get3A_2260] {strides = array<i32>} : memref<21x128xf32, #tpu.memory_space<vmem>>, vector<16xf32>,
      %gt3A_2262 = arith.cmpf ogt, %get3A_2261, %select_n3A_2254 : vector<16xf32>
      %select_n3A_2263 = arith.select %gt3A_2262, %get3A_2261, %select_n3A_2254 : vector<16xi1>, vector<16xf32>
      %broadcast_in_dim3A_2264 = arith.constant 17 : i32
      %broadcast_in_dim3A_2265 = vector.broadcast %broadcast_in_dim3A_2264 : i32 to vector<16xi32>
      %select_n3A_2266 = arith.select %gt3A_2262, %broadcast_in_dim3A_2265, %select_n3A_2257 : vector<16xi1>, vector<16xi32>
      %get3A_2267 = arith.constant 18 : i32
      %get3A_2268 = arith.index_cast %get3A_2267 : i32 to index
      %get3A_2269 = arith.constant 112 : index
      %get3A_2270 = tpu.vector_load %arg6[%get3A_2268, %get3A_2269] {strides = array<i32>} : memref<21x128xf32, #tpu.memory_space<vmem>>, vector<16xf32>,
      %gt3A_2271 = arith.cmpf ogt, %get3A_2270, %select_n3A_2263 : vector<16xf32>
      %select_n3A_2272 = arith.select %gt3A_2271, %get3A_2270, %select_n3A_2263 : vector<16xi1>, vector<16xf32>
      %broadcast_in_dim3A_2273 = arith.constant 18 : i32
      %broadcast_in_dim3A_2274 = vector.broadcast %broadcast_in_dim3A_2273 : i32 to vector<16xi32>
      %select_n3A_2275 = arith.select %gt3A_2271, %broadcast_in_dim3A_2274, %select_n3A_2266 : vector<16xi1>, vector<16xi32>
      %get3A_2276 = arith.constant 19 : i32
      %get3A_2277 = arith.index_cast %get3A_2276 : i32 to index
      %get3A_2278 = arith.constant 112 : index
      %get3A_2279 = tpu.vector_load %arg6[%get3A_2277, %get3A_2278] {strides = array<i32>} : memref<21x128xf32, #tpu.memory_space<vmem>>, vector<16xf32>,
      %gt3A_2280 = arith.cmpf ogt, %get3A_2279, %select_n3A_2272 : vector<16xf32>
      %select_n3A_2281 = arith.select %gt3A_2280, %get3A_2279, %select_n3A_2272 : vector<16xi1>, vector<16xf32>
      %broadcast_in_dim3A_2282 = arith.constant 19 : i32
      %broadcast_in_dim3A_2283 = vector.broadcast %broadcast_in_dim3A_2282 : i32 to vector<16xi32>
      %select_n3A_2284 = arith.select %gt3A_2280, %broadcast_in_dim3A_2283, %select_n3A_2275 : vector<16xi1>, vector<16xi32>
      %get3A_2285 = arith.constant 20 : i32
      %get3A_2286 = arith.index_cast %get3A_2285 : i32 to index
      %get3A_2287 = arith.constant 112 : index
      %get3A_2288 = tpu.vector_load %arg6[%get3A_2286, %get3A_2287] {strides = array<i32>} : memref<21x128xf32, #tpu.memory_space<vmem>>, vector<16xf32>,
      %gt3A_2289 = arith.cmpf ogt, %get3A_2288, %select_n3A_2281 : vector<16xf32>
      %select_n3A_2290 = arith.select %gt3A_2289, %get3A_2288, %select_n3A_2281 : vector<16xi1>, vector<16xf32>
      %broadcast_in_dim3A_2291 = arith.constant 20 : i32
      %broadcast_in_dim3A_2292 = vector.broadcast %broadcast_in_dim3A_2291 : i32 to vector<16xi32>
      %select_n3A_2293 = arith.select %gt3A_2289, %broadcast_in_dim3A_2292, %select_n3A_2284 : vector<16xi1>, vector<16xi32>
      %swap3A_2294 = arith.constant 112 : index
      %swap3A_2295 = tpu.vector_load %arg7[%swap3A_2294] {strides = array<i32>} : memref<128xi32, #tpu.memory_space<vmem>>, vector<16xi32>,
      tpu.vector_store %arg7[%swap3A_2294], %select_n3A_2293 {strides = array<i32>} : memref<128xi32, #tpu.memory_space<vmem>>, vector<16xi32>,
      %mul3A_2296 = arith.constant 128 : i32
      %mul3A_2297 = arith.muli %arg1, %mul3A_2296 : i32
      "tpu.region"() ({
        %run_scoped3A_2298 = tpu.sem_alloc : memref<!tpu.dma_semaphore, #tpu.memory_space<semaphore_mem>>
        %dma_start3A_2299 = tpu.memref_slice %arg8[%mul3A_2297] : memref<1024xi32, #tpu.memory_space<vmem_shared>> -> memref<128xi32, #tpu.memory_space<vmem_shared>>
        %dma_start3A_2300 = tpu.memref_slice %arg8[%mul3A_2297] : memref<1024xi32, #tpu.memory_space<vmem_shared>> -> memref<128xi32, #tpu.memory_space<vmem_shared>>
        tpu.enqueue_dma source(%arg7 : memref<128xi32, #tpu.memory_space<vmem>>) target(%dma_start3A_2300 : memref<128xi32, #tpu.memory_space<vmem_shared>>) target_semaphore(%run_scoped3A_2298 : memref<!tpu.dma_semaphore, #tpu.memory_space<semaphore_mem>>)
        %dma_wait3A_2301 = tpu.memref_slice %arg8[%mul3A_2297] : memref<1024xi32, #tpu.memory_space<vmem_shared>> -> memref<128xi32, #tpu.memory_space<vmem_shared>>
        %dma_wait3A_2302 = tpu.memref_slice %arg8[%mul3A_2297] : memref<1024xi32, #tpu.memory_space<vmem_shared>> -> memref<128xi32, #tpu.memory_space<vmem_shared>>
        tpu.wait_dma2 semaphore(%run_scoped3A_2298 : memref<!tpu.dma_semaphore, #tpu.memory_space<semaphore_mem>>) src(%arg7 : memref<128xi32, #tpu.memory_space<vmem>>) dst(%dma_wait3A_2302 : memref<128xi32, #tpu.memory_space<vmem_shared>>)
        tpu.yield
      }) : () -> ()
    } else {
    }
    %barrier3A = arith.constant 0 : index
    tpu.barrier barrier_id(%barrier3A)
    "tpu.region"() ({
      %run_scoped3A_793 = tpu.sem_alloc : memref<!tpu.dma_semaphore, #tpu.memory_space<semaphore_mem>>
      tpu.enqueue_dma source(%arg8 : memref<1024xi32, #tpu.memory_space<vmem_shared>>) target(%arg9 : memref<1024xi32, #tpu.memory_space<vmem>>) target_semaphore(%run_scoped3A_793 : memref<!tpu.dma_semaphore, #tpu.memory_space<semaphore_mem>>)
      tpu.wait_dma2 semaphore(%run_scoped3A_793 : memref<!tpu.dma_semaphore, #tpu.memory_space<semaphore_mem>>) src(%arg8 : memref<1024xi32, #tpu.memory_space<vmem_shared>>) dst(%arg9 : memref<1024xi32, #tpu.memory_space<vmem>>)
      tpu.yield
    }) : () -> ()
    %broadcast_in_dim3A = arith.constant 0 : i32
    %broadcast_in_dim3A_12 = vector.broadcast %broadcast_in_dim3A : i32 to vector<16xi32>
    %swap3A = arith.constant 0 : i32
    %swap3A_13 = arith.index_cast %swap3A : i32 to index
    %swap3A_14 = arith.constant 0 : index
    %swap3A_15 = tpu.vector_load %arg12[%swap3A_13, %swap3A_14] {strides = array<i32>} : memref<64x16xi32, #tpu.memory_space<vmem>>, vector<16xi32>,
    tpu.vector_store %arg12[%swap3A_13, %swap3A_14], %broadcast_in_dim3A_12 {strides = array<i32>} : memref<64x16xi32, #tpu.memory_space<vmem>>, vector<16xi32>,
    %swap3A_16 = arith.constant 1 : i32
    %swap3A_17 = arith.index_cast %swap3A_16 : i32 to index
    %swap3A_18 = arith.constant 0 : index
    %swap3A_19 = tpu.vector_load %arg12[%swap3A_17, %swap3A_18] {strides = array<i32>} : memref<64x16xi32, #tpu.memory_space<vmem>>, vector<16xi32>,
    tpu.vector_store %arg12[%swap3A_17, %swap3A_18], %broadcast_in_dim3A_12 {strides = array<i32>} : memref<64x16xi32, #tpu.memory_space<vmem>>, vector<16xi32>,
    %swap3A_20 = arith.constant 2 : i32
    %swap3A_21 = arith.index_cast %swap3A_20 : i32 to index
    %swap3A_22 = arith.constant 0 : index
    %swap3A_23 = tpu.vector_load %arg12[%swap3A_21, %swap3A_22] {strides = array<i32>} : memref<64x16xi32, #tpu.memory_space<vmem>>, vector<16xi32>,
    tpu.vector_store %arg12[%swap3A_21, %swap3A_22], %broadcast_in_dim3A_12 {strides = array<i32>} : memref<64x16xi32, #tpu.memory_space<vmem>>, vector<16xi32>,
    %swap3A_24 = arith.constant 3 : i32
    %swap3A_25 = arith.index_cast %swap3A_24 : i32 to index
    %swap3A_26 = arith.constant 0 : index
    %swap3A_27 = tpu.vector_load %arg12[%swap3A_25, %swap3A_26] {strides = array<i32>} : memref<64x16xi32, #tpu.memory_space<vmem>>, vector<16xi32>,
    tpu.vector_store %arg12[%swap3A_25, %swap3A_26], %broadcast_in_dim3A_12 {strides = array<i32>} : memref<64x16xi32, #tpu.memory_space<vmem>>, vector<16xi32>,
    %swap3A_28 = arith.constant 4 : i32
    %swap3A_29 = arith.index_cast %swap3A_28 : i32 to index
    %swap3A_30 = arith.constant 0 : index
    %swap3A_31 = tpu.vector_load %arg12[%swap3A_29, %swap3A_30] {strides = array<i32>} : memref<64x16xi32, #tpu.memory_space<vmem>>, vector<16xi32>,
    tpu.vector_store %arg12[%swap3A_29, %swap3A_30], %broadcast_in_dim3A_12 {strides = array<i32>} : memref<64x16xi32, #tpu.memory_space<vmem>>, vector<16xi32>,
    %swap3A_32 = arith.constant 5 : i32
    %swap3A_33 = arith.index_cast %swap3A_32 : i32 to index
    %swap3A_34 = arith.constant 0 : index
    %swap3A_35 = tpu.vector_load %arg12[%swap3A_33, %swap3A_34] {strides = array<i32>} : memref<64x16xi32, #tpu.memory_space<vmem>>, vector<16xi32>,
    tpu.vector_store %arg12[%swap3A_33, %swap3A_34], %broadcast_in_dim3A_12 {strides = array<i32>} : memref<64x16xi32, #tpu.memory_space<vmem>>, vector<16xi32>,
    %swap3A_36 = arith.constant 6 : i32
    %swap3A_37 = arith.index_cast %swap3A_36 : i32 to index
    %swap3A_38 = arith.constant 0 : index
    %swap3A_39 = tpu.vector_load %arg12[%swap3A_37, %swap3A_38] {strides = array<i32>} : memref<64x16xi32, #tpu.memory_space<vmem>>, vector<16xi32>,
    tpu.vector_store %arg12[%swap3A_37, %swap3A_38], %broadcast_in_dim3A_12 {strides = array<i32>} : memref<64x16xi32, #tpu.memory_space<vmem>>, vector<16xi32>,
    %swap3A_40 = arith.constant 7 : i32
    %swap3A_41 = arith.index_cast %swap3A_40 : i32 to index
    %swap3A_42 = arith.constant 0 : index
    %swap3A_43 = tpu.vector_load %arg12[%swap3A_41, %swap3A_42] {strides = array<i32>} : memref<64x16xi32, #tpu.memory_space<vmem>>, vector<16xi32>,
    tpu.vector_store %arg12[%swap3A_41, %swap3A_42], %broadcast_in_dim3A_12 {strides = array<i32>} : memref<64x16xi32, #tpu.memory_space<vmem>>, vector<16xi32>,
    %swap3A_44 = arith.constant 8 : i32
    %swap3A_45 = arith.index_cast %swap3A_44 : i32 to index
    %swap3A_46 = arith.constant 0 : index
    %swap3A_47 = tpu.vector_load %arg12[%swap3A_45, %swap3A_46] {strides = array<i32>} : memref<64x16xi32, #tpu.memory_space<vmem>>, vector<16xi32>,
    tpu.vector_store %arg12[%swap3A_45, %swap3A_46], %broadcast_in_dim3A_12 {strides = array<i32>} : memref<64x16xi32, #tpu.memory_space<vmem>>, vector<16xi32>,
    %swap3A_48 = arith.constant 9 : i32
    %swap3A_49 = arith.index_cast %swap3A_48 : i32 to index
    %swap3A_50 = arith.constant 0 : index
    %swap3A_51 = tpu.vector_load %arg12[%swap3A_49, %swap3A_50] {strides = array<i32>} : memref<64x16xi32, #tpu.memory_space<vmem>>, vector<16xi32>,
    tpu.vector_store %arg12[%swap3A_49, %swap3A_50], %broadcast_in_dim3A_12 {strides = array<i32>} : memref<64x16xi32, #tpu.memory_space<vmem>>, vector<16xi32>,
    %swap3A_52 = arith.constant 10 : i32
    %swap3A_53 = arith.index_cast %swap3A_52 : i32 to index
    %swap3A_54 = arith.constant 0 : index
    %swap3A_55 = tpu.vector_load %arg12[%swap3A_53, %swap3A_54] {strides = array<i32>} : memref<64x16xi32, #tpu.memory_space<vmem>>, vector<16xi32>,
    tpu.vector_store %arg12[%swap3A_53, %swap3A_54], %broadcast_in_dim3A_12 {strides = array<i32>} : memref<64x16xi32, #tpu.memory_space<vmem>>, vector<16xi32>,
    %swap3A_56 = arith.constant 11 : i32
    %swap3A_57 = arith.index_cast %swap3A_56 : i32 to index
    %swap3A_58 = arith.constant 0 : index
    %swap3A_59 = tpu.vector_load %arg12[%swap3A_57, %swap3A_58] {strides = array<i32>} : memref<64x16xi32, #tpu.memory_space<vmem>>, vector<16xi32>,
    tpu.vector_store %arg12[%swap3A_57, %swap3A_58], %broadcast_in_dim3A_12 {strides = array<i32>} : memref<64x16xi32, #tpu.memory_space<vmem>>, vector<16xi32>,
    %swap3A_60 = arith.constant 12 : i32
    %swap3A_61 = arith.index_cast %swap3A_60 : i32 to index
    %swap3A_62 = arith.constant 0 : index
    %swap3A_63 = tpu.vector_load %arg12[%swap3A_61, %swap3A_62] {strides = array<i32>} : memref<64x16xi32, #tpu.memory_space<vmem>>, vector<16xi32>,
    tpu.vector_store %arg12[%swap3A_61, %swap3A_62], %broadcast_in_dim3A_12 {strides = array<i32>} : memref<64x16xi32, #tpu.memory_space<vmem>>, vector<16xi32>,
    %swap3A_64 = arith.constant 13 : i32
    %swap3A_65 = arith.index_cast %swap3A_64 : i32 to index
    %swap3A_66 = arith.constant 0 : index
    %swap3A_67 = tpu.vector_load %arg12[%swap3A_65, %swap3A_66] {strides = array<i32>} : memref<64x16xi32, #tpu.memory_space<vmem>>, vector<16xi32>,
    tpu.vector_store %arg12[%swap3A_65, %swap3A_66], %broadcast_in_dim3A_12 {strides = array<i32>} : memref<64x16xi32, #tpu.memory_space<vmem>>, vector<16xi32>,
    %swap3A_68 = arith.constant 14 : i32
    %swap3A_69 = arith.index_cast %swap3A_68 : i32 to index
    %swap3A_70 = arith.constant 0 : index
    %swap3A_71 = tpu.vector_load %arg12[%swap3A_69, %swap3A_70] {strides = array<i32>} : memref<64x16xi32, #tpu.memory_space<vmem>>, vector<16xi32>,
    tpu.vector_store %arg12[%swap3A_69, %swap3A_70], %broadcast_in_dim3A_12 {strides = array<i32>} : memref<64x16xi32, #tpu.memory_space<vmem>>, vector<16xi32>,
    %swap3A_72 = arith.constant 15 : i32
    %swap3A_73 = arith.index_cast %swap3A_72 : i32 to index
    %swap3A_74 = arith.constant 0 : index
    %swap3A_75 = tpu.vector_load %arg12[%swap3A_73, %swap3A_74] {strides = array<i32>} : memref<64x16xi32, #tpu.memory_space<vmem>>, vector<16xi32>,
    tpu.vector_store %arg12[%swap3A_73, %swap3A_74], %broadcast_in_dim3A_12 {strides = array<i32>} : memref<64x16xi32, #tpu.memory_space<vmem>>, vector<16xi32>,
    %swap3A_76 = arith.constant 16 : i32
    %swap3A_77 = arith.index_cast %swap3A_76 : i32 to index
    %swap3A_78 = arith.constant 0 : index
    %swap3A_79 = tpu.vector_load %arg12[%swap3A_77, %swap3A_78] {strides = array<i32>} : memref<64x16xi32, #tpu.memory_space<vmem>>, vector<16xi32>,
    tpu.vector_store %arg12[%swap3A_77, %swap3A_78], %broadcast_in_dim3A_12 {strides = array<i32>} : memref<64x16xi32, #tpu.memory_space<vmem>>, vector<16xi32>,
    %swap3A_80 = arith.constant 17 : i32
    %swap3A_81 = arith.index_cast %swap3A_80 : i32 to index
    %swap3A_82 = arith.constant 0 : index
    %swap3A_83 = tpu.vector_load %arg12[%swap3A_81, %swap3A_82] {strides = array<i32>} : memref<64x16xi32, #tpu.memory_space<vmem>>, vector<16xi32>,
    tpu.vector_store %arg12[%swap3A_81, %swap3A_82], %broadcast_in_dim3A_12 {strides = array<i32>} : memref<64x16xi32, #tpu.memory_space<vmem>>, vector<16xi32>,
    %swap3A_84 = arith.constant 18 : i32
    %swap3A_85 = arith.index_cast %swap3A_84 : i32 to index
    %swap3A_86 = arith.constant 0 : index
    %swap3A_87 = tpu.vector_load %arg12[%swap3A_85, %swap3A_86] {strides = array<i32>} : memref<64x16xi32, #tpu.memory_space<vmem>>, vector<16xi32>,
    tpu.vector_store %arg12[%swap3A_85, %swap3A_86], %broadcast_in_dim3A_12 {strides = array<i32>} : memref<64x16xi32, #tpu.memory_space<vmem>>, vector<16xi32>,
    %swap3A_88 = arith.constant 19 : i32
    %swap3A_89 = arith.index_cast %swap3A_88 : i32 to index
    %swap3A_90 = arith.constant 0 : index
    %swap3A_91 = tpu.vector_load %arg12[%swap3A_89, %swap3A_90] {strides = array<i32>} : memref<64x16xi32, #tpu.memory_space<vmem>>, vector<16xi32>,
    tpu.vector_store %arg12[%swap3A_89, %swap3A_90], %broadcast_in_dim3A_12 {strides = array<i32>} : memref<64x16xi32, #tpu.memory_space<vmem>>, vector<16xi32>,
    %swap3A_92 = arith.constant 20 : i32
    %swap3A_93 = arith.index_cast %swap3A_92 : i32 to index
    %swap3A_94 = arith.constant 0 : index
    %swap3A_95 = tpu.vector_load %arg12[%swap3A_93, %swap3A_94] {strides = array<i32>} : memref<64x16xi32, #tpu.memory_space<vmem>>, vector<16xi32>,
    tpu.vector_store %arg12[%swap3A_93, %swap3A_94], %broadcast_in_dim3A_12 {strides = array<i32>} : memref<64x16xi32, #tpu.memory_space<vmem>>, vector<16xi32>,
    %swap3A_96 = arith.constant 21 : i32
    %swap3A_97 = arith.index_cast %swap3A_96 : i32 to index
    %swap3A_98 = arith.constant 0 : index
    %swap3A_99 = tpu.vector_load %arg12[%swap3A_97, %swap3A_98] {strides = array<i32>} : memref<64x16xi32, #tpu.memory_space<vmem>>, vector<16xi32>,
    tpu.vector_store %arg12[%swap3A_97, %swap3A_98], %broadcast_in_dim3A_12 {strides = array<i32>} : memref<64x16xi32, #tpu.memory_space<vmem>>, vector<16xi32>,
    %swap3A_100 = arith.constant 22 : i32
    %swap3A_101 = arith.index_cast %swap3A_100 : i32 to index
    %swap3A_102 = arith.constant 0 : index
    %swap3A_103 = tpu.vector_load %arg12[%swap3A_101, %swap3A_102] {strides = array<i32>} : memref<64x16xi32, #tpu.memory_space<vmem>>, vector<16xi32>,
    tpu.vector_store %arg12[%swap3A_101, %swap3A_102], %broadcast_in_dim3A_12 {strides = array<i32>} : memref<64x16xi32, #tpu.memory_space<vmem>>, vector<16xi32>,
    %swap3A_104 = arith.constant 23 : i32
    %swap3A_105 = arith.index_cast %swap3A_104 : i32 to index
    %swap3A_106 = arith.constant 0 : index
    %swap3A_107 = tpu.vector_load %arg12[%swap3A_105, %swap3A_106] {strides = array<i32>} : memref<64x16xi32, #tpu.memory_space<vmem>>, vector<16xi32>,
    tpu.vector_store %arg12[%swap3A_105, %swap3A_106], %broadcast_in_dim3A_12 {strides = array<i32>} : memref<64x16xi32, #tpu.memory_space<vmem>>, vector<16xi32>,
    %swap3A_108 = arith.constant 24 : i32
    %swap3A_109 = arith.index_cast %swap3A_108 : i32 to index
    %swap3A_110 = arith.constant 0 : index
    %swap3A_111 = tpu.vector_load %arg12[%swap3A_109, %swap3A_110] {strides = array<i32>} : memref<64x16xi32, #tpu.memory_space<vmem>>, vector<16xi32>,
    tpu.vector_store %arg12[%swap3A_109, %swap3A_110], %broadcast_in_dim3A_12 {strides = array<i32>} : memref<64x16xi32, #tpu.memory_space<vmem>>, vector<16xi32>,
    %swap3A_112 = arith.constant 25 : i32
    %swap3A_113 = arith.index_cast %swap3A_112 : i32 to index
    %swap3A_114 = arith.constant 0 : index
    %swap3A_115 = tpu.vector_load %arg12[%swap3A_113, %swap3A_114] {strides = array<i32>} : memref<64x16xi32, #tpu.memory_space<vmem>>, vector<16xi32>,
    tpu.vector_store %arg12[%swap3A_113, %swap3A_114], %broadcast_in_dim3A_12 {strides = array<i32>} : memref<64x16xi32, #tpu.memory_space<vmem>>, vector<16xi32>,
    %swap3A_116 = arith.constant 26 : i32
    %swap3A_117 = arith.index_cast %swap3A_116 : i32 to index
    %swap3A_118 = arith.constant 0 : index
    %swap3A_119 = tpu.vector_load %arg12[%swap3A_117, %swap3A_118] {strides = array<i32>} : memref<64x16xi32, #tpu.memory_space<vmem>>, vector<16xi32>,
    tpu.vector_store %arg12[%swap3A_117, %swap3A_118], %broadcast_in_dim3A_12 {strides = array<i32>} : memref<64x16xi32, #tpu.memory_space<vmem>>, vector<16xi32>,
    %swap3A_120 = arith.constant 27 : i32
    %swap3A_121 = arith.index_cast %swap3A_120 : i32 to index
    %swap3A_122 = arith.constant 0 : index
    %swap3A_123 = tpu.vector_load %arg12[%swap3A_121, %swap3A_122] {strides = array<i32>} : memref<64x16xi32, #tpu.memory_space<vmem>>, vector<16xi32>,
    tpu.vector_store %arg12[%swap3A_121, %swap3A_122], %broadcast_in_dim3A_12 {strides = array<i32>} : memref<64x16xi32, #tpu.memory_space<vmem>>, vector<16xi32>,
    %swap3A_124 = arith.constant 28 : i32
    %swap3A_125 = arith.index_cast %swap3A_124 : i32 to index
    %swap3A_126 = arith.constant 0 : index
    %swap3A_127 = tpu.vector_load %arg12[%swap3A_125, %swap3A_126] {strides = array<i32>} : memref<64x16xi32, #tpu.memory_space<vmem>>, vector<16xi32>,
    tpu.vector_store %arg12[%swap3A_125, %swap3A_126], %broadcast_in_dim3A_12 {strides = array<i32>} : memref<64x16xi32, #tpu.memory_space<vmem>>, vector<16xi32>,
    %swap3A_128 = arith.constant 29 : i32
    %swap3A_129 = arith.index_cast %swap3A_128 : i32 to index
    %swap3A_130 = arith.constant 0 : index
    %swap3A_131 = tpu.vector_load %arg12[%swap3A_129, %swap3A_130] {strides = array<i32>} : memref<64x16xi32, #tpu.memory_space<vmem>>, vector<16xi32>,
    tpu.vector_store %arg12[%swap3A_129, %swap3A_130], %broadcast_in_dim3A_12 {strides = array<i32>} : memref<64x16xi32, #tpu.memory_space<vmem>>, vector<16xi32>,
    %swap3A_132 = arith.constant 30 : i32
    %swap3A_133 = arith.index_cast %swap3A_132 : i32 to index
    %swap3A_134 = arith.constant 0 : index
    %swap3A_135 = tpu.vector_load %arg12[%swap3A_133, %swap3A_134] {strides = array<i32>} : memref<64x16xi32, #tpu.memory_space<vmem>>, vector<16xi32>,
    tpu.vector_store %arg12[%swap3A_133, %swap3A_134], %broadcast_in_dim3A_12 {strides = array<i32>} : memref<64x16xi32, #tpu.memory_space<vmem>>, vector<16xi32>,
    %swap3A_136 = arith.constant 31 : i32
    %swap3A_137 = arith.index_cast %swap3A_136 : i32 to index
    %swap3A_138 = arith.constant 0 : index
    %swap3A_139 = tpu.vector_load %arg12[%swap3A_137, %swap3A_138] {strides = array<i32>} : memref<64x16xi32, #tpu.memory_space<vmem>>, vector<16xi32>,
    tpu.vector_store %arg12[%swap3A_137, %swap3A_138], %broadcast_in_dim3A_12 {strides = array<i32>} : memref<64x16xi32, #tpu.memory_space<vmem>>, vector<16xi32>,
    %swap3A_140 = arith.constant 32 : i32
    %swap3A_141 = arith.index_cast %swap3A_140 : i32 to index
    %swap3A_142 = arith.constant 0 : index
    %swap3A_143 = tpu.vector_load %arg12[%swap3A_141, %swap3A_142] {strides = array<i32>} : memref<64x16xi32, #tpu.memory_space<vmem>>, vector<16xi32>,
    tpu.vector_store %arg12[%swap3A_141, %swap3A_142], %broadcast_in_dim3A_12 {strides = array<i32>} : memref<64x16xi32, #tpu.memory_space<vmem>>, vector<16xi32>,
    %swap3A_144 = arith.constant 33 : i32
    %swap3A_145 = arith.index_cast %swap3A_144 : i32 to index
    %swap3A_146 = arith.constant 0 : index
    %swap3A_147 = tpu.vector_load %arg12[%swap3A_145, %swap3A_146] {strides = array<i32>} : memref<64x16xi32, #tpu.memory_space<vmem>>, vector<16xi32>,
    tpu.vector_store %arg12[%swap3A_145, %swap3A_146], %broadcast_in_dim3A_12 {strides = array<i32>} : memref<64x16xi32, #tpu.memory_space<vmem>>, vector<16xi32>,
    %swap3A_148 = arith.constant 34 : i32
    %swap3A_149 = arith.index_cast %swap3A_148 : i32 to index
    %swap3A_150 = arith.constant 0 : index
    %swap3A_151 = tpu.vector_load %arg12[%swap3A_149, %swap3A_150] {strides = array<i32>} : memref<64x16xi32, #tpu.memory_space<vmem>>, vector<16xi32>,
    tpu.vector_store %arg12[%swap3A_149, %swap3A_150], %broadcast_in_dim3A_12 {strides = array<i32>} : memref<64x16xi32, #tpu.memory_space<vmem>>, vector<16xi32>,
    %swap3A_152 = arith.constant 35 : i32
    %swap3A_153 = arith.index_cast %swap3A_152 : i32 to index
    %swap3A_154 = arith.constant 0 : index
    %swap3A_155 = tpu.vector_load %arg12[%swap3A_153, %swap3A_154] {strides = array<i32>} : memref<64x16xi32, #tpu.memory_space<vmem>>, vector<16xi32>,
    tpu.vector_store %arg12[%swap3A_153, %swap3A_154], %broadcast_in_dim3A_12 {strides = array<i32>} : memref<64x16xi32, #tpu.memory_space<vmem>>, vector<16xi32>,
    %swap3A_156 = arith.constant 36 : i32
    %swap3A_157 = arith.index_cast %swap3A_156 : i32 to index
    %swap3A_158 = arith.constant 0 : index
    %swap3A_159 = tpu.vector_load %arg12[%swap3A_157, %swap3A_158] {strides = array<i32>} : memref<64x16xi32, #tpu.memory_space<vmem>>, vector<16xi32>,
    tpu.vector_store %arg12[%swap3A_157, %swap3A_158], %broadcast_in_dim3A_12 {strides = array<i32>} : memref<64x16xi32, #tpu.memory_space<vmem>>, vector<16xi32>,
    %swap3A_160 = arith.constant 37 : i32
    %swap3A_161 = arith.index_cast %swap3A_160 : i32 to index
    %swap3A_162 = arith.constant 0 : index
    %swap3A_163 = tpu.vector_load %arg12[%swap3A_161, %swap3A_162] {strides = array<i32>} : memref<64x16xi32, #tpu.memory_space<vmem>>, vector<16xi32>,
    tpu.vector_store %arg12[%swap3A_161, %swap3A_162], %broadcast_in_dim3A_12 {strides = array<i32>} : memref<64x16xi32, #tpu.memory_space<vmem>>, vector<16xi32>,
    %swap3A_164 = arith.constant 38 : i32
    %swap3A_165 = arith.index_cast %swap3A_164 : i32 to index
    %swap3A_166 = arith.constant 0 : index
    %swap3A_167 = tpu.vector_load %arg12[%swap3A_165, %swap3A_166] {strides = array<i32>} : memref<64x16xi32, #tpu.memory_space<vmem>>, vector<16xi32>,
    tpu.vector_store %arg12[%swap3A_165, %swap3A_166], %broadcast_in_dim3A_12 {strides = array<i32>} : memref<64x16xi32, #tpu.memory_space<vmem>>, vector<16xi32>,
    %swap3A_168 = arith.constant 39 : i32
    %swap3A_169 = arith.index_cast %swap3A_168 : i32 to index
    %swap3A_170 = arith.constant 0 : index
    %swap3A_171 = tpu.vector_load %arg12[%swap3A_169, %swap3A_170] {strides = array<i32>} : memref<64x16xi32, #tpu.memory_space<vmem>>, vector<16xi32>,
    tpu.vector_store %arg12[%swap3A_169, %swap3A_170], %broadcast_in_dim3A_12 {strides = array<i32>} : memref<64x16xi32, #tpu.memory_space<vmem>>, vector<16xi32>,
    %swap3A_172 = arith.constant 40 : i32
    %swap3A_173 = arith.index_cast %swap3A_172 : i32 to index
    %swap3A_174 = arith.constant 0 : index
    %swap3A_175 = tpu.vector_load %arg12[%swap3A_173, %swap3A_174] {strides = array<i32>} : memref<64x16xi32, #tpu.memory_space<vmem>>, vector<16xi32>,
    tpu.vector_store %arg12[%swap3A_173, %swap3A_174], %broadcast_in_dim3A_12 {strides = array<i32>} : memref<64x16xi32, #tpu.memory_space<vmem>>, vector<16xi32>,
    %swap3A_176 = arith.constant 41 : i32
    %swap3A_177 = arith.index_cast %swap3A_176 : i32 to index
    %swap3A_178 = arith.constant 0 : index
    %swap3A_179 = tpu.vector_load %arg12[%swap3A_177, %swap3A_178] {strides = array<i32>} : memref<64x16xi32, #tpu.memory_space<vmem>>, vector<16xi32>,
    tpu.vector_store %arg12[%swap3A_177, %swap3A_178], %broadcast_in_dim3A_12 {strides = array<i32>} : memref<64x16xi32, #tpu.memory_space<vmem>>, vector<16xi32>,
    %swap3A_180 = arith.constant 42 : i32
    %swap3A_181 = arith.index_cast %swap3A_180 : i32 to index
    %swap3A_182 = arith.constant 0 : index
    %swap3A_183 = tpu.vector_load %arg12[%swap3A_181, %swap3A_182] {strides = array<i32>} : memref<64x16xi32, #tpu.memory_space<vmem>>, vector<16xi32>,
    tpu.vector_store %arg12[%swap3A_181, %swap3A_182], %broadcast_in_dim3A_12 {strides = array<i32>} : memref<64x16xi32, #tpu.memory_space<vmem>>, vector<16xi32>,
    %swap3A_184 = arith.constant 43 : i32
    %swap3A_185 = arith.index_cast %swap3A_184 : i32 to index
    %swap3A_186 = arith.constant 0 : index
    %swap3A_187 = tpu.vector_load %arg12[%swap3A_185, %swap3A_186] {strides = array<i32>} : memref<64x16xi32, #tpu.memory_space<vmem>>, vector<16xi32>,
    tpu.vector_store %arg12[%swap3A_185, %swap3A_186], %broadcast_in_dim3A_12 {strides = array<i32>} : memref<64x16xi32, #tpu.memory_space<vmem>>, vector<16xi32>,
    %swap3A_188 = arith.constant 44 : i32
    %swap3A_189 = arith.index_cast %swap3A_188 : i32 to index
    %swap3A_190 = arith.constant 0 : index
    %swap3A_191 = tpu.vector_load %arg12[%swap3A_189, %swap3A_190] {strides = array<i32>} : memref<64x16xi32, #tpu.memory_space<vmem>>, vector<16xi32>,
    tpu.vector_store %arg12[%swap3A_189, %swap3A_190], %broadcast_in_dim3A_12 {strides = array<i32>} : memref<64x16xi32, #tpu.memory_space<vmem>>, vector<16xi32>,
    %swap3A_192 = arith.constant 45 : i32
    %swap3A_193 = arith.index_cast %swap3A_192 : i32 to index
    %swap3A_194 = arith.constant 0 : index
    %swap3A_195 = tpu.vector_load %arg12[%swap3A_193, %swap3A_194] {strides = array<i32>} : memref<64x16xi32, #tpu.memory_space<vmem>>, vector<16xi32>,
    tpu.vector_store %arg12[%swap3A_193, %swap3A_194], %broadcast_in_dim3A_12 {strides = array<i32>} : memref<64x16xi32, #tpu.memory_space<vmem>>, vector<16xi32>,
    %swap3A_196 = arith.constant 46 : i32
    %swap3A_197 = arith.index_cast %swap3A_196 : i32 to index
    %swap3A_198 = arith.constant 0 : index
    %swap3A_199 = tpu.vector_load %arg12[%swap3A_197, %swap3A_198] {strides = array<i32>} : memref<64x16xi32, #tpu.memory_space<vmem>>, vector<16xi32>,
    tpu.vector_store %arg12[%swap3A_197, %swap3A_198], %broadcast_in_dim3A_12 {strides = array<i32>} : memref<64x16xi32, #tpu.memory_space<vmem>>, vector<16xi32>,
    %swap3A_200 = arith.constant 47 : i32
    %swap3A_201 = arith.index_cast %swap3A_200 : i32 to index
    %swap3A_202 = arith.constant 0 : index
    %swap3A_203 = tpu.vector_load %arg12[%swap3A_201, %swap3A_202] {strides = array<i32>} : memref<64x16xi32, #tpu.memory_space<vmem>>, vector<16xi32>,
    tpu.vector_store %arg12[%swap3A_201, %swap3A_202], %broadcast_in_dim3A_12 {strides = array<i32>} : memref<64x16xi32, #tpu.memory_space<vmem>>, vector<16xi32>,
    %swap3A_204 = arith.constant 48 : i32
    %swap3A_205 = arith.index_cast %swap3A_204 : i32 to index
    %swap3A_206 = arith.constant 0 : index
    %swap3A_207 = tpu.vector_load %arg12[%swap3A_205, %swap3A_206] {strides = array<i32>} : memref<64x16xi32, #tpu.memory_space<vmem>>, vector<16xi32>,
    tpu.vector_store %arg12[%swap3A_205, %swap3A_206], %broadcast_in_dim3A_12 {strides = array<i32>} : memref<64x16xi32, #tpu.memory_space<vmem>>, vector<16xi32>,
    %swap3A_208 = arith.constant 49 : i32
    %swap3A_209 = arith.index_cast %swap3A_208 : i32 to index
    %swap3A_210 = arith.constant 0 : index
    %swap3A_211 = tpu.vector_load %arg12[%swap3A_209, %swap3A_210] {strides = array<i32>} : memref<64x16xi32, #tpu.memory_space<vmem>>, vector<16xi32>,
    tpu.vector_store %arg12[%swap3A_209, %swap3A_210], %broadcast_in_dim3A_12 {strides = array<i32>} : memref<64x16xi32, #tpu.memory_space<vmem>>, vector<16xi32>,
    %swap3A_212 = arith.constant 50 : i32
    %swap3A_213 = arith.index_cast %swap3A_212 : i32 to index
    %swap3A_214 = arith.constant 0 : index
    %swap3A_215 = tpu.vector_load %arg12[%swap3A_213, %swap3A_214] {strides = array<i32>} : memref<64x16xi32, #tpu.memory_space<vmem>>, vector<16xi32>,
    tpu.vector_store %arg12[%swap3A_213, %swap3A_214], %broadcast_in_dim3A_12 {strides = array<i32>} : memref<64x16xi32, #tpu.memory_space<vmem>>, vector<16xi32>,
    %swap3A_216 = arith.constant 51 : i32
    %swap3A_217 = arith.index_cast %swap3A_216 : i32 to index
    %swap3A_218 = arith.constant 0 : index
    %swap3A_219 = tpu.vector_load %arg12[%swap3A_217, %swap3A_218] {strides = array<i32>} : memref<64x16xi32, #tpu.memory_space<vmem>>, vector<16xi32>,
    tpu.vector_store %arg12[%swap3A_217, %swap3A_218], %broadcast_in_dim3A_12 {strides = array<i32>} : memref<64x16xi32, #tpu.memory_space<vmem>>, vector<16xi32>,
    %swap3A_220 = arith.constant 52 : i32
    %swap3A_221 = arith.index_cast %swap3A_220 : i32 to index
    %swap3A_222 = arith.constant 0 : index
    %swap3A_223 = tpu.vector_load %arg12[%swap3A_221, %swap3A_222] {strides = array<i32>} : memref<64x16xi32, #tpu.memory_space<vmem>>, vector<16xi32>,
    tpu.vector_store %arg12[%swap3A_221, %swap3A_222], %broadcast_in_dim3A_12 {strides = array<i32>} : memref<64x16xi32, #tpu.memory_space<vmem>>, vector<16xi32>,
    %swap3A_224 = arith.constant 53 : i32
    %swap3A_225 = arith.index_cast %swap3A_224 : i32 to index
    %swap3A_226 = arith.constant 0 : index
    %swap3A_227 = tpu.vector_load %arg12[%swap3A_225, %swap3A_226] {strides = array<i32>} : memref<64x16xi32, #tpu.memory_space<vmem>>, vector<16xi32>,
    tpu.vector_store %arg12[%swap3A_225, %swap3A_226], %broadcast_in_dim3A_12 {strides = array<i32>} : memref<64x16xi32, #tpu.memory_space<vmem>>, vector<16xi32>,
    %swap3A_228 = arith.constant 54 : i32
    %swap3A_229 = arith.index_cast %swap3A_228 : i32 to index
    %swap3A_230 = arith.constant 0 : index
    %swap3A_231 = tpu.vector_load %arg12[%swap3A_229, %swap3A_230] {strides = array<i32>} : memref<64x16xi32, #tpu.memory_space<vmem>>, vector<16xi32>,
    tpu.vector_store %arg12[%swap3A_229, %swap3A_230], %broadcast_in_dim3A_12 {strides = array<i32>} : memref<64x16xi32, #tpu.memory_space<vmem>>, vector<16xi32>,
    %swap3A_232 = arith.constant 55 : i32
    %swap3A_233 = arith.index_cast %swap3A_232 : i32 to index
    %swap3A_234 = arith.constant 0 : index
    %swap3A_235 = tpu.vector_load %arg12[%swap3A_233, %swap3A_234] {strides = array<i32>} : memref<64x16xi32, #tpu.memory_space<vmem>>, vector<16xi32>,
    tpu.vector_store %arg12[%swap3A_233, %swap3A_234], %broadcast_in_dim3A_12 {strides = array<i32>} : memref<64x16xi32, #tpu.memory_space<vmem>>, vector<16xi32>,
    %swap3A_236 = arith.constant 56 : i32
    %swap3A_237 = arith.index_cast %swap3A_236 : i32 to index
    %swap3A_238 = arith.constant 0 : index
    %swap3A_239 = tpu.vector_load %arg12[%swap3A_237, %swap3A_238] {strides = array<i32>} : memref<64x16xi32, #tpu.memory_space<vmem>>, vector<16xi32>,
    tpu.vector_store %arg12[%swap3A_237, %swap3A_238], %broadcast_in_dim3A_12 {strides = array<i32>} : memref<64x16xi32, #tpu.memory_space<vmem>>, vector<16xi32>,
    %swap3A_240 = arith.constant 57 : i32
    %swap3A_241 = arith.index_cast %swap3A_240 : i32 to index
    %swap3A_242 = arith.constant 0 : index
    %swap3A_243 = tpu.vector_load %arg12[%swap3A_241, %swap3A_242] {strides = array<i32>} : memref<64x16xi32, #tpu.memory_space<vmem>>, vector<16xi32>,
    tpu.vector_store %arg12[%swap3A_241, %swap3A_242], %broadcast_in_dim3A_12 {strides = array<i32>} : memref<64x16xi32, #tpu.memory_space<vmem>>, vector<16xi32>,
    %swap3A_244 = arith.constant 58 : i32
    %swap3A_245 = arith.index_cast %swap3A_244 : i32 to index
    %swap3A_246 = arith.constant 0 : index
    %swap3A_247 = tpu.vector_load %arg12[%swap3A_245, %swap3A_246] {strides = array<i32>} : memref<64x16xi32, #tpu.memory_space<vmem>>, vector<16xi32>,
    tpu.vector_store %arg12[%swap3A_245, %swap3A_246], %broadcast_in_dim3A_12 {strides = array<i32>} : memref<64x16xi32, #tpu.memory_space<vmem>>, vector<16xi32>,
    %swap3A_248 = arith.constant 59 : i32
    %swap3A_249 = arith.index_cast %swap3A_248 : i32 to index
    %swap3A_250 = arith.constant 0 : index
    %swap3A_251 = tpu.vector_load %arg12[%swap3A_249, %swap3A_250] {strides = array<i32>} : memref<64x16xi32, #tpu.memory_space<vmem>>, vector<16xi32>,
    tpu.vector_store %arg12[%swap3A_249, %swap3A_250], %broadcast_in_dim3A_12 {strides = array<i32>} : memref<64x16xi32, #tpu.memory_space<vmem>>, vector<16xi32>,
    %swap3A_252 = arith.constant 60 : i32
    %swap3A_253 = arith.index_cast %swap3A_252 : i32 to index
    %swap3A_254 = arith.constant 0 : index
    %swap3A_255 = tpu.vector_load %arg12[%swap3A_253, %swap3A_254] {strides = array<i32>} : memref<64x16xi32, #tpu.memory_space<vmem>>, vector<16xi32>,
    tpu.vector_store %arg12[%swap3A_253, %swap3A_254], %broadcast_in_dim3A_12 {strides = array<i32>} : memref<64x16xi32, #tpu.memory_space<vmem>>, vector<16xi32>,
    %swap3A_256 = arith.constant 61 : i32
    %swap3A_257 = arith.index_cast %swap3A_256 : i32 to index
    %swap3A_258 = arith.constant 0 : index
    %swap3A_259 = tpu.vector_load %arg12[%swap3A_257, %swap3A_258] {strides = array<i32>} : memref<64x16xi32, #tpu.memory_space<vmem>>, vector<16xi32>,
    tpu.vector_store %arg12[%swap3A_257, %swap3A_258], %broadcast_in_dim3A_12 {strides = array<i32>} : memref<64x16xi32, #tpu.memory_space<vmem>>, vector<16xi32>,
    %swap3A_260 = arith.constant 62 : i32
    %swap3A_261 = arith.index_cast %swap3A_260 : i32 to index
    %swap3A_262 = arith.constant 0 : index
    %swap3A_263 = tpu.vector_load %arg12[%swap3A_261, %swap3A_262] {strides = array<i32>} : memref<64x16xi32, #tpu.memory_space<vmem>>, vector<16xi32>,
    tpu.vector_store %arg12[%swap3A_261, %swap3A_262], %broadcast_in_dim3A_12 {strides = array<i32>} : memref<64x16xi32, #tpu.memory_space<vmem>>, vector<16xi32>,
    %swap3A_264 = arith.constant 63 : i32
    %swap3A_265 = arith.index_cast %swap3A_264 : i32 to index
    %swap3A_266 = arith.constant 0 : index
    %swap3A_267 = tpu.vector_load %arg12[%swap3A_265, %swap3A_266] {strides = array<i32>} : memref<64x16xi32, #tpu.memory_space<vmem>>, vector<16xi32>,
    tpu.vector_store %arg12[%swap3A_265, %swap3A_266], %broadcast_in_dim3A_12 {strides = array<i32>} : memref<64x16xi32, #tpu.memory_space<vmem>>, vector<16xi32>,
    %swap3A_268 = arith.constant 0 : i32
    %swap3A_269 = arith.index_cast %swap3A_268 : i32 to index
    %swap3A_270 = arith.constant 0 : index
    %swap3A_271 = tpu.vector_load %arg13[%swap3A_269, %swap3A_270] {strides = array<i32>} : memref<64x16xi32, #tpu.memory_space<vmem>>, vector<16xi32>,
    tpu.vector_store %arg13[%swap3A_269, %swap3A_270], %broadcast_in_dim3A_12 {strides = array<i32>} : memref<64x16xi32, #tpu.memory_space<vmem>>, vector<16xi32>,
    %swap3A_272 = arith.constant 1 : i32
    %swap3A_273 = arith.index_cast %swap3A_272 : i32 to index
    %swap3A_274 = arith.constant 0 : index
    %swap3A_275 = tpu.vector_load %arg13[%swap3A_273, %swap3A_274] {strides = array<i32>} : memref<64x16xi32, #tpu.memory_space<vmem>>, vector<16xi32>,
    tpu.vector_store %arg13[%swap3A_273, %swap3A_274], %broadcast_in_dim3A_12 {strides = array<i32>} : memref<64x16xi32, #tpu.memory_space<vmem>>, vector<16xi32>,
    %swap3A_276 = arith.constant 2 : i32
    %swap3A_277 = arith.index_cast %swap3A_276 : i32 to index
    %swap3A_278 = arith.constant 0 : index
    %swap3A_279 = tpu.vector_load %arg13[%swap3A_277, %swap3A_278] {strides = array<i32>} : memref<64x16xi32, #tpu.memory_space<vmem>>, vector<16xi32>,
    tpu.vector_store %arg13[%swap3A_277, %swap3A_278], %broadcast_in_dim3A_12 {strides = array<i32>} : memref<64x16xi32, #tpu.memory_space<vmem>>, vector<16xi32>,
    %swap3A_280 = arith.constant 3 : i32
    %swap3A_281 = arith.index_cast %swap3A_280 : i32 to index
    %swap3A_282 = arith.constant 0 : index
    %swap3A_283 = tpu.vector_load %arg13[%swap3A_281, %swap3A_282] {strides = array<i32>} : memref<64x16xi32, #tpu.memory_space<vmem>>, vector<16xi32>,
    tpu.vector_store %arg13[%swap3A_281, %swap3A_282], %broadcast_in_dim3A_12 {strides = array<i32>} : memref<64x16xi32, #tpu.memory_space<vmem>>, vector<16xi32>,
    %swap3A_284 = arith.constant 4 : i32
    %swap3A_285 = arith.index_cast %swap3A_284 : i32 to index
    %swap3A_286 = arith.constant 0 : index
    %swap3A_287 = tpu.vector_load %arg13[%swap3A_285, %swap3A_286] {strides = array<i32>} : memref<64x16xi32, #tpu.memory_space<vmem>>, vector<16xi32>,
    tpu.vector_store %arg13[%swap3A_285, %swap3A_286], %broadcast_in_dim3A_12 {strides = array<i32>} : memref<64x16xi32, #tpu.memory_space<vmem>>, vector<16xi32>,
    %swap3A_288 = arith.constant 5 : i32
    %swap3A_289 = arith.index_cast %swap3A_288 : i32 to index
    %swap3A_290 = arith.constant 0 : index
    %swap3A_291 = tpu.vector_load %arg13[%swap3A_289, %swap3A_290] {strides = array<i32>} : memref<64x16xi32, #tpu.memory_space<vmem>>, vector<16xi32>,
    tpu.vector_store %arg13[%swap3A_289, %swap3A_290], %broadcast_in_dim3A_12 {strides = array<i32>} : memref<64x16xi32, #tpu.memory_space<vmem>>, vector<16xi32>,
    %swap3A_292 = arith.constant 6 : i32
    %swap3A_293 = arith.index_cast %swap3A_292 : i32 to index
    %swap3A_294 = arith.constant 0 : index
    %swap3A_295 = tpu.vector_load %arg13[%swap3A_293, %swap3A_294] {strides = array<i32>} : memref<64x16xi32, #tpu.memory_space<vmem>>, vector<16xi32>,
    tpu.vector_store %arg13[%swap3A_293, %swap3A_294], %broadcast_in_dim3A_12 {strides = array<i32>} : memref<64x16xi32, #tpu.memory_space<vmem>>, vector<16xi32>,
    %swap3A_296 = arith.constant 7 : i32
    %swap3A_297 = arith.index_cast %swap3A_296 : i32 to index
    %swap3A_298 = arith.constant 0 : index
    %swap3A_299 = tpu.vector_load %arg13[%swap3A_297, %swap3A_298] {strides = array<i32>} : memref<64x16xi32, #tpu.memory_space<vmem>>, vector<16xi32>,
    tpu.vector_store %arg13[%swap3A_297, %swap3A_298], %broadcast_in_dim3A_12 {strides = array<i32>} : memref<64x16xi32, #tpu.memory_space<vmem>>, vector<16xi32>,
    %swap3A_300 = arith.constant 8 : i32
    %swap3A_301 = arith.index_cast %swap3A_300 : i32 to index
    %swap3A_302 = arith.constant 0 : index
    %swap3A_303 = tpu.vector_load %arg13[%swap3A_301, %swap3A_302] {strides = array<i32>} : memref<64x16xi32, #tpu.memory_space<vmem>>, vector<16xi32>,
    tpu.vector_store %arg13[%swap3A_301, %swap3A_302], %broadcast_in_dim3A_12 {strides = array<i32>} : memref<64x16xi32, #tpu.memory_space<vmem>>, vector<16xi32>,
    %swap3A_304 = arith.constant 9 : i32
    %swap3A_305 = arith.index_cast %swap3A_304 : i32 to index
    %swap3A_306 = arith.constant 0 : index
    %swap3A_307 = tpu.vector_load %arg13[%swap3A_305, %swap3A_306] {strides = array<i32>} : memref<64x16xi32, #tpu.memory_space<vmem>>, vector<16xi32>,
    tpu.vector_store %arg13[%swap3A_305, %swap3A_306], %broadcast_in_dim3A_12 {strides = array<i32>} : memref<64x16xi32, #tpu.memory_space<vmem>>, vector<16xi32>,
    %swap3A_308 = arith.constant 10 : i32
    %swap3A_309 = arith.index_cast %swap3A_308 : i32 to index
    %swap3A_310 = arith.constant 0 : index
    %swap3A_311 = tpu.vector_load %arg13[%swap3A_309, %swap3A_310] {strides = array<i32>} : memref<64x16xi32, #tpu.memory_space<vmem>>, vector<16xi32>,
    tpu.vector_store %arg13[%swap3A_309, %swap3A_310], %broadcast_in_dim3A_12 {strides = array<i32>} : memref<64x16xi32, #tpu.memory_space<vmem>>, vector<16xi32>,
    %swap3A_312 = arith.constant 11 : i32
    %swap3A_313 = arith.index_cast %swap3A_312 : i32 to index
    %swap3A_314 = arith.constant 0 : index
    %swap3A_315 = tpu.vector_load %arg13[%swap3A_313, %swap3A_314] {strides = array<i32>} : memref<64x16xi32, #tpu.memory_space<vmem>>, vector<16xi32>,
    tpu.vector_store %arg13[%swap3A_313, %swap3A_314], %broadcast_in_dim3A_12 {strides = array<i32>} : memref<64x16xi32, #tpu.memory_space<vmem>>, vector<16xi32>,
    %swap3A_316 = arith.constant 12 : i32
    %swap3A_317 = arith.index_cast %swap3A_316 : i32 to index
    %swap3A_318 = arith.constant 0 : index
    %swap3A_319 = tpu.vector_load %arg13[%swap3A_317, %swap3A_318] {strides = array<i32>} : memref<64x16xi32, #tpu.memory_space<vmem>>, vector<16xi32>,
    tpu.vector_store %arg13[%swap3A_317, %swap3A_318], %broadcast_in_dim3A_12 {strides = array<i32>} : memref<64x16xi32, #tpu.memory_space<vmem>>, vector<16xi32>,
    %swap3A_320 = arith.constant 13 : i32
    %swap3A_321 = arith.index_cast %swap3A_320 : i32 to index
    %swap3A_322 = arith.constant 0 : index
    %swap3A_323 = tpu.vector_load %arg13[%swap3A_321, %swap3A_322] {strides = array<i32>} : memref<64x16xi32, #tpu.memory_space<vmem>>, vector<16xi32>,
    tpu.vector_store %arg13[%swap3A_321, %swap3A_322], %broadcast_in_dim3A_12 {strides = array<i32>} : memref<64x16xi32, #tpu.memory_space<vmem>>, vector<16xi32>,
    %swap3A_324 = arith.constant 14 : i32
    %swap3A_325 = arith.index_cast %swap3A_324 : i32 to index
    %swap3A_326 = arith.constant 0 : index
    %swap3A_327 = tpu.vector_load %arg13[%swap3A_325, %swap3A_326] {strides = array<i32>} : memref<64x16xi32, #tpu.memory_space<vmem>>, vector<16xi32>,
    tpu.vector_store %arg13[%swap3A_325, %swap3A_326], %broadcast_in_dim3A_12 {strides = array<i32>} : memref<64x16xi32, #tpu.memory_space<vmem>>, vector<16xi32>,
    %swap3A_328 = arith.constant 15 : i32
    %swap3A_329 = arith.index_cast %swap3A_328 : i32 to index
    %swap3A_330 = arith.constant 0 : index
    %swap3A_331 = tpu.vector_load %arg13[%swap3A_329, %swap3A_330] {strides = array<i32>} : memref<64x16xi32, #tpu.memory_space<vmem>>, vector<16xi32>,
    tpu.vector_store %arg13[%swap3A_329, %swap3A_330], %broadcast_in_dim3A_12 {strides = array<i32>} : memref<64x16xi32, #tpu.memory_space<vmem>>, vector<16xi32>,
    %swap3A_332 = arith.constant 16 : i32
    %swap3A_333 = arith.index_cast %swap3A_332 : i32 to index
    %swap3A_334 = arith.constant 0 : index
    %swap3A_335 = tpu.vector_load %arg13[%swap3A_333, %swap3A_334] {strides = array<i32>} : memref<64x16xi32, #tpu.memory_space<vmem>>, vector<16xi32>,
    tpu.vector_store %arg13[%swap3A_333, %swap3A_334], %broadcast_in_dim3A_12 {strides = array<i32>} : memref<64x16xi32, #tpu.memory_space<vmem>>, vector<16xi32>,
    %swap3A_336 = arith.constant 17 : i32
    %swap3A_337 = arith.index_cast %swap3A_336 : i32 to index
    %swap3A_338 = arith.constant 0 : index
    %swap3A_339 = tpu.vector_load %arg13[%swap3A_337, %swap3A_338] {strides = array<i32>} : memref<64x16xi32, #tpu.memory_space<vmem>>, vector<16xi32>,
    tpu.vector_store %arg13[%swap3A_337, %swap3A_338], %broadcast_in_dim3A_12 {strides = array<i32>} : memref<64x16xi32, #tpu.memory_space<vmem>>, vector<16xi32>,
    %swap3A_340 = arith.constant 18 : i32
    %swap3A_341 = arith.index_cast %swap3A_340 : i32 to index
    %swap3A_342 = arith.constant 0 : index
    %swap3A_343 = tpu.vector_load %arg13[%swap3A_341, %swap3A_342] {strides = array<i32>} : memref<64x16xi32, #tpu.memory_space<vmem>>, vector<16xi32>,
    tpu.vector_store %arg13[%swap3A_341, %swap3A_342], %broadcast_in_dim3A_12 {strides = array<i32>} : memref<64x16xi32, #tpu.memory_space<vmem>>, vector<16xi32>,
    %swap3A_344 = arith.constant 19 : i32
    %swap3A_345 = arith.index_cast %swap3A_344 : i32 to index
    %swap3A_346 = arith.constant 0 : index
    %swap3A_347 = tpu.vector_load %arg13[%swap3A_345, %swap3A_346] {strides = array<i32>} : memref<64x16xi32, #tpu.memory_space<vmem>>, vector<16xi32>,
    tpu.vector_store %arg13[%swap3A_345, %swap3A_346], %broadcast_in_dim3A_12 {strides = array<i32>} : memref<64x16xi32, #tpu.memory_space<vmem>>, vector<16xi32>,
    %swap3A_348 = arith.constant 20 : i32
    %swap3A_349 = arith.index_cast %swap3A_348 : i32 to index
    %swap3A_350 = arith.constant 0 : index
    %swap3A_351 = tpu.vector_load %arg13[%swap3A_349, %swap3A_350] {strides = array<i32>} : memref<64x16xi32, #tpu.memory_space<vmem>>, vector<16xi32>,
    tpu.vector_store %arg13[%swap3A_349, %swap3A_350], %broadcast_in_dim3A_12 {strides = array<i32>} : memref<64x16xi32, #tpu.memory_space<vmem>>, vector<16xi32>,
    %swap3A_352 = arith.constant 21 : i32
    %swap3A_353 = arith.index_cast %swap3A_352 : i32 to index
    %swap3A_354 = arith.constant 0 : index
    %swap3A_355 = tpu.vector_load %arg13[%swap3A_353, %swap3A_354] {strides = array<i32>} : memref<64x16xi32, #tpu.memory_space<vmem>>, vector<16xi32>,
    tpu.vector_store %arg13[%swap3A_353, %swap3A_354], %broadcast_in_dim3A_12 {strides = array<i32>} : memref<64x16xi32, #tpu.memory_space<vmem>>, vector<16xi32>,
    %swap3A_356 = arith.constant 22 : i32
    %swap3A_357 = arith.index_cast %swap3A_356 : i32 to index
    %swap3A_358 = arith.constant 0 : index
    %swap3A_359 = tpu.vector_load %arg13[%swap3A_357, %swap3A_358] {strides = array<i32>} : memref<64x16xi32, #tpu.memory_space<vmem>>, vector<16xi32>,
    tpu.vector_store %arg13[%swap3A_357, %swap3A_358], %broadcast_in_dim3A_12 {strides = array<i32>} : memref<64x16xi32, #tpu.memory_space<vmem>>, vector<16xi32>,
    %swap3A_360 = arith.constant 23 : i32
    %swap3A_361 = arith.index_cast %swap3A_360 : i32 to index
    %swap3A_362 = arith.constant 0 : index
    %swap3A_363 = tpu.vector_load %arg13[%swap3A_361, %swap3A_362] {strides = array<i32>} : memref<64x16xi32, #tpu.memory_space<vmem>>, vector<16xi32>,
    tpu.vector_store %arg13[%swap3A_361, %swap3A_362], %broadcast_in_dim3A_12 {strides = array<i32>} : memref<64x16xi32, #tpu.memory_space<vmem>>, vector<16xi32>,
    %swap3A_364 = arith.constant 24 : i32
    %swap3A_365 = arith.index_cast %swap3A_364 : i32 to index
    %swap3A_366 = arith.constant 0 : index
    %swap3A_367 = tpu.vector_load %arg13[%swap3A_365, %swap3A_366] {strides = array<i32>} : memref<64x16xi32, #tpu.memory_space<vmem>>, vector<16xi32>,
    tpu.vector_store %arg13[%swap3A_365, %swap3A_366], %broadcast_in_dim3A_12 {strides = array<i32>} : memref<64x16xi32, #tpu.memory_space<vmem>>, vector<16xi32>,
    %swap3A_368 = arith.constant 25 : i32
    %swap3A_369 = arith.index_cast %swap3A_368 : i32 to index
    %swap3A_370 = arith.constant 0 : index
    %swap3A_371 = tpu.vector_load %arg13[%swap3A_369, %swap3A_370] {strides = array<i32>} : memref<64x16xi32, #tpu.memory_space<vmem>>, vector<16xi32>,
    tpu.vector_store %arg13[%swap3A_369, %swap3A_370], %broadcast_in_dim3A_12 {strides = array<i32>} : memref<64x16xi32, #tpu.memory_space<vmem>>, vector<16xi32>,
    %swap3A_372 = arith.constant 26 : i32
    %swap3A_373 = arith.index_cast %swap3A_372 : i32 to index
    %swap3A_374 = arith.constant 0 : index
    %swap3A_375 = tpu.vector_load %arg13[%swap3A_373, %swap3A_374] {strides = array<i32>} : memref<64x16xi32, #tpu.memory_space<vmem>>, vector<16xi32>,
    tpu.vector_store %arg13[%swap3A_373, %swap3A_374], %broadcast_in_dim3A_12 {strides = array<i32>} : memref<64x16xi32, #tpu.memory_space<vmem>>, vector<16xi32>,
    %swap3A_376 = arith.constant 27 : i32
    %swap3A_377 = arith.index_cast %swap3A_376 : i32 to index
    %swap3A_378 = arith.constant 0 : index
    %swap3A_379 = tpu.vector_load %arg13[%swap3A_377, %swap3A_378] {strides = array<i32>} : memref<64x16xi32, #tpu.memory_space<vmem>>, vector<16xi32>,
    tpu.vector_store %arg13[%swap3A_377, %swap3A_378], %broadcast_in_dim3A_12 {strides = array<i32>} : memref<64x16xi32, #tpu.memory_space<vmem>>, vector<16xi32>,
    %swap3A_380 = arith.constant 28 : i32
    %swap3A_381 = arith.index_cast %swap3A_380 : i32 to index
    %swap3A_382 = arith.constant 0 : index
    %swap3A_383 = tpu.vector_load %arg13[%swap3A_381, %swap3A_382] {strides = array<i32>} : memref<64x16xi32, #tpu.memory_space<vmem>>, vector<16xi32>,
    tpu.vector_store %arg13[%swap3A_381, %swap3A_382], %broadcast_in_dim3A_12 {strides = array<i32>} : memref<64x16xi32, #tpu.memory_space<vmem>>, vector<16xi32>,
    %swap3A_384 = arith.constant 29 : i32
    %swap3A_385 = arith.index_cast %swap3A_384 : i32 to index
    %swap3A_386 = arith.constant 0 : index
    %swap3A_387 = tpu.vector_load %arg13[%swap3A_385, %swap3A_386] {strides = array<i32>} : memref<64x16xi32, #tpu.memory_space<vmem>>, vector<16xi32>,
    tpu.vector_store %arg13[%swap3A_385, %swap3A_386], %broadcast_in_dim3A_12 {strides = array<i32>} : memref<64x16xi32, #tpu.memory_space<vmem>>, vector<16xi32>,
    %swap3A_388 = arith.constant 30 : i32
    %swap3A_389 = arith.index_cast %swap3A_388 : i32 to index
    %swap3A_390 = arith.constant 0 : index
    %swap3A_391 = tpu.vector_load %arg13[%swap3A_389, %swap3A_390] {strides = array<i32>} : memref<64x16xi32, #tpu.memory_space<vmem>>, vector<16xi32>,
    tpu.vector_store %arg13[%swap3A_389, %swap3A_390], %broadcast_in_dim3A_12 {strides = array<i32>} : memref<64x16xi32, #tpu.memory_space<vmem>>, vector<16xi32>,
    %swap3A_392 = arith.constant 31 : i32
    %swap3A_393 = arith.index_cast %swap3A_392 : i32 to index
    %swap3A_394 = arith.constant 0 : index
    %swap3A_395 = tpu.vector_load %arg13[%swap3A_393, %swap3A_394] {strides = array<i32>} : memref<64x16xi32, #tpu.memory_space<vmem>>, vector<16xi32>,
    tpu.vector_store %arg13[%swap3A_393, %swap3A_394], %broadcast_in_dim3A_12 {strides = array<i32>} : memref<64x16xi32, #tpu.memory_space<vmem>>, vector<16xi32>,
    %swap3A_396 = arith.constant 32 : i32
    %swap3A_397 = arith.index_cast %swap3A_396 : i32 to index
    %swap3A_398 = arith.constant 0 : index
    %swap3A_399 = tpu.vector_load %arg13[%swap3A_397, %swap3A_398] {strides = array<i32>} : memref<64x16xi32, #tpu.memory_space<vmem>>, vector<16xi32>,
    tpu.vector_store %arg13[%swap3A_397, %swap3A_398], %broadcast_in_dim3A_12 {strides = array<i32>} : memref<64x16xi32, #tpu.memory_space<vmem>>, vector<16xi32>,
    %swap3A_400 = arith.constant 33 : i32
    %swap3A_401 = arith.index_cast %swap3A_400 : i32 to index
    %swap3A_402 = arith.constant 0 : index
    %swap3A_403 = tpu.vector_load %arg13[%swap3A_401, %swap3A_402] {strides = array<i32>} : memref<64x16xi32, #tpu.memory_space<vmem>>, vector<16xi32>,
    tpu.vector_store %arg13[%swap3A_401, %swap3A_402], %broadcast_in_dim3A_12 {strides = array<i32>} : memref<64x16xi32, #tpu.memory_space<vmem>>, vector<16xi32>,
    %swap3A_404 = arith.constant 34 : i32
    %swap3A_405 = arith.index_cast %swap3A_404 : i32 to index
    %swap3A_406 = arith.constant 0 : index
    %swap3A_407 = tpu.vector_load %arg13[%swap3A_405, %swap3A_406] {strides = array<i32>} : memref<64x16xi32, #tpu.memory_space<vmem>>, vector<16xi32>,
    tpu.vector_store %arg13[%swap3A_405, %swap3A_406], %broadcast_in_dim3A_12 {strides = array<i32>} : memref<64x16xi32, #tpu.memory_space<vmem>>, vector<16xi32>,
    %swap3A_408 = arith.constant 35 : i32
    %swap3A_409 = arith.index_cast %swap3A_408 : i32 to index
    %swap3A_410 = arith.constant 0 : index
    %swap3A_411 = tpu.vector_load %arg13[%swap3A_409, %swap3A_410] {strides = array<i32>} : memref<64x16xi32, #tpu.memory_space<vmem>>, vector<16xi32>,
    tpu.vector_store %arg13[%swap3A_409, %swap3A_410], %broadcast_in_dim3A_12 {strides = array<i32>} : memref<64x16xi32, #tpu.memory_space<vmem>>, vector<16xi32>,
    %swap3A_412 = arith.constant 36 : i32
    %swap3A_413 = arith.index_cast %swap3A_412 : i32 to index
    %swap3A_414 = arith.constant 0 : index
    %swap3A_415 = tpu.vector_load %arg13[%swap3A_413, %swap3A_414] {strides = array<i32>} : memref<64x16xi32, #tpu.memory_space<vmem>>, vector<16xi32>,
    tpu.vector_store %arg13[%swap3A_413, %swap3A_414], %broadcast_in_dim3A_12 {strides = array<i32>} : memref<64x16xi32, #tpu.memory_space<vmem>>, vector<16xi32>,
    %swap3A_416 = arith.constant 37 : i32
    %swap3A_417 = arith.index_cast %swap3A_416 : i32 to index
    %swap3A_418 = arith.constant 0 : index
    %swap3A_419 = tpu.vector_load %arg13[%swap3A_417, %swap3A_418] {strides = array<i32>} : memref<64x16xi32, #tpu.memory_space<vmem>>, vector<16xi32>,
    tpu.vector_store %arg13[%swap3A_417, %swap3A_418], %broadcast_in_dim3A_12 {strides = array<i32>} : memref<64x16xi32, #tpu.memory_space<vmem>>, vector<16xi32>,
    %swap3A_420 = arith.constant 38 : i32
    %swap3A_421 = arith.index_cast %swap3A_420 : i32 to index
    %swap3A_422 = arith.constant 0 : index
    %swap3A_423 = tpu.vector_load %arg13[%swap3A_421, %swap3A_422] {strides = array<i32>} : memref<64x16xi32, #tpu.memory_space<vmem>>, vector<16xi32>,
    tpu.vector_store %arg13[%swap3A_421, %swap3A_422], %broadcast_in_dim3A_12 {strides = array<i32>} : memref<64x16xi32, #tpu.memory_space<vmem>>, vector<16xi32>,
    %swap3A_424 = arith.constant 39 : i32
    %swap3A_425 = arith.index_cast %swap3A_424 : i32 to index
    %swap3A_426 = arith.constant 0 : index
    %swap3A_427 = tpu.vector_load %arg13[%swap3A_425, %swap3A_426] {strides = array<i32>} : memref<64x16xi32, #tpu.memory_space<vmem>>, vector<16xi32>,
    tpu.vector_store %arg13[%swap3A_425, %swap3A_426], %broadcast_in_dim3A_12 {strides = array<i32>} : memref<64x16xi32, #tpu.memory_space<vmem>>, vector<16xi32>,
    %swap3A_428 = arith.constant 40 : i32
    %swap3A_429 = arith.index_cast %swap3A_428 : i32 to index
    %swap3A_430 = arith.constant 0 : index
    %swap3A_431 = tpu.vector_load %arg13[%swap3A_429, %swap3A_430] {strides = array<i32>} : memref<64x16xi32, #tpu.memory_space<vmem>>, vector<16xi32>,
    tpu.vector_store %arg13[%swap3A_429, %swap3A_430], %broadcast_in_dim3A_12 {strides = array<i32>} : memref<64x16xi32, #tpu.memory_space<vmem>>, vector<16xi32>,
    %swap3A_432 = arith.constant 41 : i32
    %swap3A_433 = arith.index_cast %swap3A_432 : i32 to index
    %swap3A_434 = arith.constant 0 : index
    %swap3A_435 = tpu.vector_load %arg13[%swap3A_433, %swap3A_434] {strides = array<i32>} : memref<64x16xi32, #tpu.memory_space<vmem>>, vector<16xi32>,
    tpu.vector_store %arg13[%swap3A_433, %swap3A_434], %broadcast_in_dim3A_12 {strides = array<i32>} : memref<64x16xi32, #tpu.memory_space<vmem>>, vector<16xi32>,
    %swap3A_436 = arith.constant 42 : i32
    %swap3A_437 = arith.index_cast %swap3A_436 : i32 to index
    %swap3A_438 = arith.constant 0 : index
    %swap3A_439 = tpu.vector_load %arg13[%swap3A_437, %swap3A_438] {strides = array<i32>} : memref<64x16xi32, #tpu.memory_space<vmem>>, vector<16xi32>,
    tpu.vector_store %arg13[%swap3A_437, %swap3A_438], %broadcast_in_dim3A_12 {strides = array<i32>} : memref<64x16xi32, #tpu.memory_space<vmem>>, vector<16xi32>,
    %swap3A_440 = arith.constant 43 : i32
    %swap3A_441 = arith.index_cast %swap3A_440 : i32 to index
    %swap3A_442 = arith.constant 0 : index
    %swap3A_443 = tpu.vector_load %arg13[%swap3A_441, %swap3A_442] {strides = array<i32>} : memref<64x16xi32, #tpu.memory_space<vmem>>, vector<16xi32>,
    tpu.vector_store %arg13[%swap3A_441, %swap3A_442], %broadcast_in_dim3A_12 {strides = array<i32>} : memref<64x16xi32, #tpu.memory_space<vmem>>, vector<16xi32>,
    %swap3A_444 = arith.constant 44 : i32
    %swap3A_445 = arith.index_cast %swap3A_444 : i32 to index
    %swap3A_446 = arith.constant 0 : index
    %swap3A_447 = tpu.vector_load %arg13[%swap3A_445, %swap3A_446] {strides = array<i32>} : memref<64x16xi32, #tpu.memory_space<vmem>>, vector<16xi32>,
    tpu.vector_store %arg13[%swap3A_445, %swap3A_446], %broadcast_in_dim3A_12 {strides = array<i32>} : memref<64x16xi32, #tpu.memory_space<vmem>>, vector<16xi32>,
    %swap3A_448 = arith.constant 45 : i32
    %swap3A_449 = arith.index_cast %swap3A_448 : i32 to index
    %swap3A_450 = arith.constant 0 : index
    %swap3A_451 = tpu.vector_load %arg13[%swap3A_449, %swap3A_450] {strides = array<i32>} : memref<64x16xi32, #tpu.memory_space<vmem>>, vector<16xi32>,
    tpu.vector_store %arg13[%swap3A_449, %swap3A_450], %broadcast_in_dim3A_12 {strides = array<i32>} : memref<64x16xi32, #tpu.memory_space<vmem>>, vector<16xi32>,
    %swap3A_452 = arith.constant 46 : i32
    %swap3A_453 = arith.index_cast %swap3A_452 : i32 to index
    %swap3A_454 = arith.constant 0 : index
    %swap3A_455 = tpu.vector_load %arg13[%swap3A_453, %swap3A_454] {strides = array<i32>} : memref<64x16xi32, #tpu.memory_space<vmem>>, vector<16xi32>,
    tpu.vector_store %arg13[%swap3A_453, %swap3A_454], %broadcast_in_dim3A_12 {strides = array<i32>} : memref<64x16xi32, #tpu.memory_space<vmem>>, vector<16xi32>,
    %swap3A_456 = arith.constant 47 : i32
    %swap3A_457 = arith.index_cast %swap3A_456 : i32 to index
    %swap3A_458 = arith.constant 0 : index
    %swap3A_459 = tpu.vector_load %arg13[%swap3A_457, %swap3A_458] {strides = array<i32>} : memref<64x16xi32, #tpu.memory_space<vmem>>, vector<16xi32>,
    tpu.vector_store %arg13[%swap3A_457, %swap3A_458], %broadcast_in_dim3A_12 {strides = array<i32>} : memref<64x16xi32, #tpu.memory_space<vmem>>, vector<16xi32>,
    %swap3A_460 = arith.constant 48 : i32
    %swap3A_461 = arith.index_cast %swap3A_460 : i32 to index
    %swap3A_462 = arith.constant 0 : index
    %swap3A_463 = tpu.vector_load %arg13[%swap3A_461, %swap3A_462] {strides = array<i32>} : memref<64x16xi32, #tpu.memory_space<vmem>>, vector<16xi32>,
    tpu.vector_store %arg13[%swap3A_461, %swap3A_462], %broadcast_in_dim3A_12 {strides = array<i32>} : memref<64x16xi32, #tpu.memory_space<vmem>>, vector<16xi32>,
    %swap3A_464 = arith.constant 49 : i32
    %swap3A_465 = arith.index_cast %swap3A_464 : i32 to index
    %swap3A_466 = arith.constant 0 : index
    %swap3A_467 = tpu.vector_load %arg13[%swap3A_465, %swap3A_466] {strides = array<i32>} : memref<64x16xi32, #tpu.memory_space<vmem>>, vector<16xi32>,
    tpu.vector_store %arg13[%swap3A_465, %swap3A_466], %broadcast_in_dim3A_12 {strides = array<i32>} : memref<64x16xi32, #tpu.memory_space<vmem>>, vector<16xi32>,
    %swap3A_468 = arith.constant 50 : i32
    %swap3A_469 = arith.index_cast %swap3A_468 : i32 to index
    %swap3A_470 = arith.constant 0 : index
    %swap3A_471 = tpu.vector_load %arg13[%swap3A_469, %swap3A_470] {strides = array<i32>} : memref<64x16xi32, #tpu.memory_space<vmem>>, vector<16xi32>,
    tpu.vector_store %arg13[%swap3A_469, %swap3A_470], %broadcast_in_dim3A_12 {strides = array<i32>} : memref<64x16xi32, #tpu.memory_space<vmem>>, vector<16xi32>,
    %swap3A_472 = arith.constant 51 : i32
    %swap3A_473 = arith.index_cast %swap3A_472 : i32 to index
    %swap3A_474 = arith.constant 0 : index
    %swap3A_475 = tpu.vector_load %arg13[%swap3A_473, %swap3A_474] {strides = array<i32>} : memref<64x16xi32, #tpu.memory_space<vmem>>, vector<16xi32>,
    tpu.vector_store %arg13[%swap3A_473, %swap3A_474], %broadcast_in_dim3A_12 {strides = array<i32>} : memref<64x16xi32, #tpu.memory_space<vmem>>, vector<16xi32>,
    %swap3A_476 = arith.constant 52 : i32
    %swap3A_477 = arith.index_cast %swap3A_476 : i32 to index
    %swap3A_478 = arith.constant 0 : index
    %swap3A_479 = tpu.vector_load %arg13[%swap3A_477, %swap3A_478] {strides = array<i32>} : memref<64x16xi32, #tpu.memory_space<vmem>>, vector<16xi32>,
    tpu.vector_store %arg13[%swap3A_477, %swap3A_478], %broadcast_in_dim3A_12 {strides = array<i32>} : memref<64x16xi32, #tpu.memory_space<vmem>>, vector<16xi32>,
    %swap3A_480 = arith.constant 53 : i32
    %swap3A_481 = arith.index_cast %swap3A_480 : i32 to index
    %swap3A_482 = arith.constant 0 : index
    %swap3A_483 = tpu.vector_load %arg13[%swap3A_481, %swap3A_482] {strides = array<i32>} : memref<64x16xi32, #tpu.memory_space<vmem>>, vector<16xi32>,
    tpu.vector_store %arg13[%swap3A_481, %swap3A_482], %broadcast_in_dim3A_12 {strides = array<i32>} : memref<64x16xi32, #tpu.memory_space<vmem>>, vector<16xi32>,
    %swap3A_484 = arith.constant 54 : i32
    %swap3A_485 = arith.index_cast %swap3A_484 : i32 to index
    %swap3A_486 = arith.constant 0 : index
    %swap3A_487 = tpu.vector_load %arg13[%swap3A_485, %swap3A_486] {strides = array<i32>} : memref<64x16xi32, #tpu.memory_space<vmem>>, vector<16xi32>,
    tpu.vector_store %arg13[%swap3A_485, %swap3A_486], %broadcast_in_dim3A_12 {strides = array<i32>} : memref<64x16xi32, #tpu.memory_space<vmem>>, vector<16xi32>,
    %swap3A_488 = arith.constant 55 : i32
    %swap3A_489 = arith.index_cast %swap3A_488 : i32 to index
    %swap3A_490 = arith.constant 0 : index
    %swap3A_491 = tpu.vector_load %arg13[%swap3A_489, %swap3A_490] {strides = array<i32>} : memref<64x16xi32, #tpu.memory_space<vmem>>, vector<16xi32>,
    tpu.vector_store %arg13[%swap3A_489, %swap3A_490], %broadcast_in_dim3A_12 {strides = array<i32>} : memref<64x16xi32, #tpu.memory_space<vmem>>, vector<16xi32>,
    %swap3A_492 = arith.constant 56 : i32
    %swap3A_493 = arith.index_cast %swap3A_492 : i32 to index
    %swap3A_494 = arith.constant 0 : index
    %swap3A_495 = tpu.vector_load %arg13[%swap3A_493, %swap3A_494] {strides = array<i32>} : memref<64x16xi32, #tpu.memory_space<vmem>>, vector<16xi32>,
    tpu.vector_store %arg13[%swap3A_493, %swap3A_494], %broadcast_in_dim3A_12 {strides = array<i32>} : memref<64x16xi32, #tpu.memory_space<vmem>>, vector<16xi32>,
    %swap3A_496 = arith.constant 57 : i32
    %swap3A_497 = arith.index_cast %swap3A_496 : i32 to index
    %swap3A_498 = arith.constant 0 : index
    %swap3A_499 = tpu.vector_load %arg13[%swap3A_497, %swap3A_498] {strides = array<i32>} : memref<64x16xi32, #tpu.memory_space<vmem>>, vector<16xi32>,
    tpu.vector_store %arg13[%swap3A_497, %swap3A_498], %broadcast_in_dim3A_12 {strides = array<i32>} : memref<64x16xi32, #tpu.memory_space<vmem>>, vector<16xi32>,
    %swap3A_500 = arith.constant 58 : i32
    %swap3A_501 = arith.index_cast %swap3A_500 : i32 to index
    %swap3A_502 = arith.constant 0 : index
    %swap3A_503 = tpu.vector_load %arg13[%swap3A_501, %swap3A_502] {strides = array<i32>} : memref<64x16xi32, #tpu.memory_space<vmem>>, vector<16xi32>,
    tpu.vector_store %arg13[%swap3A_501, %swap3A_502], %broadcast_in_dim3A_12 {strides = array<i32>} : memref<64x16xi32, #tpu.memory_space<vmem>>, vector<16xi32>,
    %swap3A_504 = arith.constant 59 : i32
    %swap3A_505 = arith.index_cast %swap3A_504 : i32 to index
    %swap3A_506 = arith.constant 0 : index
    %swap3A_507 = tpu.vector_load %arg13[%swap3A_505, %swap3A_506] {strides = array<i32>} : memref<64x16xi32, #tpu.memory_space<vmem>>, vector<16xi32>,
    tpu.vector_store %arg13[%swap3A_505, %swap3A_506], %broadcast_in_dim3A_12 {strides = array<i32>} : memref<64x16xi32, #tpu.memory_space<vmem>>, vector<16xi32>,
    %swap3A_508 = arith.constant 60 : i32
    %swap3A_509 = arith.index_cast %swap3A_508 : i32 to index
    %swap3A_510 = arith.constant 0 : index
    %swap3A_511 = tpu.vector_load %arg13[%swap3A_509, %swap3A_510] {strides = array<i32>} : memref<64x16xi32, #tpu.memory_space<vmem>>, vector<16xi32>,
    tpu.vector_store %arg13[%swap3A_509, %swap3A_510], %broadcast_in_dim3A_12 {strides = array<i32>} : memref<64x16xi32, #tpu.memory_space<vmem>>, vector<16xi32>,
    %swap3A_512 = arith.constant 61 : i32
    %swap3A_513 = arith.index_cast %swap3A_512 : i32 to index
    %swap3A_514 = arith.constant 0 : index
    %swap3A_515 = tpu.vector_load %arg13[%swap3A_513, %swap3A_514] {strides = array<i32>} : memref<64x16xi32, #tpu.memory_space<vmem>>, vector<16xi32>,
    tpu.vector_store %arg13[%swap3A_513, %swap3A_514], %broadcast_in_dim3A_12 {strides = array<i32>} : memref<64x16xi32, #tpu.memory_space<vmem>>, vector<16xi32>,
    %swap3A_516 = arith.constant 62 : i32
    %swap3A_517 = arith.index_cast %swap3A_516 : i32 to index
    %swap3A_518 = arith.constant 0 : index
    %swap3A_519 = tpu.vector_load %arg13[%swap3A_517, %swap3A_518] {strides = array<i32>} : memref<64x16xi32, #tpu.memory_space<vmem>>, vector<16xi32>,
    tpu.vector_store %arg13[%swap3A_517, %swap3A_518], %broadcast_in_dim3A_12 {strides = array<i32>} : memref<64x16xi32, #tpu.memory_space<vmem>>, vector<16xi32>,
    %swap3A_520 = arith.constant 63 : i32
    %swap3A_521 = arith.index_cast %swap3A_520 : i32 to index
    %swap3A_522 = arith.constant 0 : index
    %swap3A_523 = tpu.vector_load %arg13[%swap3A_521, %swap3A_522] {strides = array<i32>} : memref<64x16xi32, #tpu.memory_space<vmem>>, vector<16xi32>,
    tpu.vector_store %arg13[%swap3A_521, %swap3A_522], %broadcast_in_dim3A_12 {strides = array<i32>} : memref<64x16xi32, #tpu.memory_space<vmem>>, vector<16xi32>,
    %swap3A_524 = arith.constant 0 : i32
    %swap3A_525 = arith.index_cast %swap3A_524 : i32 to index
    %swap3A_526 = arith.constant 0 : index
    %swap3A_527 = tpu.vector_load %arg14[%swap3A_525, %swap3A_526] {strides = array<i32>} : memref<64x16xi32, #tpu.memory_space<vmem>>, vector<16xi32>,
    tpu.vector_store %arg14[%swap3A_525, %swap3A_526], %broadcast_in_dim3A_12 {strides = array<i32>} : memref<64x16xi32, #tpu.memory_space<vmem>>, vector<16xi32>,
    %swap3A_528 = arith.constant 1 : i32
    %swap3A_529 = arith.index_cast %swap3A_528 : i32 to index
    %swap3A_530 = arith.constant 0 : index
    %swap3A_531 = tpu.vector_load %arg14[%swap3A_529, %swap3A_530] {strides = array<i32>} : memref<64x16xi32, #tpu.memory_space<vmem>>, vector<16xi32>,
    tpu.vector_store %arg14[%swap3A_529, %swap3A_530], %broadcast_in_dim3A_12 {strides = array<i32>} : memref<64x16xi32, #tpu.memory_space<vmem>>, vector<16xi32>,
    %swap3A_532 = arith.constant 2 : i32
    %swap3A_533 = arith.index_cast %swap3A_532 : i32 to index
    %swap3A_534 = arith.constant 0 : index
    %swap3A_535 = tpu.vector_load %arg14[%swap3A_533, %swap3A_534] {strides = array<i32>} : memref<64x16xi32, #tpu.memory_space<vmem>>, vector<16xi32>,
    tpu.vector_store %arg14[%swap3A_533, %swap3A_534], %broadcast_in_dim3A_12 {strides = array<i32>} : memref<64x16xi32, #tpu.memory_space<vmem>>, vector<16xi32>,
    %swap3A_536 = arith.constant 3 : i32
    %swap3A_537 = arith.index_cast %swap3A_536 : i32 to index
    %swap3A_538 = arith.constant 0 : index
    %swap3A_539 = tpu.vector_load %arg14[%swap3A_537, %swap3A_538] {strides = array<i32>} : memref<64x16xi32, #tpu.memory_space<vmem>>, vector<16xi32>,
    tpu.vector_store %arg14[%swap3A_537, %swap3A_538], %broadcast_in_dim3A_12 {strides = array<i32>} : memref<64x16xi32, #tpu.memory_space<vmem>>, vector<16xi32>,
    %swap3A_540 = arith.constant 4 : i32
    %swap3A_541 = arith.index_cast %swap3A_540 : i32 to index
    %swap3A_542 = arith.constant 0 : index
    %swap3A_543 = tpu.vector_load %arg14[%swap3A_541, %swap3A_542] {strides = array<i32>} : memref<64x16xi32, #tpu.memory_space<vmem>>, vector<16xi32>,
    tpu.vector_store %arg14[%swap3A_541, %swap3A_542], %broadcast_in_dim3A_12 {strides = array<i32>} : memref<64x16xi32, #tpu.memory_space<vmem>>, vector<16xi32>,
    %swap3A_544 = arith.constant 5 : i32
    %swap3A_545 = arith.index_cast %swap3A_544 : i32 to index
    %swap3A_546 = arith.constant 0 : index
    %swap3A_547 = tpu.vector_load %arg14[%swap3A_545, %swap3A_546] {strides = array<i32>} : memref<64x16xi32, #tpu.memory_space<vmem>>, vector<16xi32>,
    tpu.vector_store %arg14[%swap3A_545, %swap3A_546], %broadcast_in_dim3A_12 {strides = array<i32>} : memref<64x16xi32, #tpu.memory_space<vmem>>, vector<16xi32>,
    %swap3A_548 = arith.constant 6 : i32
    %swap3A_549 = arith.index_cast %swap3A_548 : i32 to index
    %swap3A_550 = arith.constant 0 : index
    %swap3A_551 = tpu.vector_load %arg14[%swap3A_549, %swap3A_550] {strides = array<i32>} : memref<64x16xi32, #tpu.memory_space<vmem>>, vector<16xi32>,
    tpu.vector_store %arg14[%swap3A_549, %swap3A_550], %broadcast_in_dim3A_12 {strides = array<i32>} : memref<64x16xi32, #tpu.memory_space<vmem>>, vector<16xi32>,
    %swap3A_552 = arith.constant 7 : i32
    %swap3A_553 = arith.index_cast %swap3A_552 : i32 to index
    %swap3A_554 = arith.constant 0 : index
    %swap3A_555 = tpu.vector_load %arg14[%swap3A_553, %swap3A_554] {strides = array<i32>} : memref<64x16xi32, #tpu.memory_space<vmem>>, vector<16xi32>,
    tpu.vector_store %arg14[%swap3A_553, %swap3A_554], %broadcast_in_dim3A_12 {strides = array<i32>} : memref<64x16xi32, #tpu.memory_space<vmem>>, vector<16xi32>,
    %swap3A_556 = arith.constant 8 : i32
    %swap3A_557 = arith.index_cast %swap3A_556 : i32 to index
    %swap3A_558 = arith.constant 0 : index
    %swap3A_559 = tpu.vector_load %arg14[%swap3A_557, %swap3A_558] {strides = array<i32>} : memref<64x16xi32, #tpu.memory_space<vmem>>, vector<16xi32>,
    tpu.vector_store %arg14[%swap3A_557, %swap3A_558], %broadcast_in_dim3A_12 {strides = array<i32>} : memref<64x16xi32, #tpu.memory_space<vmem>>, vector<16xi32>,
    %swap3A_560 = arith.constant 9 : i32
    %swap3A_561 = arith.index_cast %swap3A_560 : i32 to index
    %swap3A_562 = arith.constant 0 : index
    %swap3A_563 = tpu.vector_load %arg14[%swap3A_561, %swap3A_562] {strides = array<i32>} : memref<64x16xi32, #tpu.memory_space<vmem>>, vector<16xi32>,
    tpu.vector_store %arg14[%swap3A_561, %swap3A_562], %broadcast_in_dim3A_12 {strides = array<i32>} : memref<64x16xi32, #tpu.memory_space<vmem>>, vector<16xi32>,
    %swap3A_564 = arith.constant 10 : i32
    %swap3A_565 = arith.index_cast %swap3A_564 : i32 to index
    %swap3A_566 = arith.constant 0 : index
    %swap3A_567 = tpu.vector_load %arg14[%swap3A_565, %swap3A_566] {strides = array<i32>} : memref<64x16xi32, #tpu.memory_space<vmem>>, vector<16xi32>,
    tpu.vector_store %arg14[%swap3A_565, %swap3A_566], %broadcast_in_dim3A_12 {strides = array<i32>} : memref<64x16xi32, #tpu.memory_space<vmem>>, vector<16xi32>,
    %swap3A_568 = arith.constant 11 : i32
    %swap3A_569 = arith.index_cast %swap3A_568 : i32 to index
    %swap3A_570 = arith.constant 0 : index
    %swap3A_571 = tpu.vector_load %arg14[%swap3A_569, %swap3A_570] {strides = array<i32>} : memref<64x16xi32, #tpu.memory_space<vmem>>, vector<16xi32>,
    tpu.vector_store %arg14[%swap3A_569, %swap3A_570], %broadcast_in_dim3A_12 {strides = array<i32>} : memref<64x16xi32, #tpu.memory_space<vmem>>, vector<16xi32>,
    %swap3A_572 = arith.constant 12 : i32
    %swap3A_573 = arith.index_cast %swap3A_572 : i32 to index
    %swap3A_574 = arith.constant 0 : index
    %swap3A_575 = tpu.vector_load %arg14[%swap3A_573, %swap3A_574] {strides = array<i32>} : memref<64x16xi32, #tpu.memory_space<vmem>>, vector<16xi32>,
    tpu.vector_store %arg14[%swap3A_573, %swap3A_574], %broadcast_in_dim3A_12 {strides = array<i32>} : memref<64x16xi32, #tpu.memory_space<vmem>>, vector<16xi32>,
    %swap3A_576 = arith.constant 13 : i32
    %swap3A_577 = arith.index_cast %swap3A_576 : i32 to index
    %swap3A_578 = arith.constant 0 : index
    %swap3A_579 = tpu.vector_load %arg14[%swap3A_577, %swap3A_578] {strides = array<i32>} : memref<64x16xi32, #tpu.memory_space<vmem>>, vector<16xi32>,
    tpu.vector_store %arg14[%swap3A_577, %swap3A_578], %broadcast_in_dim3A_12 {strides = array<i32>} : memref<64x16xi32, #tpu.memory_space<vmem>>, vector<16xi32>,
    %swap3A_580 = arith.constant 14 : i32
    %swap3A_581 = arith.index_cast %swap3A_580 : i32 to index
    %swap3A_582 = arith.constant 0 : index
    %swap3A_583 = tpu.vector_load %arg14[%swap3A_581, %swap3A_582] {strides = array<i32>} : memref<64x16xi32, #tpu.memory_space<vmem>>, vector<16xi32>,
    tpu.vector_store %arg14[%swap3A_581, %swap3A_582], %broadcast_in_dim3A_12 {strides = array<i32>} : memref<64x16xi32, #tpu.memory_space<vmem>>, vector<16xi32>,
    %swap3A_584 = arith.constant 15 : i32
    %swap3A_585 = arith.index_cast %swap3A_584 : i32 to index
    %swap3A_586 = arith.constant 0 : index
    %swap3A_587 = tpu.vector_load %arg14[%swap3A_585, %swap3A_586] {strides = array<i32>} : memref<64x16xi32, #tpu.memory_space<vmem>>, vector<16xi32>,
    tpu.vector_store %arg14[%swap3A_585, %swap3A_586], %broadcast_in_dim3A_12 {strides = array<i32>} : memref<64x16xi32, #tpu.memory_space<vmem>>, vector<16xi32>,
    %swap3A_588 = arith.constant 16 : i32
    %swap3A_589 = arith.index_cast %swap3A_588 : i32 to index
    %swap3A_590 = arith.constant 0 : index
    %swap3A_591 = tpu.vector_load %arg14[%swap3A_589, %swap3A_590] {strides = array<i32>} : memref<64x16xi32, #tpu.memory_space<vmem>>, vector<16xi32>,
    tpu.vector_store %arg14[%swap3A_589, %swap3A_590], %broadcast_in_dim3A_12 {strides = array<i32>} : memref<64x16xi32, #tpu.memory_space<vmem>>, vector<16xi32>,
    %swap3A_592 = arith.constant 17 : i32
    %swap3A_593 = arith.index_cast %swap3A_592 : i32 to index
    %swap3A_594 = arith.constant 0 : index
    %swap3A_595 = tpu.vector_load %arg14[%swap3A_593, %swap3A_594] {strides = array<i32>} : memref<64x16xi32, #tpu.memory_space<vmem>>, vector<16xi32>,
    tpu.vector_store %arg14[%swap3A_593, %swap3A_594], %broadcast_in_dim3A_12 {strides = array<i32>} : memref<64x16xi32, #tpu.memory_space<vmem>>, vector<16xi32>,
    %swap3A_596 = arith.constant 18 : i32
    %swap3A_597 = arith.index_cast %swap3A_596 : i32 to index
    %swap3A_598 = arith.constant 0 : index
    %swap3A_599 = tpu.vector_load %arg14[%swap3A_597, %swap3A_598] {strides = array<i32>} : memref<64x16xi32, #tpu.memory_space<vmem>>, vector<16xi32>,
    tpu.vector_store %arg14[%swap3A_597, %swap3A_598], %broadcast_in_dim3A_12 {strides = array<i32>} : memref<64x16xi32, #tpu.memory_space<vmem>>, vector<16xi32>,
    %swap3A_600 = arith.constant 19 : i32
    %swap3A_601 = arith.index_cast %swap3A_600 : i32 to index
    %swap3A_602 = arith.constant 0 : index
    %swap3A_603 = tpu.vector_load %arg14[%swap3A_601, %swap3A_602] {strides = array<i32>} : memref<64x16xi32, #tpu.memory_space<vmem>>, vector<16xi32>,
    tpu.vector_store %arg14[%swap3A_601, %swap3A_602], %broadcast_in_dim3A_12 {strides = array<i32>} : memref<64x16xi32, #tpu.memory_space<vmem>>, vector<16xi32>,
    %swap3A_604 = arith.constant 20 : i32
    %swap3A_605 = arith.index_cast %swap3A_604 : i32 to index
    %swap3A_606 = arith.constant 0 : index
    %swap3A_607 = tpu.vector_load %arg14[%swap3A_605, %swap3A_606] {strides = array<i32>} : memref<64x16xi32, #tpu.memory_space<vmem>>, vector<16xi32>,
    tpu.vector_store %arg14[%swap3A_605, %swap3A_606], %broadcast_in_dim3A_12 {strides = array<i32>} : memref<64x16xi32, #tpu.memory_space<vmem>>, vector<16xi32>,
    %swap3A_608 = arith.constant 21 : i32
    %swap3A_609 = arith.index_cast %swap3A_608 : i32 to index
    %swap3A_610 = arith.constant 0 : index
    %swap3A_611 = tpu.vector_load %arg14[%swap3A_609, %swap3A_610] {strides = array<i32>} : memref<64x16xi32, #tpu.memory_space<vmem>>, vector<16xi32>,
    tpu.vector_store %arg14[%swap3A_609, %swap3A_610], %broadcast_in_dim3A_12 {strides = array<i32>} : memref<64x16xi32, #tpu.memory_space<vmem>>, vector<16xi32>,
    %swap3A_612 = arith.constant 22 : i32
    %swap3A_613 = arith.index_cast %swap3A_612 : i32 to index
    %swap3A_614 = arith.constant 0 : index
    %swap3A_615 = tpu.vector_load %arg14[%swap3A_613, %swap3A_614] {strides = array<i32>} : memref<64x16xi32, #tpu.memory_space<vmem>>, vector<16xi32>,
    tpu.vector_store %arg14[%swap3A_613, %swap3A_614], %broadcast_in_dim3A_12 {strides = array<i32>} : memref<64x16xi32, #tpu.memory_space<vmem>>, vector<16xi32>,
    %swap3A_616 = arith.constant 23 : i32
    %swap3A_617 = arith.index_cast %swap3A_616 : i32 to index
    %swap3A_618 = arith.constant 0 : index
    %swap3A_619 = tpu.vector_load %arg14[%swap3A_617, %swap3A_618] {strides = array<i32>} : memref<64x16xi32, #tpu.memory_space<vmem>>, vector<16xi32>,
    tpu.vector_store %arg14[%swap3A_617, %swap3A_618], %broadcast_in_dim3A_12 {strides = array<i32>} : memref<64x16xi32, #tpu.memory_space<vmem>>, vector<16xi32>,
    %swap3A_620 = arith.constant 24 : i32
    %swap3A_621 = arith.index_cast %swap3A_620 : i32 to index
    %swap3A_622 = arith.constant 0 : index
    %swap3A_623 = tpu.vector_load %arg14[%swap3A_621, %swap3A_622] {strides = array<i32>} : memref<64x16xi32, #tpu.memory_space<vmem>>, vector<16xi32>,
    tpu.vector_store %arg14[%swap3A_621, %swap3A_622], %broadcast_in_dim3A_12 {strides = array<i32>} : memref<64x16xi32, #tpu.memory_space<vmem>>, vector<16xi32>,
    %swap3A_624 = arith.constant 25 : i32
    %swap3A_625 = arith.index_cast %swap3A_624 : i32 to index
    %swap3A_626 = arith.constant 0 : index
    %swap3A_627 = tpu.vector_load %arg14[%swap3A_625, %swap3A_626] {strides = array<i32>} : memref<64x16xi32, #tpu.memory_space<vmem>>, vector<16xi32>,
    tpu.vector_store %arg14[%swap3A_625, %swap3A_626], %broadcast_in_dim3A_12 {strides = array<i32>} : memref<64x16xi32, #tpu.memory_space<vmem>>, vector<16xi32>,
    %swap3A_628 = arith.constant 26 : i32
    %swap3A_629 = arith.index_cast %swap3A_628 : i32 to index
    %swap3A_630 = arith.constant 0 : index
    %swap3A_631 = tpu.vector_load %arg14[%swap3A_629, %swap3A_630] {strides = array<i32>} : memref<64x16xi32, #tpu.memory_space<vmem>>, vector<16xi32>,
    tpu.vector_store %arg14[%swap3A_629, %swap3A_630], %broadcast_in_dim3A_12 {strides = array<i32>} : memref<64x16xi32, #tpu.memory_space<vmem>>, vector<16xi32>,
    %swap3A_632 = arith.constant 27 : i32
    %swap3A_633 = arith.index_cast %swap3A_632 : i32 to index
    %swap3A_634 = arith.constant 0 : index
    %swap3A_635 = tpu.vector_load %arg14[%swap3A_633, %swap3A_634] {strides = array<i32>} : memref<64x16xi32, #tpu.memory_space<vmem>>, vector<16xi32>,
    tpu.vector_store %arg14[%swap3A_633, %swap3A_634], %broadcast_in_dim3A_12 {strides = array<i32>} : memref<64x16xi32, #tpu.memory_space<vmem>>, vector<16xi32>,
    %swap3A_636 = arith.constant 28 : i32
    %swap3A_637 = arith.index_cast %swap3A_636 : i32 to index
    %swap3A_638 = arith.constant 0 : index
    %swap3A_639 = tpu.vector_load %arg14[%swap3A_637, %swap3A_638] {strides = array<i32>} : memref<64x16xi32, #tpu.memory_space<vmem>>, vector<16xi32>,
    tpu.vector_store %arg14[%swap3A_637, %swap3A_638], %broadcast_in_dim3A_12 {strides = array<i32>} : memref<64x16xi32, #tpu.memory_space<vmem>>, vector<16xi32>,
    %swap3A_640 = arith.constant 29 : i32
    %swap3A_641 = arith.index_cast %swap3A_640 : i32 to index
    %swap3A_642 = arith.constant 0 : index
    %swap3A_643 = tpu.vector_load %arg14[%swap3A_641, %swap3A_642] {strides = array<i32>} : memref<64x16xi32, #tpu.memory_space<vmem>>, vector<16xi32>,
    tpu.vector_store %arg14[%swap3A_641, %swap3A_642], %broadcast_in_dim3A_12 {strides = array<i32>} : memref<64x16xi32, #tpu.memory_space<vmem>>, vector<16xi32>,
    %swap3A_644 = arith.constant 30 : i32
    %swap3A_645 = arith.index_cast %swap3A_644 : i32 to index
    %swap3A_646 = arith.constant 0 : index
    %swap3A_647 = tpu.vector_load %arg14[%swap3A_645, %swap3A_646] {strides = array<i32>} : memref<64x16xi32, #tpu.memory_space<vmem>>, vector<16xi32>,
    tpu.vector_store %arg14[%swap3A_645, %swap3A_646], %broadcast_in_dim3A_12 {strides = array<i32>} : memref<64x16xi32, #tpu.memory_space<vmem>>, vector<16xi32>,
    %swap3A_648 = arith.constant 31 : i32
    %swap3A_649 = arith.index_cast %swap3A_648 : i32 to index
    %swap3A_650 = arith.constant 0 : index
    %swap3A_651 = tpu.vector_load %arg14[%swap3A_649, %swap3A_650] {strides = array<i32>} : memref<64x16xi32, #tpu.memory_space<vmem>>, vector<16xi32>,
    tpu.vector_store %arg14[%swap3A_649, %swap3A_650], %broadcast_in_dim3A_12 {strides = array<i32>} : memref<64x16xi32, #tpu.memory_space<vmem>>, vector<16xi32>,
    %swap3A_652 = arith.constant 32 : i32
    %swap3A_653 = arith.index_cast %swap3A_652 : i32 to index
    %swap3A_654 = arith.constant 0 : index
    %swap3A_655 = tpu.vector_load %arg14[%swap3A_653, %swap3A_654] {strides = array<i32>} : memref<64x16xi32, #tpu.memory_space<vmem>>, vector<16xi32>,
    tpu.vector_store %arg14[%swap3A_653, %swap3A_654], %broadcast_in_dim3A_12 {strides = array<i32>} : memref<64x16xi32, #tpu.memory_space<vmem>>, vector<16xi32>,
    %swap3A_656 = arith.constant 33 : i32
    %swap3A_657 = arith.index_cast %swap3A_656 : i32 to index
    %swap3A_658 = arith.constant 0 : index
    %swap3A_659 = tpu.vector_load %arg14[%swap3A_657, %swap3A_658] {strides = array<i32>} : memref<64x16xi32, #tpu.memory_space<vmem>>, vector<16xi32>,
    tpu.vector_store %arg14[%swap3A_657, %swap3A_658], %broadcast_in_dim3A_12 {strides = array<i32>} : memref<64x16xi32, #tpu.memory_space<vmem>>, vector<16xi32>,
    %swap3A_660 = arith.constant 34 : i32
    %swap3A_661 = arith.index_cast %swap3A_660 : i32 to index
    %swap3A_662 = arith.constant 0 : index
    %swap3A_663 = tpu.vector_load %arg14[%swap3A_661, %swap3A_662] {strides = array<i32>} : memref<64x16xi32, #tpu.memory_space<vmem>>, vector<16xi32>,
    tpu.vector_store %arg14[%swap3A_661, %swap3A_662], %broadcast_in_dim3A_12 {strides = array<i32>} : memref<64x16xi32, #tpu.memory_space<vmem>>, vector<16xi32>,
    %swap3A_664 = arith.constant 35 : i32
    %swap3A_665 = arith.index_cast %swap3A_664 : i32 to index
    %swap3A_666 = arith.constant 0 : index
    %swap3A_667 = tpu.vector_load %arg14[%swap3A_665, %swap3A_666] {strides = array<i32>} : memref<64x16xi32, #tpu.memory_space<vmem>>, vector<16xi32>,
    tpu.vector_store %arg14[%swap3A_665, %swap3A_666], %broadcast_in_dim3A_12 {strides = array<i32>} : memref<64x16xi32, #tpu.memory_space<vmem>>, vector<16xi32>,
    %swap3A_668 = arith.constant 36 : i32
    %swap3A_669 = arith.index_cast %swap3A_668 : i32 to index
    %swap3A_670 = arith.constant 0 : index
    %swap3A_671 = tpu.vector_load %arg14[%swap3A_669, %swap3A_670] {strides = array<i32>} : memref<64x16xi32, #tpu.memory_space<vmem>>, vector<16xi32>,
    tpu.vector_store %arg14[%swap3A_669, %swap3A_670], %broadcast_in_dim3A_12 {strides = array<i32>} : memref<64x16xi32, #tpu.memory_space<vmem>>, vector<16xi32>,
    %swap3A_672 = arith.constant 37 : i32
    %swap3A_673 = arith.index_cast %swap3A_672 : i32 to index
    %swap3A_674 = arith.constant 0 : index
    %swap3A_675 = tpu.vector_load %arg14[%swap3A_673, %swap3A_674] {strides = array<i32>} : memref<64x16xi32, #tpu.memory_space<vmem>>, vector<16xi32>,
    tpu.vector_store %arg14[%swap3A_673, %swap3A_674], %broadcast_in_dim3A_12 {strides = array<i32>} : memref<64x16xi32, #tpu.memory_space<vmem>>, vector<16xi32>,
    %swap3A_676 = arith.constant 38 : i32
    %swap3A_677 = arith.index_cast %swap3A_676 : i32 to index
    %swap3A_678 = arith.constant 0 : index
    %swap3A_679 = tpu.vector_load %arg14[%swap3A_677, %swap3A_678] {strides = array<i32>} : memref<64x16xi32, #tpu.memory_space<vmem>>, vector<16xi32>,
    tpu.vector_store %arg14[%swap3A_677, %swap3A_678], %broadcast_in_dim3A_12 {strides = array<i32>} : memref<64x16xi32, #tpu.memory_space<vmem>>, vector<16xi32>,
    %swap3A_680 = arith.constant 39 : i32
    %swap3A_681 = arith.index_cast %swap3A_680 : i32 to index
    %swap3A_682 = arith.constant 0 : index
    %swap3A_683 = tpu.vector_load %arg14[%swap3A_681, %swap3A_682] {strides = array<i32>} : memref<64x16xi32, #tpu.memory_space<vmem>>, vector<16xi32>,
    tpu.vector_store %arg14[%swap3A_681, %swap3A_682], %broadcast_in_dim3A_12 {strides = array<i32>} : memref<64x16xi32, #tpu.memory_space<vmem>>, vector<16xi32>,
    %swap3A_684 = arith.constant 40 : i32
    %swap3A_685 = arith.index_cast %swap3A_684 : i32 to index
    %swap3A_686 = arith.constant 0 : index
    %swap3A_687 = tpu.vector_load %arg14[%swap3A_685, %swap3A_686] {strides = array<i32>} : memref<64x16xi32, #tpu.memory_space<vmem>>, vector<16xi32>,
    tpu.vector_store %arg14[%swap3A_685, %swap3A_686], %broadcast_in_dim3A_12 {strides = array<i32>} : memref<64x16xi32, #tpu.memory_space<vmem>>, vector<16xi32>,
    %swap3A_688 = arith.constant 41 : i32
    %swap3A_689 = arith.index_cast %swap3A_688 : i32 to index
    %swap3A_690 = arith.constant 0 : index
    %swap3A_691 = tpu.vector_load %arg14[%swap3A_689, %swap3A_690] {strides = array<i32>} : memref<64x16xi32, #tpu.memory_space<vmem>>, vector<16xi32>,
    tpu.vector_store %arg14[%swap3A_689, %swap3A_690], %broadcast_in_dim3A_12 {strides = array<i32>} : memref<64x16xi32, #tpu.memory_space<vmem>>, vector<16xi32>,
    %swap3A_692 = arith.constant 42 : i32
    %swap3A_693 = arith.index_cast %swap3A_692 : i32 to index
    %swap3A_694 = arith.constant 0 : index
    %swap3A_695 = tpu.vector_load %arg14[%swap3A_693, %swap3A_694] {strides = array<i32>} : memref<64x16xi32, #tpu.memory_space<vmem>>, vector<16xi32>,
    tpu.vector_store %arg14[%swap3A_693, %swap3A_694], %broadcast_in_dim3A_12 {strides = array<i32>} : memref<64x16xi32, #tpu.memory_space<vmem>>, vector<16xi32>,
    %swap3A_696 = arith.constant 43 : i32
    %swap3A_697 = arith.index_cast %swap3A_696 : i32 to index
    %swap3A_698 = arith.constant 0 : index
    %swap3A_699 = tpu.vector_load %arg14[%swap3A_697, %swap3A_698] {strides = array<i32>} : memref<64x16xi32, #tpu.memory_space<vmem>>, vector<16xi32>,
    tpu.vector_store %arg14[%swap3A_697, %swap3A_698], %broadcast_in_dim3A_12 {strides = array<i32>} : memref<64x16xi32, #tpu.memory_space<vmem>>, vector<16xi32>,
    %swap3A_700 = arith.constant 44 : i32
    %swap3A_701 = arith.index_cast %swap3A_700 : i32 to index
    %swap3A_702 = arith.constant 0 : index
    %swap3A_703 = tpu.vector_load %arg14[%swap3A_701, %swap3A_702] {strides = array<i32>} : memref<64x16xi32, #tpu.memory_space<vmem>>, vector<16xi32>,
    tpu.vector_store %arg14[%swap3A_701, %swap3A_702], %broadcast_in_dim3A_12 {strides = array<i32>} : memref<64x16xi32, #tpu.memory_space<vmem>>, vector<16xi32>,
    %swap3A_704 = arith.constant 45 : i32
    %swap3A_705 = arith.index_cast %swap3A_704 : i32 to index
    %swap3A_706 = arith.constant 0 : index
    %swap3A_707 = tpu.vector_load %arg14[%swap3A_705, %swap3A_706] {strides = array<i32>} : memref<64x16xi32, #tpu.memory_space<vmem>>, vector<16xi32>,
    tpu.vector_store %arg14[%swap3A_705, %swap3A_706], %broadcast_in_dim3A_12 {strides = array<i32>} : memref<64x16xi32, #tpu.memory_space<vmem>>, vector<16xi32>,
    %swap3A_708 = arith.constant 46 : i32
    %swap3A_709 = arith.index_cast %swap3A_708 : i32 to index
    %swap3A_710 = arith.constant 0 : index
    %swap3A_711 = tpu.vector_load %arg14[%swap3A_709, %swap3A_710] {strides = array<i32>} : memref<64x16xi32, #tpu.memory_space<vmem>>, vector<16xi32>,
    tpu.vector_store %arg14[%swap3A_709, %swap3A_710], %broadcast_in_dim3A_12 {strides = array<i32>} : memref<64x16xi32, #tpu.memory_space<vmem>>, vector<16xi32>,
    %swap3A_712 = arith.constant 47 : i32
    %swap3A_713 = arith.index_cast %swap3A_712 : i32 to index
    %swap3A_714 = arith.constant 0 : index
    %swap3A_715 = tpu.vector_load %arg14[%swap3A_713, %swap3A_714] {strides = array<i32>} : memref<64x16xi32, #tpu.memory_space<vmem>>, vector<16xi32>,
    tpu.vector_store %arg14[%swap3A_713, %swap3A_714], %broadcast_in_dim3A_12 {strides = array<i32>} : memref<64x16xi32, #tpu.memory_space<vmem>>, vector<16xi32>,
    %swap3A_716 = arith.constant 48 : i32
    %swap3A_717 = arith.index_cast %swap3A_716 : i32 to index
    %swap3A_718 = arith.constant 0 : index
    %swap3A_719 = tpu.vector_load %arg14[%swap3A_717, %swap3A_718] {strides = array<i32>} : memref<64x16xi32, #tpu.memory_space<vmem>>, vector<16xi32>,
    tpu.vector_store %arg14[%swap3A_717, %swap3A_718], %broadcast_in_dim3A_12 {strides = array<i32>} : memref<64x16xi32, #tpu.memory_space<vmem>>, vector<16xi32>,
    %swap3A_720 = arith.constant 49 : i32
    %swap3A_721 = arith.index_cast %swap3A_720 : i32 to index
    %swap3A_722 = arith.constant 0 : index
    %swap3A_723 = tpu.vector_load %arg14[%swap3A_721, %swap3A_722] {strides = array<i32>} : memref<64x16xi32, #tpu.memory_space<vmem>>, vector<16xi32>,
    tpu.vector_store %arg14[%swap3A_721, %swap3A_722], %broadcast_in_dim3A_12 {strides = array<i32>} : memref<64x16xi32, #tpu.memory_space<vmem>>, vector<16xi32>,
    %swap3A_724 = arith.constant 50 : i32
    %swap3A_725 = arith.index_cast %swap3A_724 : i32 to index
    %swap3A_726 = arith.constant 0 : index
    %swap3A_727 = tpu.vector_load %arg14[%swap3A_725, %swap3A_726] {strides = array<i32>} : memref<64x16xi32, #tpu.memory_space<vmem>>, vector<16xi32>,
    tpu.vector_store %arg14[%swap3A_725, %swap3A_726], %broadcast_in_dim3A_12 {strides = array<i32>} : memref<64x16xi32, #tpu.memory_space<vmem>>, vector<16xi32>,
    %swap3A_728 = arith.constant 51 : i32
    %swap3A_729 = arith.index_cast %swap3A_728 : i32 to index
    %swap3A_730 = arith.constant 0 : index
    %swap3A_731 = tpu.vector_load %arg14[%swap3A_729, %swap3A_730] {strides = array<i32>} : memref<64x16xi32, #tpu.memory_space<vmem>>, vector<16xi32>,
    tpu.vector_store %arg14[%swap3A_729, %swap3A_730], %broadcast_in_dim3A_12 {strides = array<i32>} : memref<64x16xi32, #tpu.memory_space<vmem>>, vector<16xi32>,
    %swap3A_732 = arith.constant 52 : i32
    %swap3A_733 = arith.index_cast %swap3A_732 : i32 to index
    %swap3A_734 = arith.constant 0 : index
    %swap3A_735 = tpu.vector_load %arg14[%swap3A_733, %swap3A_734] {strides = array<i32>} : memref<64x16xi32, #tpu.memory_space<vmem>>, vector<16xi32>,
    tpu.vector_store %arg14[%swap3A_733, %swap3A_734], %broadcast_in_dim3A_12 {strides = array<i32>} : memref<64x16xi32, #tpu.memory_space<vmem>>, vector<16xi32>,
    %swap3A_736 = arith.constant 53 : i32
    %swap3A_737 = arith.index_cast %swap3A_736 : i32 to index
    %swap3A_738 = arith.constant 0 : index
    %swap3A_739 = tpu.vector_load %arg14[%swap3A_737, %swap3A_738] {strides = array<i32>} : memref<64x16xi32, #tpu.memory_space<vmem>>, vector<16xi32>,
    tpu.vector_store %arg14[%swap3A_737, %swap3A_738], %broadcast_in_dim3A_12 {strides = array<i32>} : memref<64x16xi32, #tpu.memory_space<vmem>>, vector<16xi32>,
    %swap3A_740 = arith.constant 54 : i32
    %swap3A_741 = arith.index_cast %swap3A_740 : i32 to index
    %swap3A_742 = arith.constant 0 : index
    %swap3A_743 = tpu.vector_load %arg14[%swap3A_741, %swap3A_742] {strides = array<i32>} : memref<64x16xi32, #tpu.memory_space<vmem>>, vector<16xi32>,
    tpu.vector_store %arg14[%swap3A_741, %swap3A_742], %broadcast_in_dim3A_12 {strides = array<i32>} : memref<64x16xi32, #tpu.memory_space<vmem>>, vector<16xi32>,
    %swap3A_744 = arith.constant 55 : i32
    %swap3A_745 = arith.index_cast %swap3A_744 : i32 to index
    %swap3A_746 = arith.constant 0 : index
    %swap3A_747 = tpu.vector_load %arg14[%swap3A_745, %swap3A_746] {strides = array<i32>} : memref<64x16xi32, #tpu.memory_space<vmem>>, vector<16xi32>,
    tpu.vector_store %arg14[%swap3A_745, %swap3A_746], %broadcast_in_dim3A_12 {strides = array<i32>} : memref<64x16xi32, #tpu.memory_space<vmem>>, vector<16xi32>,
    %swap3A_748 = arith.constant 56 : i32
    %swap3A_749 = arith.index_cast %swap3A_748 : i32 to index
    %swap3A_750 = arith.constant 0 : index
    %swap3A_751 = tpu.vector_load %arg14[%swap3A_749, %swap3A_750] {strides = array<i32>} : memref<64x16xi32, #tpu.memory_space<vmem>>, vector<16xi32>,
    tpu.vector_store %arg14[%swap3A_749, %swap3A_750], %broadcast_in_dim3A_12 {strides = array<i32>} : memref<64x16xi32, #tpu.memory_space<vmem>>, vector<16xi32>,
    %swap3A_752 = arith.constant 57 : i32
    %swap3A_753 = arith.index_cast %swap3A_752 : i32 to index
    %swap3A_754 = arith.constant 0 : index
    %swap3A_755 = tpu.vector_load %arg14[%swap3A_753, %swap3A_754] {strides = array<i32>} : memref<64x16xi32, #tpu.memory_space<vmem>>, vector<16xi32>,
    tpu.vector_store %arg14[%swap3A_753, %swap3A_754], %broadcast_in_dim3A_12 {strides = array<i32>} : memref<64x16xi32, #tpu.memory_space<vmem>>, vector<16xi32>,
    %swap3A_756 = arith.constant 58 : i32
    %swap3A_757 = arith.index_cast %swap3A_756 : i32 to index
    %swap3A_758 = arith.constant 0 : index
    %swap3A_759 = tpu.vector_load %arg14[%swap3A_757, %swap3A_758] {strides = array<i32>} : memref<64x16xi32, #tpu.memory_space<vmem>>, vector<16xi32>,
    tpu.vector_store %arg14[%swap3A_757, %swap3A_758], %broadcast_in_dim3A_12 {strides = array<i32>} : memref<64x16xi32, #tpu.memory_space<vmem>>, vector<16xi32>,
    %swap3A_760 = arith.constant 59 : i32
    %swap3A_761 = arith.index_cast %swap3A_760 : i32 to index
    %swap3A_762 = arith.constant 0 : index
    %swap3A_763 = tpu.vector_load %arg14[%swap3A_761, %swap3A_762] {strides = array<i32>} : memref<64x16xi32, #tpu.memory_space<vmem>>, vector<16xi32>,
    tpu.vector_store %arg14[%swap3A_761, %swap3A_762], %broadcast_in_dim3A_12 {strides = array<i32>} : memref<64x16xi32, #tpu.memory_space<vmem>>, vector<16xi32>,
    %swap3A_764 = arith.constant 60 : i32
    %swap3A_765 = arith.index_cast %swap3A_764 : i32 to index
    %swap3A_766 = arith.constant 0 : index
    %swap3A_767 = tpu.vector_load %arg14[%swap3A_765, %swap3A_766] {strides = array<i32>} : memref<64x16xi32, #tpu.memory_space<vmem>>, vector<16xi32>,
    tpu.vector_store %arg14[%swap3A_765, %swap3A_766], %broadcast_in_dim3A_12 {strides = array<i32>} : memref<64x16xi32, #tpu.memory_space<vmem>>, vector<16xi32>,
    %swap3A_768 = arith.constant 61 : i32
    %swap3A_769 = arith.index_cast %swap3A_768 : i32 to index
    %swap3A_770 = arith.constant 0 : index
    %swap3A_771 = tpu.vector_load %arg14[%swap3A_769, %swap3A_770] {strides = array<i32>} : memref<64x16xi32, #tpu.memory_space<vmem>>, vector<16xi32>,
    tpu.vector_store %arg14[%swap3A_769, %swap3A_770], %broadcast_in_dim3A_12 {strides = array<i32>} : memref<64x16xi32, #tpu.memory_space<vmem>>, vector<16xi32>,
    %swap3A_772 = arith.constant 62 : i32
    %swap3A_773 = arith.index_cast %swap3A_772 : i32 to index
    %swap3A_774 = arith.constant 0 : index
    %swap3A_775 = tpu.vector_load %arg14[%swap3A_773, %swap3A_774] {strides = array<i32>} : memref<64x16xi32, #tpu.memory_space<vmem>>, vector<16xi32>,
    tpu.vector_store %arg14[%swap3A_773, %swap3A_774], %broadcast_in_dim3A_12 {strides = array<i32>} : memref<64x16xi32, #tpu.memory_space<vmem>>, vector<16xi32>,
    %swap3A_776 = arith.constant 63 : i32
    %swap3A_777 = arith.index_cast %swap3A_776 : i32 to index
    %swap3A_778 = arith.constant 0 : index
    %swap3A_779 = tpu.vector_load %arg14[%swap3A_777, %swap3A_778] {strides = array<i32>} : memref<64x16xi32, #tpu.memory_space<vmem>>, vector<16xi32>,
    tpu.vector_store %arg14[%swap3A_777, %swap3A_778], %broadcast_in_dim3A_12 {strides = array<i32>} : memref<64x16xi32, #tpu.memory_space<vmem>>, vector<16xi32>,
    %dma_wait3A = arith.constant 0 : i32
    %dma_wait3A_780 = tpu.memref_slice %arg3[%mul3A_2, %dma_wait3A] : memref<512x512xi32, #tpu.memory_space<hbm>> -> memref<16x512xi32, #tpu.memory_space<hbm>>
    %dma_wait3A_781 = arith.constant 0 : i32
    %dma_wait3A_782 = tpu.memref_slice %arg3[%mul3A_2, %dma_wait3A_781] : memref<512x512xi32, #tpu.memory_space<hbm>> -> memref<16x512xi32, #tpu.memory_space<hbm>>
    tpu.wait_dma2 semaphore(%arg15 : memref<!tpu.dma_semaphore, #tpu.memory_space<semaphore_mem>>) src(%dma_wait3A_782 : memref<16x512xi32, #tpu.memory_space<hbm>>) dst(%arg10 : memref<16x512xi32, #tpu.memory_space<vmem>>)
    %dma_wait3A_783 = arith.constant 0 : i32
    %dma_wait3A_784 = tpu.memref_slice %arg4[%mul3A_2, %dma_wait3A_783] : memref<512x512xi32, #tpu.memory_space<hbm>> -> memref<16x512xi32, #tpu.memory_space<hbm>>
    %dma_wait3A_785 = arith.constant 0 : i32
    %dma_wait3A_786 = tpu.memref_slice %arg4[%mul3A_2, %dma_wait3A_785] : memref<512x512xi32, #tpu.memory_space<hbm>> -> memref<16x512xi32, #tpu.memory_space<hbm>>
    tpu.wait_dma2 semaphore(%arg16 : memref<!tpu.dma_semaphore, #tpu.memory_space<semaphore_mem>>) src(%dma_wait3A_786 : memref<16x512xi32, #tpu.memory_space<hbm>>) dst(%arg11 : memref<16x512xi32, #tpu.memory_space<vmem>>)
    %iota3A = tpu.iota {dimensions = array<i32: 0>} : vector<16xi32>
    %broadcast_in_dim3A_787 = arith.constant 1 : i32
    %broadcast_in_dim3A_788 = vector.broadcast %broadcast_in_dim3A_787 : i32 to vector<16xi32>
    %parallel_loop3A = arith.constant 0 : i32
    %parallel_loop3A_789 = arith.constant 512 : i32
    %parallel_loop3A_790 = arith.constant 1 : i32
    scf.for %parallel_loop3A_793 = %parallel_loop3A to %parallel_loop3A_789 step %parallel_loop3A_790  : i32 {
      %parallel_loop3A_794 = arith.constant 5 : i32
      %parallel_loop3A_795 = arith.shrsi %parallel_loop3A_793, %parallel_loop3A_794 : i32
      %parallel_loop3A_796 = arith.constant 31 : i32
      %parallel_loop3A_797 = arith.andi %parallel_loop3A_793, %parallel_loop3A_796 : i32
      %parallel_loop3A_798 = arith.constant 16 : i32
      %parallel_loop3A_799 = arith.muli %parallel_loop3A_797, %parallel_loop3A_798 : i32
      %parallel_loop3A_800 = arith.index_cast %parallel_loop3A_795 : i32 to index
      %parallel_loop3A_801 = arith.index_cast %parallel_loop3A_799 : i32 to index
      %parallel_loop3A_802 = tpu.vector_load %arg10[%parallel_loop3A_800, %parallel_loop3A_801] {strides = array<i32>} : memref<16x512xi32, #tpu.memory_space<vmem>>, vector<16xi32>,
      %parallel_loop3A_803 = arith.index_cast %parallel_loop3A_795 : i32 to index
      %parallel_loop3A_804 = arith.index_cast %parallel_loop3A_799 : i32 to index
      %parallel_loop3A_805 = tpu.vector_load %arg11[%parallel_loop3A_803, %parallel_loop3A_804] {strides = array<i32>} : memref<16x512xi32, #tpu.memory_space<vmem>>, vector<16xi32>,
      %parallel_loop3A_806 = tpu.vector_load_idx %arg9[%parallel_loop3A_802] : memref<1024xi32, #tpu.memory_space<vmem>>[vector<16xi32>], vector<16xi32>,
      tpu.vector_store_idx %arg12[%parallel_loop3A_806, %iota3A], %broadcast_in_dim3A_788 {add = true} : memref<64x16xi32, #tpu.memory_space<vmem>>[vector<16xi32>, vector<16xi32>], vector<16xi32>,
      tpu.vector_store_idx %arg13[%parallel_loop3A_805, %iota3A], %broadcast_in_dim3A_788 {add = true} : memref<64x16xi32, #tpu.memory_space<vmem>>[vector<16xi32>, vector<16xi32>], vector<16xi32>,
      %parallel_loop3A_807 = arith.cmpi eq, %parallel_loop3A_806, %parallel_loop3A_805 : vector<16xi32>
      tpu.vector_store_idx %arg14[%parallel_loop3A_806, %iota3A], %broadcast_in_dim3A_788 masked %parallel_loop3A_807 {add = true} : memref<64x16xi32, #tpu.memory_space<vmem>>[vector<16xi32>, vector<16xi32>], vector<16xi32>, vector<16xi1>
    } {sc.loop_unroll_factor = 4 : i64, sc.parallel_access}
    %run_scoped3A = arith.constant 0 : i32
    "tpu.region"() ({
      %run_scoped3A_793 = tpu.sem_alloc : memref<!tpu.dma_semaphore, #tpu.memory_space<semaphore_mem>>
      %dma_start3A_794 = arith.constant 0 : i32
      %dma_start3A_795 = arith.constant 0 : i32
      %dma_start3A_796 = tpu.memref_slice %arg5[%add3A, %run_scoped3A, %dma_start3A_794, %dma_start3A_795] : memref<32x3x64x16xi32, #tpu.memory_space<hbm>> -> memref<1x1x64x16xi32, #tpu.memory_space<hbm>>
      %dma_start3A_797 = tpu.memref_squeeze %dma_start3A_796 : memref<1x1x64x16xi32, #tpu.memory_space<hbm>> -> memref<64x16xi32, #tpu.memory_space<hbm>>
      %dma_start3A_798 = arith.constant 0 : i32
      %dma_start3A_799 = arith.constant 0 : i32
      %dma_start3A_800 = tpu.memref_slice %arg5[%add3A, %run_scoped3A, %dma_start3A_798, %dma_start3A_799] : memref<32x3x64x16xi32, #tpu.memory_space<hbm>> -> memref<1x1x64x16xi32, #tpu.memory_space<hbm>>
      %dma_start3A_801 = tpu.memref_squeeze %dma_start3A_800 : memref<1x1x64x16xi32, #tpu.memory_space<hbm>> -> memref<64x16xi32, #tpu.memory_space<hbm>>
      tpu.enqueue_dma source(%arg12 : memref<64x16xi32, #tpu.memory_space<vmem>>) target(%dma_start3A_801 : memref<64x16xi32, #tpu.memory_space<hbm>>) target_semaphore(%run_scoped3A_793 : memref<!tpu.dma_semaphore, #tpu.memory_space<semaphore_mem>>)
      %dma_wait3A_802 = arith.constant 0 : i32
      %dma_wait3A_803 = arith.constant 0 : i32
      %dma_wait3A_804 = tpu.memref_slice %arg5[%add3A, %run_scoped3A, %dma_wait3A_802, %dma_wait3A_803] : memref<32x3x64x16xi32, #tpu.memory_space<hbm>> -> memref<1x1x64x16xi32, #tpu.memory_space<hbm>>
      %dma_wait3A_805 = tpu.memref_squeeze %dma_wait3A_804 : memref<1x1x64x16xi32, #tpu.memory_space<hbm>> -> memref<64x16xi32, #tpu.memory_space<hbm>>
      %dma_wait3A_806 = arith.constant 0 : i32
      %dma_wait3A_807 = arith.constant 0 : i32
      %dma_wait3A_808 = tpu.memref_slice %arg5[%add3A, %run_scoped3A, %dma_wait3A_806, %dma_wait3A_807] : memref<32x3x64x16xi32, #tpu.memory_space<hbm>> -> memref<1x1x64x16xi32, #tpu.memory_space<hbm>>
      %dma_wait3A_809 = tpu.memref_squeeze %dma_wait3A_808 : memref<1x1x64x16xi32, #tpu.memory_space<hbm>> -> memref<64x16xi32, #tpu.memory_space<hbm>>
      tpu.wait_dma2 semaphore(%run_scoped3A_793 : memref<!tpu.dma_semaphore, #tpu.memory_space<semaphore_mem>>) src(%arg12 : memref<64x16xi32, #tpu.memory_space<vmem>>) dst(%dma_wait3A_809 : memref<64x16xi32, #tpu.memory_space<hbm>>)
      tpu.yield
    }) : () -> ()
    %run_scoped3A_791 = arith.constant 1 : i32
    "tpu.region"() ({
      %run_scoped3A_793 = tpu.sem_alloc : memref<!tpu.dma_semaphore, #tpu.memory_space<semaphore_mem>>
      %dma_start3A_794 = arith.constant 0 : i32
      %dma_start3A_795 = arith.constant 0 : i32
      %dma_start3A_796 = tpu.memref_slice %arg5[%add3A, %run_scoped3A_791, %dma_start3A_794, %dma_start3A_795] : memref<32x3x64x16xi32, #tpu.memory_space<hbm>> -> memref<1x1x64x16xi32, #tpu.memory_space<hbm>>
      %dma_start3A_797 = tpu.memref_squeeze %dma_start3A_796 : memref<1x1x64x16xi32, #tpu.memory_space<hbm>> -> memref<64x16xi32, #tpu.memory_space<hbm>>
      %dma_start3A_798 = arith.constant 0 : i32
      %dma_start3A_799 = arith.constant 0 : i32
      %dma_start3A_800 = tpu.memref_slice %arg5[%add3A, %run_scoped3A_791, %dma_start3A_798, %dma_start3A_799] : memref<32x3x64x16xi32, #tpu.memory_space<hbm>> -> memref<1x1x64x16xi32, #tpu.memory_space<hbm>>
      %dma_start3A_801 = tpu.memref_squeeze %dma_start3A_800 : memref<1x1x64x16xi32, #tpu.memory_space<hbm>> -> memref<64x16xi32, #tpu.memory_space<hbm>>
      tpu.enqueue_dma source(%arg13 : memref<64x16xi32, #tpu.memory_space<vmem>>) target(%dma_start3A_801 : memref<64x16xi32, #tpu.memory_space<hbm>>) target_semaphore(%run_scoped3A_793 : memref<!tpu.dma_semaphore, #tpu.memory_space<semaphore_mem>>)
      %dma_wait3A_802 = arith.constant 0 : i32
      %dma_wait3A_803 = arith.constant 0 : i32
      %dma_wait3A_804 = tpu.memref_slice %arg5[%add3A, %run_scoped3A_791, %dma_wait3A_802, %dma_wait3A_803] : memref<32x3x64x16xi32, #tpu.memory_space<hbm>> -> memref<1x1x64x16xi32, #tpu.memory_space<hbm>>
      %dma_wait3A_805 = tpu.memref_squeeze %dma_wait3A_804 : memref<1x1x64x16xi32, #tpu.memory_space<hbm>> -> memref<64x16xi32, #tpu.memory_space<hbm>>
      %dma_wait3A_806 = arith.constant 0 : i32
      %dma_wait3A_807 = arith.constant 0 : i32
      %dma_wait3A_808 = tpu.memref_slice %arg5[%add3A, %run_scoped3A_791, %dma_wait3A_806, %dma_wait3A_807] : memref<32x3x64x16xi32, #tpu.memory_space<hbm>> -> memref<1x1x64x16xi32, #tpu.memory_space<hbm>>
      %dma_wait3A_809 = tpu.memref_squeeze %dma_wait3A_808 : memref<1x1x64x16xi32, #tpu.memory_space<hbm>> -> memref<64x16xi32, #tpu.memory_space<hbm>>
      tpu.wait_dma2 semaphore(%run_scoped3A_793 : memref<!tpu.dma_semaphore, #tpu.memory_space<semaphore_mem>>) src(%arg13 : memref<64x16xi32, #tpu.memory_space<vmem>>) dst(%dma_wait3A_809 : memref<64x16xi32, #tpu.memory_space<hbm>>)
      tpu.yield
    }) : () -> ()
    %run_scoped3A_792 = arith.constant 2 : i32
    "tpu.region"() ({
      %run_scoped3A_793 = tpu.sem_alloc : memref<!tpu.dma_semaphore, #tpu.memory_space<semaphore_mem>>
      %dma_start3A_794 = arith.constant 0 : i32
      %dma_start3A_795 = arith.constant 0 : i32
      %dma_start3A_796 = tpu.memref_slice %arg5[%add3A, %run_scoped3A_792, %dma_start3A_794, %dma_start3A_795] : memref<32x3x64x16xi32, #tpu.memory_space<hbm>> -> memref<1x1x64x16xi32, #tpu.memory_space<hbm>>
      %dma_start3A_797 = tpu.memref_squeeze %dma_start3A_796 : memref<1x1x64x16xi32, #tpu.memory_space<hbm>> -> memref<64x16xi32, #tpu.memory_space<hbm>>
      %dma_start3A_798 = arith.constant 0 : i32
      %dma_start3A_799 = arith.constant 0 : i32
      %dma_start3A_800 = tpu.memref_slice %arg5[%add3A, %run_scoped3A_792, %dma_start3A_798, %dma_start3A_799] : memref<32x3x64x16xi32, #tpu.memory_space<hbm>> -> memref<1x1x64x16xi32, #tpu.memory_space<hbm>>
      %dma_start3A_801 = tpu.memref_squeeze %dma_start3A_800 : memref<1x1x64x16xi32, #tpu.memory_space<hbm>> -> memref<64x16xi32, #tpu.memory_space<hbm>>
      tpu.enqueue_dma source(%arg14 : memref<64x16xi32, #tpu.memory_space<vmem>>) target(%dma_start3A_801 : memref<64x16xi32, #tpu.memory_space<hbm>>) target_semaphore(%run_scoped3A_793 : memref<!tpu.dma_semaphore, #tpu.memory_space<semaphore_mem>>)
      %dma_wait3A_802 = arith.constant 0 : i32
      %dma_wait3A_803 = arith.constant 0 : i32
      %dma_wait3A_804 = tpu.memref_slice %arg5[%add3A, %run_scoped3A_792, %dma_wait3A_802, %dma_wait3A_803] : memref<32x3x64x16xi32, #tpu.memory_space<hbm>> -> memref<1x1x64x16xi32, #tpu.memory_space<hbm>>
      %dma_wait3A_805 = tpu.memref_squeeze %dma_wait3A_804 : memref<1x1x64x16xi32, #tpu.memory_space<hbm>> -> memref<64x16xi32, #tpu.memory_space<hbm>>
      %dma_wait3A_806 = arith.constant 0 : i32
      %dma_wait3A_807 = arith.constant 0 : i32
      %dma_wait3A_808 = tpu.memref_slice %arg5[%add3A, %run_scoped3A_792, %dma_wait3A_806, %dma_wait3A_807] : memref<32x3x64x16xi32, #tpu.memory_space<hbm>> -> memref<1x1x64x16xi32, #tpu.memory_space<hbm>>
      %dma_wait3A_809 = tpu.memref_squeeze %dma_wait3A_808 : memref<1x1x64x16xi32, #tpu.memory_space<hbm>> -> memref<64x16xi32, #tpu.memory_space<hbm>>
      tpu.wait_dma2 semaphore(%run_scoped3A_793 : memref<!tpu.dma_semaphore, #tpu.memory_space<semaphore_mem>>) src(%arg14 : memref<64x16xi32, #tpu.memory_space<vmem>>) dst(%dma_wait3A_809 : memref<64x16xi32, #tpu.memory_space<hbm>>)
      tpu.yield
    }) : () -> ()
    return
  }
}

module attributes {stable_mosaic.version = 14 : i64} {
  func.func @_fin_body(%arg0: memref<32x3x64x16xi32, #tpu.memory_space<vmem>>, %arg1: memref<1x1xf32, #tpu.memory_space<smem>>) attributes {dimension_semantics = [], scalar_prefetch = 0 : i64, scratch_operands = 0 : i64, tpu.core_type = #tpu.core_type<tc>} {
    %get3A = arith.constant 0 : index
    %get3A_0 = arith.constant 0 : index
    %get3A_1 = arith.constant 0 : index
    %get3A_2 = arith.constant 0 : index
    %get3A_3 = vector.load %arg0[%get3A, %get3A_0, %get3A_1, %get3A_2] : memref<32x3x64x16xi32, #tpu.memory_space<vmem>>, vector<32x3x64x16xi32>
    %convert_element_type3A = arith.sitofp %get3A_3 : vector<32x3x64x16xi32> to vector<32x3x64x16xf32>
    %reduce_sum3A = arith.constant dense<0.000000e+00> : vector<3x64xf32>
    %reduce_sum3A_4 = vector.multi_reduction <add>, %convert_element_type3A, %reduce_sum3A [0, 3] : vector<32x3x64x16xf32> to vector<3x64xf32>
    %slice3A = vector.extract_strided_slice %reduce_sum3A_4 {offsets = [0, 0], sizes = [1, 21], strides = [1, 1]} : vector<3x64xf32> to vector<1x21xf32>
    %slice3A_5 = vector.extract_strided_slice %reduce_sum3A_4 {offsets = [1, 0], sizes = [1, 21], strides = [1, 1]} : vector<3x64xf32> to vector<1x21xf32>
    %slice3A_6 = vector.extract_strided_slice %reduce_sum3A_4 {offsets = [2, 0], sizes = [1, 21], strides = [1, 1]} : vector<3x64xf32> to vector<1x21xf32>
    %mul3A = arith.constant 2.000000e+00 : f32
    %mul3A_7 = vector.broadcast %mul3A : f32 to vector<1x21xf32>
    %mul3A_8 = arith.mulf %mul3A_7, %slice3A_6 : vector<1x21xf32>
    %add3A = arith.addf %slice3A, %slice3A_5 : vector<1x21xf32>
    %add3A_9 = arith.constant 1.000000e-10 : f32
    %add3A_10 = vector.broadcast %add3A_9 : f32 to vector<1x21xf32>
    %add3A_11 = arith.addf %add3A, %add3A_10 : vector<1x21xf32>
    %div3A = arith.divf %mul3A_8, %add3A_11 : vector<1x21xf32>
    %reduce_sum3A_12 = vector.shape_cast %div3A : vector<1x21xf32> to vector<1x1x21xf32>
    %reduce_sum3A_13 = arith.constant dense<0.000000e+00> : vector<1xf32>
    %reduce_sum3A_14 = vector.multi_reduction <add>, %reduce_sum3A_12, %reduce_sum3A_13 [1, 2] : vector<1x1x21xf32> to vector<1xf32>
    %reduce_sum3A_15 = vector.shape_cast %reduce_sum3A_14 : vector<1xf32> to vector<1x1x1xf32>
    %reduce_sum3A_16 = vector.extract %reduce_sum3A_15[0, 0, 0] : f32 from vector<1x1x1xf32>
    %div3A_17 = arith.constant 2.100000e+01 : f32
    %div3A_18 = arith.divf %reduce_sum3A_16, %div3A_17 : f32
    %sub3A = arith.constant 1.000000e+00 : f32
    %sub3A_19 = arith.subf %sub3A, %div3A_18 : f32
    %swap3A = arith.constant 0 : index
    %swap3A_20 = arith.constant 0 : index
    %swap3A_21 = memref.load %arg1[%swap3A, %swap3A_20] : memref<1x1xf32, #tpu.memory_space<smem>>
    memref.store %sub3A_19, %arg1[%swap3A, %swap3A_20] : memref<1x1xf32, #tpu.memory_space<smem>>
    return
  }
}

</mosaic_0001>

<sc_bundles>
// kernel: kernel.4.cloned.1.call-start
scs
__scs_entry_jumppad:
0x0: {  	(pc) =	sbr.rel $0x88, $3  }
0x1: {  	(tag) =	ssettag $0x0;
	lr =	simm.s32 $0x1  }
0x2: {  	[smem:$0x3F9E] =	sst lr;
	_ =	strace $0xD0000000  }
0x3: {  	_ = 	snop  }
0x4: {  	_ = 	snop  }
0x5: {  	_ = 	snop  }
0x6: {  	_ = 	snop  }
0x7: {  	_ = 	snop  }
__scs_overlays_trampoline_lowered:
0x8: {  	[smem:$0x3FAD] =	sst s0  }
0x9: {  	[smem:$0x3FAE] =	sst s1  }
0xa: {  	[smem:$0x3FAF] =	sst s2  }
0xb: {  	[smem:$0x3FB0] =	sst s3  }
0xc: {  	[smem:$0x3FB1] =	sst s4  }
0xd: {  	[smem:$0x3FB2] =	sst s5  }
0xe: {  	[smem:$0x3FB3] =	sst s6  }
0xf: {  	[smem:$0x3FB4] =	sst s7  }
0x10: {  	[smem:$0x3FB5] =	sst s8  }
0x11: {  	[smem:$0x3FB6] =	sst s9;
	s0 =	simm.s32 @!p0 $0x0  }
0x12: {  	s1 =	sld [smem:$0x3F9C];
	s0 =	simm.s32 @p0 $0x1  }
0x13: {  	[smem:$0x3FB7] =	sst s0;
	s0 =	simm.s32 @!p1 $0x0  }
0x14: {  	s2 =	sld [smem:$0x3F9B];
	s0 =	simm.s32 @p1 $0x1  }
0x15: {  	[smem:$0x3FB8] =	sst s0;
	s0 =	simm.s32 @!p2 $0x0  }
0x16: {  	s3 =	sld [smem:$0x3FDB];
	s0 =	simm.s32 @p2 $0x1  }
0x17: {  	s4 =	simm.s32 $0x1BF5;
	[smem:$0x3FBA] =	sst s0  }
0x18: {  	s0 =	sld [smem:$0x3F9D];
	_ =	swait.ge [sflag:s4], $0x0  }
0x19: {  	s7 =	sld [smem:$0x3F9E]  }
0x1a: {  	s8 =	sadd.s32 $0xFFFFE003, lr  }
0x1b: {  	s9 =	sadd.s32 $0xFFFFFEF7, lr;
	s5 =	simm.s32 $0xFFFFFFFF;
	p2 =	slt.u32 s8, $0xFFFFF086  }
0x1c: {  	p1 =	slt.u32 s9, $0xF7A;
	s5 =	simm.s32 @!p2 $0x0  }
0x1d: {  	s5 =	simm.s32 @p1 $0x1;
	p0 =	seq.s32 s7, s2  }
0x1e: {  	s7 =	smul.u32 @!p0 $0xF7A, s2;
	p2 =	seq.s32 @!p0 s5, $0x0  }
0x1f: {  	s9 =	smul.u32 $0xF7A, s1;
	s8 =	simm.s32 @!p0 $0x1BF5;
	p2 =	por !p2, p0  }
0x20: {  	[sflag:s8] =	ssyncset.s32 @!p0 $0xFFFFF086;
	s6 =	sadd.s32 @!p0 s3, s7;
	s7 =	simm.s32 @!p0 $0x108  }
0x21: {  	s3 =	sadd.s32 s3, s9;
	s6 =	sadd.s32 @!p0 $0x88, s6;
	s7 =	simm.s32 @p2 $0x1082  }
0x22: {  	[simem:s7], [sflag:s8] =	dma.local @!p0 [hbm:s6], $0xF7A  }
0x23: {  	s9 =	sor.u32 $0xD0000000, s2;
	s6 =	simm.s32 $0x108;
	_ =	swait.ge @!p0 [sflag:s8], $0x0  }
0x24: {  	s3 =	sadd.s32 $0x88, s3;
	s6 =	simm.s32 @!p1 $0x1082;
	[sflag:s4] =	ssyncset.s32 $0xFFFFF086  }
0x25: {  	[simem:s6], [sflag:s4] =	dma.local [hbm:s3], $0xF7A  }
0x26: {  	[smem:$0x3F9E] =	sst s1;
	(tag) =	ssettag s2;
	_ =	strace s9  }
0x27: {  	s1 =	sld [smem:$0x3FAE]  }
0x28: {  	s2 =	sld [smem:$0x3FAF]  }
0x29: {  	s4 =	sld [smem:$0x3FB1]  }
0x2a: {  	p0 =	seq.s32 s5, $0x0;
	s5 =	sld [smem:$0x3FB2]  }
0x2b: {  	s6 =	sld [smem:$0x3FB3]  }
0x2c: {  	s7 =	sld [smem:$0x3FB4]  }
0x2d: {  	s3 =	simm.s32 $0x108;
	s8 =	sld [smem:$0x3FB5]  }
0x2e: {  	s3 =	simm.s32 @!p0 $0x1082;
	s9 =	sld [smem:$0x3FB6]  }
0x2f: {  	lr =	sadd.s32 s0, s3;
	s0 =	sld [smem:$0x3FAD]  }
0x30: {  	s3 =	sld [smem:$0x3FB0]  }
0x31: {  	[smem:$0x3FB9] =	sst s10  }
0x32: {  	s10 =	sld [smem:$0x3FB7];
	_ =	sdelay $0x3  }
0x33: {  	p0 =	seq.s32 s10, $0x1;
	s10 =	sld [smem:$0x3FB9];
	_ =	sdelay $0x3  }
0x34: {  	[smem:$0x3FB9] =	sst s10  }
0x35: {  	s10 =	sld [smem:$0x3FB8];
	_ =	sdelay $0x3  }
0x36: {  	p1 =	seq.s32 s10, $0x1;
	s10 =	sld [smem:$0x3FB9];
	_ =	sdelay $0x3  }
0x37: {  	[smem:$0x3FB9] =	sst s10  }
0x38: {  	s10 =	sld [smem:$0x3FBA]  }
0x39: {  	_ = 	snop;
	(pc) =	sbr.ind lr, $3  }
0x3a: {  	_ = 	snop  }
0x3b: {  	_ = 	snop  }
0x3c: {  	p2 =	seq.s32 s10, $0x1;
	s10 =	sld [smem:$0x3FB9]  }
0x3d: {  	_ =	shalt  }
0x3e: {  	_ =	shalt  }
0x3f: {  	_ =	shalt  }
0x40: {  	_ =	shalt  }
0x41: {  	_ =	shalt  }
0x42: {  	_ =	shalt  }
0x43: {  	_ =	shalt  }
0x44: {  	_ =	shalt  }
0x45: {  	_ =	shalt  }
0x46: {  	_ =	shalt  }
0x47: {  	_ =	shalt  }
0x48: {  	_ =	shalt  }
0x49: {  	_ =	shalt  }
0x4a: {  	_ =	shalt  }
0x4b: {  	_ =	shalt  }
0x4c: {  	_ =	shalt  }
0x4d: {  	_ =	shalt  }
0x4e: {  	_ =	shalt  }
0x4f: {  	_ =	shalt  }
0x50: {  	_ =	shalt  }
0x51: {  	_ =	shalt  }
0x52: {  	_ =	shalt  }
0x53: {  	_ =	shalt  }
0x54: {  	_ =	shalt  }
0x55: {  	_ =	shalt  }
0x56: {  	_ =	shalt  }
0x57: {  	_ =	shalt  }
0x58: {  	_ =	shalt  }
0x59: {  	_ =	shalt  }
0x5a: {  	_ =	shalt  }
0x5b: {  	_ =	shalt  }
0x5c: {  	_ =	shalt  }
0x5d: {  	_ =	shalt  }
0x5e: {  	_ =	shalt  }
0x5f: {  	_ =	shalt  }
0x60: {  	_ =	shalt  }
0x61: {  	_ =	shalt  }
0x62: {  	_ =	shalt  }
0x63: {  	_ =	shalt  }
0x64: {  	_ =	shalt  }
0x65: {  	_ =	shalt  }
0x66: {  	_ =	shalt  }
0x67: {  	_ =	shalt  }
0x68: {  	_ =	shalt  }
0x69: {  	_ =	shalt  }
0x6a: {  	_ =	shalt  }
0x6b: {  	_ =	shalt  }
0x6c: {  	_ =	shalt  }
0x6d: {  	_ =	shalt  }
0x6e: {  	_ =	shalt  }
0x6f: {  	_ =	shalt  }
0x70: {  	_ =	shalt  }
0x71: {  	_ =	shalt  }
0x72: {  	_ =	shalt  }
0x73: {  	_ =	shalt  }
0x74: {  	_ =	shalt  }
0x75: {  	_ =	shalt  }
0x76: {  	_ =	shalt  }
0x77: {  	_ =	shalt  }
0x78: {  	_ =	shalt  }
0x79: {  	_ =	shalt  }
0x7a: {  	_ =	shalt  }
0x7b: {  	_ =	shalt  }
0x7c: {  	_ =	shalt  }
0x7d: {  	_ =	shalt  }
0x7e: {  	_ =	shalt  }
0x7f: {  	_ =	shalt  }
0x80: {  	_ =	shalt  }
0x81: {  	_ =	shalt  }
0x82: {  	_ =	shalt  }
0x83: {  	_ =	shalt  }
0x84: {  	_ =	shalt  }
0x85: {  	_ =	shalt  }
0x86: {  	_ =	shalt  }
0x87: {  	_ =	shalt  }
.Lfunc_end0:
.L_simem_size_0:
called_computation_lowered:
.L_overlay_start_0:
0x88: {  	s2 =	sld [smem:$0x3FD9]  }
0x89: {  	s3 =	sld [smem:$0x3FFE];
	_ =	sdelay $0x1  }
0x8a: {  	s1 =	srdreg.scid  }
0x8b: {  	s0 =	sand.u32 $0x1, s1  }
0x8c: {  	s17 =	sshll.u32 s0, $0xA;
	s2 =	sadd.s32 s3, s2  }
0x8d: {  	s2 =	sadd.s32 s2, s17  }
0x8e: {  	[smem:$0x3FC5] =	sst s2  }
0x8f: {  	_ = 	snop  }
0x90: {  	s2 =	sld [smem:$0x3FC9]  }
0x91: {  	s18 =	sld [smem:$0x3FC8]  }
0x92: {  	s4 =	sld [smem:$0x3FC7];
	(tm) =	ssettm $0x1  }
0x93: {  	s5 =	sld [smem:$0x3FFB];
	_ =	sdelay $0x3  }
0x94: {  	_ =	strace s5  }
0x95: {  	s5 =	sld [smem:$0x3FFC];
	_ =	sdelay $0x3  }
0x96: {  	_ =	strace s5  }
0x97: {  	s5 =	sld [smem:$0x3FFD];
	_ =	sdelay $0x3  }
0x98: {  	_ =	strace s5  }
0x99: {  	_ =	strace $0x8FFFFFFF  }
0x9a: {  	s19 =	sld [smem:$0x3FDB];
	_ =	sdelay $0x1  }
0x9b: {  	s6 =	simm.s32 $_scs_section_size  }
0x9c: {  	s7 =	simm.s32 $_size__tile_overlayer_lowered;
	s8 =	simm.s32 $_tile_overlayer_lowered  }
0x9d: {  	s22 =	simm.s32 $0x1BFF;
	s21 =	sshll.u32 s8, $0x1;
	s5 =	sadd.s32 s6, s19  }
0x9e: {  	s9 =	simm.s32 $0x0;
	s20 =	sshll.u32 s7, $0x1;
	s7 =	sadd.s32 s21, s5  }
0x9f: {  	[timem:s9], [sflag:s22] =	dma.local [hbm:s7], s20  }
0xa0: {  	_ =	swait.ge [sflag:s22], s20  }
0xa1: {  	s6 =	ssub.s32 $0x0, s20;
	[sflag:s22] =	ssyncset.done $0x0  }
0xa2: {  	[sflag:s22] =	ssyncadd.s32 s6;
	_ =	sdelay $0x1  }
0xa3: {  	s23 =	simm.s32 $0x1B8B  }
0xa4: {  	_ =	swait.ge [sflag:s23], $0x1  }
0xa5: {  	[sflag:s23] =	ssyncset.done $0x0  }
0xa6: {  	s25 =	simm.s32 $0x1B8E;
	s24 =	sld [smem:$0x3FFE];
	[sflag:s23] =	ssyncadd.s32 $0xFFFFFFFF  }
0xa7: {  	s26 =	simm.s32 $execute0_lowered;
	[smem:$0x3FD2] =	sst s25  }
0xa8: {  	s7 =	sshll.u32 s26, $0x1;
	_ =	strace $0x80000046;
	[dreg:$0x1] =	wrdreg $0xFFFFFFFF  }
0xa9: {  	s28 =	simm.s32 $_size_execute0_lowered;
	s5 =	sadd.s32 s5, s7;
	[dreg:$0x0] =	wrdreg $0x0  }
0xaa: {  	s7 =	sshll.u32 s28, $0x1;
	[dreg:$0x2] =	wrdreg s5  }
0xab: {  	[dreg:$0x3] =	wrdreg s7  }
0xac: {  	[dreg:$0x4] =	wrdreg $0xC0  }
0xad: {  	_ =	task [dreg:s9], $0x5FFFF  }
0xae: {  	[dreg:$0x1] =	wrdreg $0xFFFFFFFF  }
0xaf: {  	[dreg:$0x0] =	wrdreg $0x60  }
0xb0: {  	[dreg:$0x2] =	wrdreg s2  }
0xb1: {  	[dreg:$0x3] =	wrdreg s4  }
0xb2: {  	[dreg:$0x4] =	wrdreg s18  }
0xb3: {  	[dreg:$0x5] =	wrdreg s24  }
0xb4: {  	[dreg:$0x6] =	wrdreg $0xC800  }
0xb5: {  	[dreg:$0x7] =	wrdreg $0x9  }
0xb6: {  	_ =	task.clear_ibuf [dreg:s9], $0x8FFFF;
	_ =	strace $0x90000046  }
0xb7: {  	s29 =	simm.s32 $0x9;
	_ =	strace $0x80000048  }
0xb8: {  	_ =	swait.ge [sflag:s29], $0x1  }
0xb9: {  	[sflag:s29] =	ssyncadd.s32 $0xFFFFFFFF  }
0xba: {  	_ =	strace $0x90000048  }
0xbb: {  	_ =	sfence  }
0xbc: {  	s30 =	sld [smem:$0x0];
	_ =	sdelay $0x2  }
0xbd: {  	s31 =	sshll.u32 s1, $0xD;
	s1 =	sshrl.u32 s1, $0x2  }
0xbe: {  	s3 =	sand.u32 $0x4000, s31;
	s1 =	sadd.s32 s1, s30  }
0xbf: {  	s0 =	sor.u32 s3, s0;
	s1 =	sshll.u32 s1, $0x11  }
0xc0: {  	s0 =	sor.u32 s1, s0  }
0xc1: {  	s0 =	sadd.s32 $0x8F2B, s0  }
0xc2: {  	[sflag:s0] =	ssyncadd.remote.s32 $0x1  }
0xc3: {  	_ =	sfence.sel $0xFFFF  }
0xc4: {  	[dreg:$0x0] =	wrdreg $0xFFFFFFFF;
	(pc) =	sbr.abs _section_cstart, $3  }
0xc5: {  	[dreg:$0x1] =	wrdreg $0xFFFFFFFF  }
0xc6: {  	_ =	task.clear_ibuf [dreg:s9], $0x2FFFF;
	_ =	strace $0x9FFFFFFF  }
0xc7: {  	(tm) =	ssettm $0x7FFFFFFF  }
tec
execute0_lowered:
.L_overlay_start_1:
0x0: {  	(tag) =	ssettag $0x1  }
0x1: {  	s6 =	rddreg [dreg:$0x0]  }
0x2: {  	s4 =	rddreg [dreg:$0x1]  }
0x3: {  	s5 =	rddreg [dreg:$0x2]  }
0x4: {  	s1 =	srdreg.scid;
	s8 =	rddreg [dreg:$0x3]  }
0x5: {  	s0 =	stileid.u32;
	s2 =	rddreg [dreg:$0x4];
	s3 =	simm.s32 $0x0  }
0x6: {  	s12 =	simm.s32 $0x10C0;
	s13 =	simm.s32 $0x30C0;
	s15 =	simm.s32 $0x2000  }
0x7: {  	s17 =	simm.s32 $0x800;
	s18 =	simm.s32 $0x3;
	s19 =	simm.s32 $0xC00  }
0x8: {  	s20 =	simm.s32 $0xCC0;
	s21 =	simm.s32 $0x1;
	s22 =	simm.s32 $0x2  }
0x9: {  	s23 =	simm.s32 $0x50C0;
	s24 =	simm.s32 $0x70C0;
	s25 =	simm.s32 $0x90C0  }
0xa: {  	s26 =	simm.s32 $0x0;
	s7 =	sand.u32 $0x1, s1;
	s28 =	sshll.u32 s0, $0x1  }
0xb: {  	[smem:$0x7FF] =	sst s3;
	s31 =	sshll.u32 s0, $0x7;
	p0 =	sgt.u32 s0, $0x7  }
0xc: {  	s9 =	sor.u32 s7, s28;
	s7 =	ssub.s32 $0x2, s7;
	_ =	strace $0x80000047  }
0xd: {  	s6 =	sadd.s32 s6, s31;
	s10 =	smul.u32 $0x6000, s9;
	s29 =	sshrl.u32 s7, $0x1  }
0xe: {  	s30 =	sshll.u32 s9, $0xA;
	s16 =	sadd.s32 $0x800, s6;
	s11 =	ssub.s32 s7, s29  }
0xf: {  	s4 =	sadd.s32 s4, s30;
	s5 =	sadd.s32 s5, s30;
	s10 =	sshrl.u32 s10, $0x3  }
0x10: {  	s7 =	sadd.s32 s31, s2;
	s11 =	smax.u32 s11, $0x1;
	s10 =	sadd.s32 s10, s8  }
0x11: {  	v0 =	vimm.s32 $0x0;
	v1 =	vlaneseq.u32;
	v2 =	vimm.s32 $0x1;
	s8 =	sadd.s32 $0x600, s10;
	s9 =	sadd.s32 $0xA00, s10;
	s10 =	sadd.s32 $0xE00, s10  }
.LBB2_1:
.Ltmp0:
0x12: {  	(pc) =	sbr.rel @p0 .LBB2_3-.Ltmp0, $4  }
0x13: {  	_ = 	snop  }
0x14: {  	[tilespmem:s12], [sflag:$0x1] =	stream.linear.gather [hbm4b:s4+s3], $0x2000, $0x38;
	[tilespmem:$0xB0C0] =	vst v63  }
0x15: {  	_ = 	snop  }
0x16: {  	[tilespmem:s13], [sflag:$0x2] =	stream.linear.gather [hbm4b:s5+s3], $0x2000, $0x38;
	[tilespmem:$0xB0C0] =	vst v63  }
0x17: {  	s0 =	simm.s32 $0x400  }
0x18: {  	[tilespmem:s3], [sflag:$0x3] =	stream.strided.gather [hbm4b:s6+s0], $0x800, s15, s0, $0x38;
	[tilespmem:$0xB0C0] =	vst v63  }
0x19: {  	_ = 	snop  }
0x1a: {  	[tilespmem:s17], [sflag:$0x3] =	stream.linear.gather [hbm4b:s16+s3], $0x280, $0x38;
	[tilespmem:$0xB0C0] =	vst v63  }
0x1b: {  	_ =	swait.ge [sflag:s18], $0xA80  }
0x1c: {  	[sflag:s18] =	ssyncset.done $0x0  }
0x1d: {  	[sflag:s18] =	ssyncadd.s32 $0xFFFFF580  }
0x1e: {  	v3 =	vld [tilespmem:$0x0]  }
0x1f: {  	v4 =	vld [tilespmem:$0x80]  }
0x20: {  	v5 =	vld [tilespmem:$0x100]  }
0x21: {  	v6 =	vld [tilespmem:$0x180]  }
0x22: {  	v7 =	vld [tilespmem:$0x200]  }
0x23: {  	v8 =	vld [tilespmem:$0x280]  }
0x24: {  	v9 =	vld [tilespmem:$0x300]  }
0x25: {  	v20 =	vld [tilespmem:$0x380]  }
0x26: {  	v10 =	vld [tilespmem:$0x400]  }
0x27: {  	v21 =	vld [tilespmem:$0x480]  }
0x28: {  	v11 =	vld [tilespmem:$0x500]  }
0x29: {  	v22 =	vld [tilespmem:$0x580]  }
0x2a: {  	v12 =	vld [tilespmem:$0x600]  }
0x2b: {  	v23 =	vld [tilespmem:$0x680]  }
0x2c: {  	v13 =	vld [tilespmem:$0x700]  }
0x2d: {  	v26 =	vld [tilespmem:$0x10];
	vm1 =	vgt.f32 v4, v3  }
0x2e: {  	v16 =	vld [tilespmem:$0x90];
	v3 =	vsel vm1, v4, v3  }
0x2f: {  	v24 =	vld [tilespmem:$0x780];
	vm2 =	vgt.f32 v5, v3  }
0x30: {  	v17 =	vld [tilespmem:$0x110];
	v3 =	vsel vm2, v5, v3  }
0x31: {  	v18 =	vld [tilespmem:$0x190];
	vm3 =	vgt.f32 v6, v3  }
0x32: {  	v44 =	vld [tilespmem:$0x20];
	v3 =	vsel vm3, v6, v3  }
0x33: {  	v45 =	vld [tilespmem:$0xA0];
	vm0 =	vgt.f32 v16, v26;
	vm4 =	vgt.f32 v7, v3  }
0x34: {  	v29 =	vld [tilespmem:$0x210];
	v4 =	vsel vm0, v16, v26;
	v3 =	vsel vm4, v7, v3  }
0x35: {  	v14 =	vld [tilespmem:$0x800];
	v19 =	vsel vm1, $0x1, v0;
	vm1 =	vgt.f32 v17, v4;
	vm5 =	vgt.f32 v8, v3  }
0x36: {  	v30 =	vld [tilespmem:$0x290];
	v49 =	vsel vm0, $0x1, v0;
	v4 =	vsel vm1, v17, v4;
	v3 =	vsel vm5, v8, v3  }
0x37: {  	v25 =	vld [tilespmem:$0x880];
	v19 =	vsel vm2, $0x2, v19;
	vm2 =	vgt.f32 v18, v4;
	vm6 =	vgt.f32 v9, v3  }
0x38: {  	v15 =	vld [tilespmem:$0x900];
	vm0 =	vgt.f32 v45, v44;
	v4 =	vsel vm2, v18, v4;
	v3 =	vsel vm6, v9, v3  }
0x39: {  	v31 =	vld [tilespmem:$0x310];
	v19 =	vsel vm3, $0x3, v19;
	vm3 =	vgt.f32 v29, v4;
	vm7 =	vgt.f32 v20, v3  }
0x3a: {  	v27 =	vld [tilespmem:$0x980];
	v19 =	vsel vm4, $0x4, v19;
	v4 =	vsel vm3, v29, v4;
	v3 =	vsel vm7, v20, v3  }
0x3b: {  	v28 =	vld [tilespmem:$0xA00];
	v7 =	vsel vm1, $0x2, v49;
	vm4 =	vgt.f32 v30, v4;
	vm8 =	vgt.f32 v10, v3  }
0x3c: {  	v32 =	vld [tilespmem:$0x390];
	v7 =	vsel vm2, $0x3, v7;
	v19 =	vsel vm5, $0x5, v19;
	v3 =	vsel vm8, v10, v3  }
0x3d: {  	v33 =	vld [tilespmem:$0x410];
	v4 =	vsel vm4, v30, v4;
	v7 =	vsel vm3, $0x4, v7;
	vm9 =	vgt.f32 v21, v3  }
0x3e: {  	v34 =	vld [tilespmem:$0x490];
	v30 =	vsel vm0, $0x1, v0;
	vm5 =	vgt.f32 v31, v4;
	v3 =	vsel vm9, v21, v3  }
0x3f: {  	v35 =	vld [tilespmem:$0x510];
	v7 =	vsel vm4, $0x5, v7;
	v19 =	vsel vm6, $0x6, v19;
	vm10 =	vgt.f32 v11, v3  }
0x40: {  	v47 =	vld [tilespmem:$0x120];
	v4 =	vsel vm5, v31, v4;
	v7 =	vsel vm5, $0x6, v7;
	v3 =	vsel vm10, v11, v3  }
0x41: {  	v36 =	vld [tilespmem:$0x590];
	vm6 =	vgt.f32 v32, v4;
	v19 =	vsel vm7, $0x7, v19;
	vm11 =	vgt.f32 v22, v3  }
0x42: {  	v50 =	vld [tilespmem:$0x1A0];
	v4 =	vsel vm6, v32, v4;
	v19 =	vsel vm8, $0x8, v19;
	v3 =	vsel vm11, v22, v3  }
0x43: {  	v37 =	vld [tilespmem:$0x610];
	v7 =	vsel vm6, $0x7, v7;
	v19 =	vsel vm9, $0x9, v19;
	vm12 =	vgt.f32 v12, v3  }
0x44: {  	v38 =	vld [tilespmem:$0x690];
	v19 =	vsel vm10, $0xA, v19;
	v3 =	vsel vm12, v12, v3;
	v12 =	vsel vm0, v45, v44  }
0x45: {  	v51 =	vld [tilespmem:$0x220];
	v19 =	vsel vm11, $0xB, v19;
	vm13 =	vgt.f32 v23, v3;
	vm2 =	vgt.f32 v47, v12  }
0x46: {  	v39 =	vld [tilespmem:$0x710];
	v19 =	vsel vm12, $0xC, v19;
	v3 =	vsel vm13, v23, v3;
	v10 =	vsel vm2, v47, v12  }
0x47: {  	v52 =	vld [tilespmem:$0x2A0];
	v19 =	vsel vm13, $0xD, v19;
	vm7 =	vgt.f32 v13, v3;
	vm4 =	vgt.f32 v50, v10  }
0x48: {  	v40 =	vld [tilespmem:$0x790];
	v3 =	vsel vm7, v13, v3;
	v19 =	vsel vm7, $0xE, v19;
	vm7 =	vgt.f32 v33, v4  }
0x49: {  	v53 =	vld [tilespmem:$0x320];
	v10 =	vsel vm4, v50, v10;
	vm14 =	vgt.f32 v24, v3;
	v4 =	vsel vm7, v33, v4  }
0x4a: {  	v41 =	vld [tilespmem:$0x810];
	v7 =	vsel vm7, $0x8, v7;
	vm5 =	vgt.f32 v51, v10;
	v3 =	vsel vm14, v24, v3  }
0x4b: {  	v42 =	vld [tilespmem:$0x890];
	v19 =	vsel vm14, $0xF, v19;
	v10 =	vsel vm5, v51, v10;
	vm15 =	vgt.f32 v14, v3  }
0x4c: {  	v54 =	vld [tilespmem:$0x3A0];
	vm6 =	vgt.f32 v52, v10;
	v3 =	vsel vm15, v14, v3;
	v19 =	vsel vm15, $0x10, v19  }
0x4d: {  	v43 =	vld [tilespmem:$0x910];
	vm15 =	vgt.f32 v34, v4;
	v10 =	vsel vm6, v52, v10;
	vm13 =	vgt.f32 v25, v3  }
0x4e: {  	v46 =	vld [tilespmem:$0x990];
	v4 =	vsel vm15, v34, v4;
	v7 =	vsel vm15, $0x9, v7;
	vm7 =	vgt.f32 v53, v10  }
0x4f: {  	v55 =	vld [tilespmem:$0x420];
	v3 =	vsel vm13, v25, v3;
	v19 =	vsel vm13, $0x11, v19;
	vm9 =	vgt.f32 v35, v4  }
0x50: {  	v56 =	vld [tilespmem:$0x4A0];
	v10 =	vsel vm7, v53, v10;
	vm14 =	vgt.f32 v15, v3;
	v4 =	vsel vm9, v35, v4  }
0x51: {  	v62 =	vld [tilespmem:$0x30];
	v7 =	vsel vm9, $0xA, v7;
	vm8 =	vgt.f32 v54, v10;
	v3 =	vsel vm14, v15, v3  }
0x52: {  	v63 =	vld [tilespmem:$0xB0];
	v19 =	vsel vm14, $0x12, v19;
	vm10 =	vgt.f32 v36, v4;
	v10 =	vsel vm8, v54, v10  }
0x53: {  	v48 =	vld [tilespmem:$0xA10];
	vm12 =	vgt.f32 v27, v3;
	v4 =	vsel vm10, v36, v4;
	v7 =	vsel vm10, $0xB, v7  }
0x54: {  	v22 =	vld [tilespmem:$0x130];
	vm9 =	vgt.f32 v55, v10;
	v3 =	vsel vm12, v27, v3;
	vm1 =	vgt.f32 v37, v4  }
0x55: {  	v57 =	vld [tilespmem:$0x520];
	v19 =	vsel vm12, $0x13, v19;
	v10 =	vsel vm9, v55, v10;
	v4 =	vsel vm1, v37, v4  }
0x56: {  	v58 =	vld [tilespmem:$0x5A0];
	vm13 =	vgt.f32 v28, v3;
	v7 =	vsel vm1, $0xC, v7;
	vm3 =	vgt.f32 v38, v4  }
0x57: {  	v24 =	vld [tilespmem:$0x1B0];
	vm10 =	vgt.f32 v56, v10;
	vm1 =	vgt.f32 v63, v62;
	v4 =	vsel vm3, v38, v4  }
0x58: {  	v59 =	vld [tilespmem:$0x620];
	v3 =	vsel vm13, $0x14, v19;
	v26 =	vsel vm1, v63, v62;
	vm11 =	vgt.f32 v39, v4  }
0x59: {  	v60 =	vld [tilespmem:$0x6A0];
	v7 =	vsel vm3, $0xD, v7;
	vm3 =	vgt.f32 v22, v26;
	v4 =	vsel vm11, v39, v4  }
0x5a: {  	v27 =	vld [tilespmem:$0x230];
	v10 =	vsel vm10, v56, v10;
	v5 =	vsel vm3, v22, v26;
	vm12 =	vgt.f32 v40, v4  }
0x5b: {  	v61 =	vld [tilespmem:$0x720];
	v7 =	vsel vm11, $0xE, v7;
	vm11 =	vgt.f32 v57, v10;
	v4 =	vsel vm12, v40, v4  }
0x5c: {  	v31 =	vld [tilespmem:$0x2B0];
	vm0 =	vgt.f32 v24, v5;
	v28 =	vsel vm11, v57, v10;
	vm14 =	vgt.f32 v41, v4  }
0x5d: {  	v29 =	vld [tilespmem:$0x920];
	v10 =	vsel vm2, $0x2, v30;
	v5 =	vsel vm0, v24, v5;
	v4 =	vsel vm14, v41, v4  }
0x5e: {  	v49 =	vld [tilespmem:$0xC0];
	v7 =	vsel vm12, $0xF, v7;
	v10 =	vsel vm4, $0x3, v10;
	vm15 =	vgt.f32 v42, v4  }
0x5f: {  	v32 =	vld [tilespmem:$0x9A0];
	vm2 =	vgt.f32 v27, v5;
	v10 =	vsel vm5, $0x4, v10;
	v4 =	vsel vm15, v42, v4  }
0x60: {  	v21 =	vld [tilespmem:$0x7A0];
	v5 =	vsel vm2, v27, v5;
	v7 =	vsel vm14, $0x10, v7;
	vm12 =	vgt.f32 v43, v4  }
0x61: {  	v33 =	vld [tilespmem:$0x330];
	v10 =	vsel vm6, $0x5, v10;
	vm4 =	vgt.f32 v31, v5;
	v4 =	vsel vm12, v43, v4  }
0x62: {  	v44 =	vld [tilespmem:$0x830];
	v10 =	vsel vm7, $0x6, v10;
	v7 =	vsel vm15, $0x11, v7;
	vm13 =	vgt.f32 v46, v4  }
0x63: {  	v35 =	vld [tilespmem:$0x3B0];
	v5 =	vsel vm4, v31, v5;
	v7 =	vsel vm12, $0x12, v7;
	v4 =	vsel vm13, v46, v4  }
0x64: {  	v45 =	vld [tilespmem:$0x8B0];
	vm12 =	vgt.f32 v58, v28;
	v7 =	vsel vm13, $0x13, v7;
	vm14 =	vgt.f32 v48, v4  }
0x65: {  	v36 =	vld [tilespmem:$0x430];
	v10 =	vsel vm8, $0x7, v10;
	v4 =	vsel vm14, $0x14, v7;
	v7 =	vsel vm12, v58, v28  }
0x66: {  	v23 =	vld [tilespmem:$0x820];
	vm5 =	vgt.f32 v33, v5;
	v10 =	vsel vm9, $0x8, v10;
	vm13 =	vgt.f32 v59, v7  }
0x67: {  	v37 =	vld [tilespmem:$0x4B0];
	v5 =	vsel vm5, v33, v5;
	v10 =	vsel vm10, $0x9, v10;
	v6 =	vsel vm13, v59, v7  }
0x68: {  	v47 =	vld [tilespmem:$0x40];
	vm6 =	vgt.f32 v35, v5;
	v10 =	vsel vm11, $0xA, v10;
	vm14 =	vgt.f32 v60, v6  }
0x69: {  	v38 =	vld [tilespmem:$0x530];
	v5 =	vsel vm6, v35, v5;
	v10 =	vsel vm12, $0xB, v10;
	v6 =	vsel vm14, v60, v6  }
0x6a: {  	v25 =	vld [tilespmem:$0x8A0];
	vm7 =	vgt.f32 v36, v5;
	v10 =	vsel vm13, $0xC, v10;
	vm8 =	vgt.f32 v61, v6  }
0x6b: {  	v39 =	vld [tilespmem:$0x5B0];
	v5 =	vsel vm7, v36, v5;
	v10 =	vsel vm14, $0xD, v10;
	v6 =	vsel vm8, v61, v6  }
0x6c: {  	v50 =	vld [tilespmem:$0x9B0];
	v10 =	vsel vm8, $0xE, v10;
	vm8 =	vgt.f32 v37, v5;
	vm15 =	vgt.f32 v21, v6  }
0x6d: {  	v40 =	vld [tilespmem:$0x630];
	v5 =	vsel vm8, v37, v5;
	v6 =	vsel vm15, v21, v6  }
0x6e: {  	v52 =	vld [tilespmem:$0x140];
	v48 =	vsel vm1, $0x1, v0;
	vm9 =	vgt.f32 v38, v5;
	vm10 =	vgt.f32 v23, v6  }
0x6f: {  	v41 =	vld [tilespmem:$0x6B0];
	v11 =	vsel vm3, $0x2, v48;
	v5 =	vsel vm9, v38, v5;
	v6 =	vsel vm10, v23, v6  }
0x70: {  	v34 =	vld [tilespmem:$0xA20];
	v51 =	vsel vm0, $0x3, v11;
	vm1 =	vgt.f32 v39, v5;
	vm11 =	vgt.f32 v25, v6  }
0x71: {  	v42 =	vld [tilespmem:$0x730];
	v10 =	vsel vm15, $0xF, v10;
	v5 =	vsel vm1, v39, v5;
	v6 =	vsel vm11, v25, v6  }
0x72: {  	v54 =	vld [tilespmem:$0xA30];
	v10 =	vsel vm10, $0x10, v10;
	vm0 =	vgt.f32 v40, v5;
	vm12 =	vgt.f32 v29, v6  }
0x73: {  	v43 =	vld [tilespmem:$0x7B0];
	v10 =	vsel vm11, $0x11, v10;
	v53 =	vsel vm0, v40, v5;
	v6 =	vsel vm12, v29, v6  }
0x74: {  	v55 =	vld [tilespmem:$0x1C0];
	v10 =	vsel vm12, $0x12, v10;
	vm13 =	vgt.f32 v41, v53;
	vm15 =	vgt.f32 v32, v6  }
0x75: {  	v56 =	vld [tilespmem:$0x240];
	v11 =	vsel vm13, v41, v53;
	v6 =	vsel vm15, v32, v6;
	v10 =	vsel vm15, $0x13, v10  }
0x76: {  	v62 =	vld [tilespmem:$0xD0];
	vm14 =	vgt.f32 v42, v11;
	vm12 =	vgt.f32 v34, v6;
	v6 =	vsel vm2, $0x4, v51  }
0x77: {  	v63 =	vld [tilespmem:$0x4C0];
	v11 =	vsel vm14, v42, v11;
	v5 =	vsel vm12, $0x14, v10;
	v6 =	vsel vm4, $0x5, v6  }
0x78: {  	v22 =	vld [tilespmem:$0x540];
	vm4 =	vgt.f32 v49, v47;
	vm15 =	vgt.f32 v43, v11;
	v6 =	vsel vm5, $0x6, v6  }
0x79: {  	v26 =	vld [tilespmem:$0x640];
	v14 =	vsel vm4, v49, v47;
	v11 =	vsel vm15, v43, v11;
	v6 =	vsel vm6, $0x7, v6  }
0x7a: {  	v61 =	vld [tilespmem:$0x50];
	v32 =	vsel vm4, $0x1, v0;
	vm5 =	vgt.f32 v52, v14;
	v6 =	vsel vm7, $0x8, v6  }
0x7b: {  	v57 =	vld [tilespmem:$0x2C0];
	vm12 =	vgt.f32 v44, v11;
	v7 =	vsel vm5, v52, v14;
	v6 =	vsel vm8, $0x9, v6  }
0x7c: {  	v46 =	vld [tilespmem:$0x930];
	v11 =	vsel vm12, v44, v11;
	vm6 =	vgt.f32 v55, v7;
	v6 =	vsel vm9, $0xA, v6  }
0x7d: {  	v21 =	vld [tilespmem:$0x150];
	v12 =	vsel vm5, $0x2, v32;
	v7 =	vsel vm6, v55, v7;
	v6 =	vsel vm1, $0xB, v6  }
0x7e: {  	v58 =	vld [tilespmem:$0x340];
	v12 =	vsel vm6, $0x3, v12;
	vm7 =	vgt.f32 v56, v7;
	v6 =	vsel vm0, $0xC, v6  }
0x7f: {  	v24 =	vld [tilespmem:$0x5C0];
	v7 =	vsel vm7, v56, v7;
	vm0 =	vgt.f32 v62, v61;
	v12 =	vsel vm7, $0x4, v12  }
0x80: {  	v23 =	vld [tilespmem:$0x1D0];
	v6 =	vsel vm13, $0xD, v6;
	vm13 =	vgt.f32 v45, v11;
	vm8 =	vgt.f32 v57, v7  }
0x81: {  	v59 =	vld [tilespmem:$0x3C0];
	v10 =	vsel vm0, v62, v61;
	v6 =	vsel vm14, $0xE, v6;
	v9 =	vsel vm13, v45, v11  }
0x82: {  	v30 =	vld [tilespmem:$0x350];
	v7 =	vsel vm8, v57, v7;
	vm1 =	vgt.f32 v21, v10;
	v12 =	vsel vm8, $0x5, v12  }
0x83: {  	v27 =	vld [tilespmem:$0x2D0];
	v6 =	vsel vm15, $0xF, v6;
	vm14 =	vgt.f32 v46, v9;
	vm9 =	vgt.f32 v58, v7  }
0x84: {  	v60 =	vld [tilespmem:$0x440];
	v10 =	vsel vm1, v21, v10;
	v6 =	vsel vm12, $0x10, v6;
	v8 =	vsel vm14, v46, v9  }
0x85: {  	v31 =	vld [tilespmem:$0x740];
	v7 =	vsel vm9, v58, v7;
	vm2 =	vgt.f32 v23, v10;
	v12 =	vsel vm9, $0x6, v12  }
0x86: {  	v25 =	vld [tilespmem:$0x250];
	v6 =	vsel vm13, $0x11, v6;
	vm10 =	vgt.f32 v59, v7;
	vm15 =	vgt.f32 v50, v8  }
0x87: {  	v33 =	vld [tilespmem:$0x3D0];
	v29 =	vsel vm2, v23, v10;
	v6 =	vsel vm14, $0x12, v6;
	v7 =	vsel vm10, v59, v7  }
0x88: {  	v35 =	vld [tilespmem:$0x450];
	v8 =	vsel vm15, v50, v8;
	v12 =	vsel vm10, $0x7, v12;
	v50 =	vsel vm0, $0x1, v0  }
0x89: {  	v36 =	vld [tilespmem:$0x840];
	vm11 =	vgt.f32 v60, v7;
	v6 =	vsel vm15, $0x13, v6;
	vm3 =	vgt.f32 v54, v8  }
0x8a: {  	v53 =	vld [tilespmem:$0xE0];
	v15 =	vsel vm1, $0x2, v50;
	v7 =	vsel vm11, v60, v7;
	v6 =	vsel vm3, $0x14, v6  }
0x8b: {  	v52 =	vld [tilespmem:$0x60];
	vm3 =	vgt.f32 v25, v29;
	v12 =	vsel vm11, $0x8, v12;
	vm12 =	vgt.f32 v63, v7  }
0x8c: {  	v28 =	vld [tilespmem:$0x6C0];
	v15 =	vsel vm2, $0x3, v15;
	v8 =	vsel vm3, v25, v29;
	v7 =	vsel vm12, v63, v7  }
0x8d: {  	v48 =	vld [tilespmem:$0x850];
	v15 =	vsel vm3, $0x4, v15;
	vm4 =	vgt.f32 v27, v8;
	vm13 =	vgt.f32 v22, v7  }
0x8e: {  	v37 =	vld [tilespmem:$0x4D0];
	v12 =	vsel vm12, $0x9, v12;
	v8 =	vsel vm4, v27, v8;
	v7 =	vsel vm13, v22, v7  }
0x8f: {  	v55 =	vld [tilespmem:$0x160];
	v15 =	vsel vm4, $0x5, v15;
	vm5 =	vgt.f32 v30, v8;
	vm14 =	vgt.f32 v24, v7  }
0x90: {  	v38 =	vld [tilespmem:$0x8C0];
	vm4 =	vgt.f32 v53, v52;
	v8 =	vsel vm5, v30, v8;
	v7 =	vsel vm14, v24, v7  }
0x91: {  	v39 =	vld [tilespmem:$0x550];
	v12 =	vsel vm13, $0xA, v12;
	vm6 =	vgt.f32 v33, v8;
	vm15 =	vgt.f32 v26, v7  }
0x92: {  	v34 =	vld [tilespmem:$0x7C0];
	v13 =	vsel vm4, v53, v52;
	v8 =	vsel vm6, v33, v8;
	v7 =	vsel vm15, v26, v7  }
0x93: {  	v40 =	vld [tilespmem:$0x940];
	v15 =	vsel vm5, $0x6, v15;
	vm7 =	vgt.f32 v35, v8;
	vm10 =	vgt.f32 v28, v7  }
0x94: {  	v41 =	vld [tilespmem:$0x5D0];
	vm5 =	vgt.f32 v55, v13;
	v8 =	vsel vm7, v35, v8;
	v7 =	vsel vm10, v28, v7  }
0x95: {  	v42 =	vld [tilespmem:$0x9C0];
	v12 =	vsel vm14, $0xB, v12;
	vm8 =	vgt.f32 v37, v8;
	vm11 =	vgt.f32 v31, v7  }
0x96: {  	v43 =	vld [tilespmem:$0x650];
	v13 =	vsel vm5, v55, v13;
	v8 =	vsel vm8, v37, v8;
	v7 =	vsel vm11, v31, v7  }
0x97: {  	v51 =	vld [tilespmem:$0x950];
	v57 =	vsel vm6, $0x7, v15;
	vm9 =	vgt.f32 v39, v8;
	vm12 =	vgt.f32 v34, v7  }
0x98: {  	v45 =	vld [tilespmem:$0x6D0];
	v12 =	vsel vm15, $0xC, v12;
	v8 =	vsel vm9, v39, v8;
	v7 =	vsel vm12, v34, v7  }
0x99: {  	v58 =	vld [tilespmem:$0x1E0];
	v12 =	vsel vm10, $0xD, v12;
	vm10 =	vgt.f32 v41, v8;
	vm13 =	vgt.f32 v36, v7  }
0x9a: {  	v46 =	vld [tilespmem:$0x750];
	v12 =	vsel vm11, $0xE, v12;
	v8 =	vsel vm10, v41, v8;
	v7 =	vsel vm13, v36, v7  }
0x9b: {  	v47 =	vld [tilespmem:$0x7D0];
	v12 =	vsel vm12, $0xF, v12;
	vm11 =	vgt.f32 v43, v8;
	vm12 =	vgt.f32 v38, v7  }
0x9c: {  	v44 =	vld [tilespmem:$0xA40];
	v12 =	vsel vm13, $0x10, v12;
	v8 =	vsel vm11, v43, v8;
	v7 =	vsel vm12, v38, v7  }
0x9d: {  	v49 =	vld [tilespmem:$0x8D0];
	v12 =	vsel vm12, $0x11, v12;
	vm0 =	vgt.f32 v45, v8;
	vm12 =	vgt.f32 v40, v7  }
0x9e: {  	v59 =	vld [tilespmem:$0x260];
	vm14 =	vgt.f32 v58, v13;
	v8 =	vsel vm0, v45, v8;
	v7 =	vsel vm12, v40, v7  }
0x9f: {  	v61 =	vld [tilespmem:$0xF0];
	v12 =	vsel vm12, $0x12, v12;
	vm1 =	vgt.f32 v46, v8;
	vm12 =	vgt.f32 v42, v7  }
0xa0: {  	v62 =	vld [tilespmem:$0x2E0];
	v13 =	vsel vm14, v58, v13;
	v8 =	vsel vm1, v46, v8;
	v7 =	vsel vm12, v42, v7  }
0xa1: {  	v21 =	vld [tilespmem:$0x360];
	v12 =	vsel vm12, $0x13, v12;
	vm2 =	vgt.f32 v47, v8;
	vm12 =	vgt.f32 v44, v7  }
0xa2: {  	v23 =	vld [tilespmem:$0x3E0];
	v31 =	vsel vm4, $0x1, v0;
	v8 =	vsel vm2, v47, v8;
	v7 =	vsel vm12, $0x14, v12  }
0xa3: {  	v60 =	vld [tilespmem:$0x70];
	vm3 =	vgt.f32 v48, v8;
	v12 =	vsel vm7, $0x8, v57;
	vm7 =	vgt.f32 v59, v13  }
0xa4: {  	v54 =	vld [tilespmem:$0x9D0];
	v8 =	vsel vm3, v48, v8;
	v12 =	vsel vm8, $0x9, v12;
	v13 =	vsel vm7, v59, v13  }
0xa5: {  	v63 =	vld [tilespmem:$0x170];
	vm12 =	vgt.f32 v49, v8;
	v12 =	vsel vm9, $0xA, v12;
	vm8 =	vgt.f32 v62, v13  }
0xa6: {  	v8 =	vsel vm12, v49, v8;
	v12 =	vsel vm10, $0xB, v12;
	v13 =	vsel vm8, v62, v13  }
0xa7: {  	v22 =	vld [tilespmem:$0x1F0];
	vm13 =	vgt.f32 v51, v8;
	v12 =	vsel vm11, $0xC, v12;
	vm9 =	vgt.f32 v21, v13  }
0xa8: {  	v25 =	vld [tilespmem:$0x460];
	v8 =	vsel vm13, v51, v8;
	v12 =	vsel vm0, $0xD, v12;
	vm0 =	vgt.f32 v61, v60  }
0xa9: {  	v24 =	vld [tilespmem:$0x270];
	v13 =	vsel vm9, v21, v13;
	vm15 =	vgt.f32 v54, v8;
	v9 =	vsel vm0, v61, v60  }
0xaa: {  	v56 =	vld [tilespmem:$0xA50];
	v12 =	vsel vm1, $0xE, v12;
	vm10 =	vgt.f32 v23, v13;
	vm1 =	vgt.f32 v63, v9  }
0xab: {  	v26 =	vld [tilespmem:$0x2F0];
	v46 =	vsel vm0, $0x1, v0;
	v8 =	vsel vm15, v54, v8;
	v9 =	vsel vm1, v63, v9  }
0xac: {  	v27 =	vld [tilespmem:$0x4E0];
	v12 =	vsel vm2, $0xF, v12;
	v29 =	vsel vm10, v23, v13;
	vm2 =	vgt.f32 v22, v9  }
0xad: {  	v28 =	vld [tilespmem:$0x370];
	v13 =	vsel vm5, $0x2, v31;
	v12 =	vsel vm3, $0x10, v12;
	v9 =	vsel vm2, v22, v9  }
0xae: {  	vm11 =	vgt.f32 v25, v29;
	v13 =	vsel vm14, $0x3, v13;
	vm3 =	vgt.f32 v24, v9  }
0xaf: {  	v32 =	vld [tilespmem:$0x3F0];
	v16 =	vsel vm1, $0x2, v46;
	v12 =	vsel vm12, $0x11, v12;
	v9 =	vsel vm3, v24, v9  }
0xb0: {  	v30 =	vld [tilespmem:$0x560];
	v11 =	vsel vm11, v25, v29;
	v13 =	vsel vm7, $0x4, v13;
	vm4 =	vgt.f32 v26, v9  }
0xb1: {  	v34 =	vld [tilespmem:$0x470];
	v12 =	vsel vm13, $0x12, v12;
	vm13 =	vgt.f32 v56, v8;
	v9 =	vsel vm4, v26, v9  }
0xb2: {  	v33 =	vld [tilespmem:$0x5E0];
	vm12 =	vgt.f32 v27, v11;
	v13 =	vsel vm8, $0x5, v13;
	vm5 =	vgt.f32 v28, v9  }
0xb3: {  	v36 =	vld [tilespmem:$0x4F0];
	v16 =	vsel vm2, $0x3, v16;
	v12 =	vsel vm15, $0x13, v12;
	v9 =	vsel vm5, v28, v9  }
0xb4: {  	v35 =	vld [tilespmem:$0x660];
	v11 =	vsel vm12, v27, v11;
	v13 =	vsel vm9, $0x6, v13;
	vm6 =	vgt.f32 v32, v9  }
0xb5: {  	v38 =	vld [tilespmem:$0x570];
	v8 =	vsel vm13, $0x14, v12;
	vm14 =	vgt.f32 v30, v11;
	v9 =	vsel vm6, v32, v9  }
0xb6: {  	v13 =	vsel vm10, $0x7, v13;
	v16 =	vsel vm3, $0x4, v16;
	vm7 =	vgt.f32 v34, v9  }
0xb7: {  	v40 =	vld [tilespmem:$0x5F0];
	v11 =	vsel vm14, v30, v11;
	v13 =	vsel vm11, $0x8, v13;
	v9 =	vsel vm7, v34, v9  }
0xb8: {  	v37 =	vld [tilespmem:$0x6E0];
	vm15 =	vgt.f32 v33, v11;
	v13 =	vsel vm12, $0x9, v13;
	vm8 =	vgt.f32 v36, v9  }
0xb9: {  	v42 =	vld [tilespmem:$0x670];
	v50 =	vsel vm4, $0x5, v16;
	v11 =	vsel vm15, v33, v11;
	v9 =	vsel vm8, v36, v9  }
0xba: {  	v39 =	vld [tilespmem:$0x760];
	v13 =	vsel vm14, $0xA, v13;
	vm12 =	vgt.f32 v35, v11;
	vm9 =	vgt.f32 v38, v9  }
0xbb: {  	v44 =	vld [tilespmem:$0x6F0];
	v13 =	vsel vm15, $0xB, v13;
	v15 =	vsel vm5, $0x6, v50;
	v9 =	vsel vm9, v38, v9  }
0xbc: {  	v41 =	vld [tilespmem:$0x7E0];
	v11 =	vsel vm12, v35, v11;
	v13 =	vsel vm12, $0xC, v13;
	vm0 =	vgt.f32 v40, v9  }
0xbd: {  	v47 =	vld [tilespmem:$0x770];
	vm13 =	vgt.f32 v37, v11;
	v15 =	vsel vm6, $0x7, v15;
	v9 =	vsel vm0, v40, v9  }
0xbe: {  	v45 =	vld [tilespmem:$0x860];
	v11 =	vsel vm13, v37, v11;
	v43 =	vsel vm13, $0xD, v13;
	vm10 =	vgt.f32 v42, v9  }
0xbf: {  	v49 =	vld [tilespmem:$0x7F0];
	vm14 =	vgt.f32 v39, v11;
	v15 =	vsel vm7, $0x8, v15;
	v9 =	vsel vm10, v42, v9  }
0xc0: {  	v48 =	vld [tilespmem:$0x8E0];
	v11 =	vsel vm14, v39, v11;
	v12 =	vsel vm14, $0xE, v43;
	vm11 =	vgt.f32 v44, v9  }
0xc1: {  	v51 =	vld [tilespmem:$0x870];
	vm15 =	vgt.f32 v41, v11;
	v15 =	vsel vm8, $0x9, v15;
	v9 =	vsel vm11, v44, v9  }
0xc2: {  	v52 =	vld [tilespmem:$0x960];
	v11 =	vsel vm15, v41, v11;
	v12 =	vsel vm15, $0xF, v12;
	vm13 =	vgt.f32 v47, v9  }
0xc3: {  	v53 =	vld [tilespmem:$0x8F0];
	vm12 =	vgt.f32 v45, v11;
	v15 =	vsel vm9, $0xA, v15;
	v9 =	vsel vm13, v47, v9  }
0xc4: {  	v55 =	vld [tilespmem:$0x970];
	v11 =	vsel vm12, v45, v11;
	v12 =	vsel vm12, $0x10, v12;
	vm15 =	vgt.f32 v49, v9  }
0xc5: {  	v54 =	vld [tilespmem:$0x9E0];
	vm14 =	vgt.f32 v48, v11;
	v15 =	vsel vm0, $0xB, v15;
	v9 =	vsel vm15, v49, v9  }
0xc6: {  	v11 =	vsel vm14, v48, v11;
	v12 =	vsel vm14, $0x11, v12;
	vm8 =	vgt.f32 v51, v9  }
0xc7: {  	v56 =	vld [tilespmem:$0x9F0];
	v15 =	vsel vm10, $0xC, v15;
	vm9 =	vgt.f32 v52, v11;
	v9 =	vsel vm8, v51, v9  }
0xc8: {  	v57 =	vld [tilespmem:$0xA60];
	v11 =	vsel vm9, v52, v11;
	v15 =	vsel vm11, $0xD, v15;
	vm10 =	vgt.f32 v53, v9  }
0xc9: {  	[tilespmem:$0xC00] =	vst v3;
	v58 =	vld [tilespmem:$0xA70];
	v12 =	vsel vm9, $0x12, v12;
	v3 =	vsel vm13, $0xE, v15;
	v9 =	vsel vm10, v53, v9  }
0xca: {  	[tilespmem:$0xC10] =	vst v4;
	vm11 =	vgt.f32 v54, v11;
	v3 =	vsel vm15, $0xF, v3;
	vm12 =	vgt.f32 v55, v9  }
0xcb: {  	[tilespmem:$0xC20] =	vst v5;
	v59 =	vsel vm11, v54, v11;
	v3 =	vsel vm8, $0x10, v3;
	v60 =	vsel vm12, v55, v9  }
0xcc: {  	[tilespmem:$0xC30] =	vst v6;
	v61 =	vsel vm11, $0x13, v12;
	v3 =	vsel vm10, $0x11, v3;
	vm13 =	vgt.f32 v56, v60  }
0xcd: {  	[tilespmem:$0xC40] =	vst v7;
	vm14 =	vgt.f32 v57, v59;
	v3 =	vsel vm12, $0x12, v3;
	v62 =	vsel vm13, v56, v60  }
0xce: {  	[tilespmem:$0xC50] =	vst v8;
	v63 =	vsel vm14, $0x14, v61;
	v3 =	vsel vm13, $0x13, v3;
	vm15 =	vgt.f32 v58, v62  }
0xcf: {  	[tilespmem:$0xC60] =	vst v63;
	v3 =	vsel vm15, $0x14, v3  }
0xd0: {  	[tilespmem:$0xC70] =	vst v3  }
0xd1: {  	[spmem:s7] =	stream.linear.scatter [tilespmem:s19], [sflag:$0x3], $0x80, $0x38;
	[tilespmem:$0xB0C0] =	vst v63  }
0xd2: {  	_ =	swait.ge [sflag:s18], $0x80  }
0xd3: {  	[sflag:s18] =	ssyncset.done $0x0  }
0xd4: {  	[sflag:s18] =	ssyncadd.s32 $0xFFFFFF80  }
.LBB2_3:
0xd5: {  	[bflag:$0x0] =	sbarrier.arrive $0xFFFF  }
0xd6: {  	[tilespmem:s20], [sflag:$0x3] =	stream.linear.gather [spmem:s2], $0x400, $0x38;
	[tilespmem:$0xB0C0] =	vst v63  }
0xd7: {  	_ =	swait.ge [sflag:s18], $0x400  }
0xd8: {  	[sflag:s18] =	ssyncset.done $0x0  }
0xd9: {  	[sflag:s18] =	ssyncadd.s32 $0xFFFFFC00  }
0xda: {  	[tilespmem:$0x50C0] =	vst v0  }
0xdb: {  	[tilespmem:$0x5140] =	vst v0  }
0xdc: {  	[tilespmem:$0x51C0] =	vst v0  }
0xdd: {  	[tilespmem:$0x5240] =	vst v0  }
0xde: {  	[tilespmem:$0x52C0] =	vst v0  }
0xdf: {  	[tilespmem:$0x5340] =	vst v0  }
0xe0: {  	[tilespmem:$0x53C0] =	vst v0  }
0xe1: {  	[tilespmem:$0x5440] =	vst v0  }
0xe2: {  	[tilespmem:$0x54C0] =	vst v0  }
0xe3: {  	[tilespmem:$0x5540] =	vst v0  }
0xe4: {  	[tilespmem:$0x55C0] =	vst v0  }
0xe5: {  	[tilespmem:$0x5640] =	vst v0  }
0xe6: {  	[tilespmem:$0x56C0] =	vst v0  }
0xe7: {  	[tilespmem:$0x5740] =	vst v0  }
0xe8: {  	[tilespmem:$0x57C0] =	vst v0  }
0xe9: {  	[tilespmem:$0x5840] =	vst v0  }
0xea: {  	[tilespmem:$0x58C0] =	vst v0  }
0xeb: {  	[tilespmem:$0x5940] =	vst v0  }
0xec: {  	[tilespmem:$0x59C0] =	vst v0  }
0xed: {  	[tilespmem:$0x5A40] =	vst v0  }
0xee: {  	[tilespmem:$0x5AC0] =	vst v0  }
0xef: {  	[tilespmem:$0x5B40] =	vst v0  }
0xf0: {  	[tilespmem:$0x5BC0] =	vst v0  }
0xf1: {  	[tilespmem:$0x5C40] =	vst v0  }
0xf2: {  	[tilespmem:$0x5CC0] =	vst v0  }
0xf3: {  	[tilespmem:$0x5D40] =	vst v0  }
0xf4: {  	[tilespmem:$0x5DC0] =	vst v0  }
0xf5: {  	[tilespmem:$0x5E40] =	vst v0  }
0xf6: {  	[tilespmem:$0x5EC0] =	vst v0  }
0xf7: {  	[tilespmem:$0x5F40] =	vst v0  }
0xf8: {  	[tilespmem:$0x5FC0] =	vst v0  }
0xf9: {  	[tilespmem:$0x6040] =	vst v0  }
0xfa: {  	[tilespmem:$0x60C0] =	vst v0  }
0xfb: {  	[tilespmem:$0x6140] =	vst v0  }
0xfc: {  	[tilespmem:$0x61C0] =	vst v0  }
0xfd: {  	[tilespmem:$0x6240] =	vst v0  }
0xfe: {  	[tilespmem:$0x62C0] =	vst v0  }
0xff: {  	[tilespmem:$0x6340] =	vst v0  }
0x100: {  	[tilespmem:$0x63C0] =	vst v0  }
0x101: {  	[tilespmem:$0x6440] =	vst v0  }
0x102: {  	[tilespmem:$0x64C0] =	vst v0  }
0x103: {  	[tilespmem:$0x6540] =	vst v0  }
0x104: {  	[tilespmem:$0x65C0] =	vst v0  }
0x105: {  	[tilespmem:$0x6640] =	vst v0  }
0x106: {  	[tilespmem:$0x66C0] =	vst v0  }
0x107: {  	[tilespmem:$0x6740] =	vst v0  }
0x108: {  	[tilespmem:$0x67C0] =	vst v0  }
0x109: {  	[tilespmem:$0x6840] =	vst v0  }
0x10a: {  	[tilespmem:$0x68C0] =	vst v0  }
0x10b: {  	[tilespmem:$0x6940] =	vst v0  }
0x10c: {  	[tilespmem:$0x69C0] =	vst v0  }
0x10d: {  	[tilespmem:$0x6A40] =	vst v0  }
0x10e: {  	[tilespmem:$0x6AC0] =	vst v0  }
0x10f: {  	[tilespmem:$0x6B40] =	vst v0  }
0x110: {  	[tilespmem:$0x6BC0] =	vst v0  }
0x111: {  	[tilespmem:$0x6C40] =	vst v0  }
0x112: {  	[tilespmem:$0x6CC0] =	vst v0  }
0x113: {  	[tilespmem:$0x6D40] =	vst v0  }
0x114: {  	[tilespmem:$0x6DC0] =	vst v0  }
0x115: {  	[tilespmem:$0x6E40] =	vst v0  }
0x116: {  	[tilespmem:$0x6EC0] =	vst v0  }
0x117: {  	[tilespmem:$0x6F40] =	vst v0  }
0x118: {  	[tilespmem:$0x6FC0] =	vst v0  }
0x119: {  	[tilespmem:$0x7040] =	vst v0  }
0x11a: {  	[tilespmem:$0x70C0] =	vst v0  }
0x11b: {  	[tilespmem:$0x7140] =	vst v0  }
0x11c: {  	[tilespmem:$0x71C0] =	vst v0  }
0x11d: {  	[tilespmem:$0x7240] =	vst v0  }
0x11e: {  	[tilespmem:$0x72C0] =	vst v0  }
0x11f: {  	[tilespmem:$0x7340] =	vst v0  }
0x120: {  	[tilespmem:$0x73C0] =	vst v0  }
0x121: {  	[tilespmem:$0x7440] =	vst v0  }
0x122: {  	[tilespmem:$0x74C0] =	vst v0  }
0x123: {  	[tilespmem:$0x7540] =	vst v0  }
0x124: {  	[tilespmem:$0x75C0] =	vst v0  }
0x125: {  	[tilespmem:$0x7640] =	vst v0  }
0x126: {  	[tilespmem:$0x76C0] =	vst v0  }
0x127: {  	[tilespmem:$0x7740] =	vst v0  }
0x128: {  	[tilespmem:$0x77C0] =	vst v0  }
0x129: {  	[tilespmem:$0x7840] =	vst v0  }
0x12a: {  	[tilespmem:$0x78C0] =	vst v0  }
0x12b: {  	[tilespmem:$0x7940] =	vst v0  }
0x12c: {  	[tilespmem:$0x79C0] =	vst v0  }
0x12d: {  	[tilespmem:$0x7A40] =	vst v0  }
0x12e: {  	[tilespmem:$0x7AC0] =	vst v0  }
0x12f: {  	[tilespmem:$0x7B40] =	vst v0  }
0x130: {  	[tilespmem:$0x7BC0] =	vst v0  }
0x131: {  	[tilespmem:$0x7C40] =	vst v0  }
0x132: {  	[tilespmem:$0x7CC0] =	vst v0  }
0x133: {  	[tilespmem:$0x7D40] =	vst v0  }
0x134: {  	[tilespmem:$0x7DC0] =	vst v0  }
0x135: {  	[tilespmem:$0x7E40] =	vst v0  }
0x136: {  	[tilespmem:$0x7EC0] =	vst v0  }
0x137: {  	[tilespmem:$0x7F40] =	vst v0  }
0x138: {  	[tilespmem:$0x7FC0] =	vst v0  }
0x139: {  	[tilespmem:$0x8040] =	vst v0  }
0x13a: {  	[tilespmem:$0x80C0] =	vst v0  }
0x13b: {  	[tilespmem:$0x8140] =	vst v0  }
0x13c: {  	[tilespmem:$0x81C0] =	vst v0  }
0x13d: {  	[tilespmem:$0x8240] =	vst v0  }
0x13e: {  	[tilespmem:$0x82C0] =	vst v0  }
0x13f: {  	[tilespmem:$0x8340] =	vst v0  }
0x140: {  	[tilespmem:$0x83C0] =	vst v0  }
0x141: {  	[tilespmem:$0x8440] =	vst v0  }
0x142: {  	[tilespmem:$0x84C0] =	vst v0  }
0x143: {  	[tilespmem:$0x8540] =	vst v0  }
0x144: {  	[tilespmem:$0x85C0] =	vst v0  }
0x145: {  	[tilespmem:$0x8640] =	vst v0  }
0x146: {  	[tilespmem:$0x86C0] =	vst v0  }
0x147: {  	[tilespmem:$0x8740] =	vst v0  }
0x148: {  	[tilespmem:$0x87C0] =	vst v0  }
0x149: {  	[tilespmem:$0x8840] =	vst v0  }
0x14a: {  	[tilespmem:$0x88C0] =	vst v0  }
0x14b: {  	[tilespmem:$0x8940] =	vst v0  }
0x14c: {  	[tilespmem:$0x89C0] =	vst v0  }
0x14d: {  	[tilespmem:$0x8A40] =	vst v0  }
0x14e: {  	[tilespmem:$0x8AC0] =	vst v0  }
0x14f: {  	[tilespmem:$0x8B40] =	vst v0  }
0x150: {  	[tilespmem:$0x8BC0] =	vst v0  }
0x151: {  	[tilespmem:$0x8C40] =	vst v0  }
0x152: {  	[tilespmem:$0x8CC0] =	vst v0  }
0x153: {  	[tilespmem:$0x8D40] =	vst v0  }
0x154: {  	[tilespmem:$0x8DC0] =	vst v0  }
0x155: {  	[tilespmem:$0x8E40] =	vst v0  }
0x156: {  	[tilespmem:$0x8EC0] =	vst v0  }
0x157: {  	[tilespmem:$0x8F40] =	vst v0  }
0x158: {  	[tilespmem:$0x8FC0] =	vst v0  }
0x159: {  	[tilespmem:$0x9040] =	vst v0  }
0x15a: {  	[tilespmem:$0x90C0] =	vst v0  }
0x15b: {  	[tilespmem:$0x9140] =	vst v0  }
0x15c: {  	[tilespmem:$0x91C0] =	vst v0  }
0x15d: {  	[tilespmem:$0x9240] =	vst v0  }
0x15e: {  	[tilespmem:$0x92C0] =	vst v0  }
0x15f: {  	[tilespmem:$0x9340] =	vst v0  }
0x160: {  	[tilespmem:$0x93C0] =	vst v0  }
0x161: {  	[tilespmem:$0x9440] =	vst v0  }
0x162: {  	[tilespmem:$0x94C0] =	vst v0  }
0x163: {  	[tilespmem:$0x9540] =	vst v0  }
0x164: {  	[tilespmem:$0x95C0] =	vst v0  }
0x165: {  	[tilespmem:$0x9640] =	vst v0  }
0x166: {  	[tilespmem:$0x96C0] =	vst v0  }
0x167: {  	[tilespmem:$0x9740] =	vst v0  }
0x168: {  	[tilespmem:$0x97C0] =	vst v0  }
0x169: {  	[tilespmem:$0x9840] =	vst v0  }
0x16a: {  	[tilespmem:$0x98C0] =	vst v0  }
0x16b: {  	[tilespmem:$0x9940] =	vst v0  }
0x16c: {  	[tilespmem:$0x99C0] =	vst v0  }
0x16d: {  	[tilespmem:$0x9A40] =	vst v0  }
0x16e: {  	[tilespmem:$0x9AC0] =	vst v0  }
0x16f: {  	[tilespmem:$0x9B40] =	vst v0  }
0x170: {  	[tilespmem:$0x9BC0] =	vst v0  }
0x171: {  	[tilespmem:$0x9C40] =	vst v0  }
0x172: {  	[tilespmem:$0x9CC0] =	vst v0  }
0x173: {  	[tilespmem:$0x9D40] =	vst v0  }
0x174: {  	[tilespmem:$0x9DC0] =	vst v0  }
0x175: {  	[tilespmem:$0x9E40] =	vst v0  }
0x176: {  	[tilespmem:$0x9EC0] =	vst v0  }
0x177: {  	[tilespmem:$0x9F40] =	vst v0  }
0x178: {  	[tilespmem:$0x9FC0] =	vst v0  }
0x179: {  	[tilespmem:$0xA040] =	vst v0  }
0x17a: {  	[tilespmem:$0xA0C0] =	vst v0  }
0x17b: {  	[tilespmem:$0xA140] =	vst v0  }
0x17c: {  	[tilespmem:$0xA1C0] =	vst v0  }
0x17d: {  	[tilespmem:$0xA240] =	vst v0  }
0x17e: {  	[tilespmem:$0xA2C0] =	vst v0  }
0x17f: {  	[tilespmem:$0xA340] =	vst v0  }
0x180: {  	[tilespmem:$0xA3C0] =	vst v0  }
0x181: {  	[tilespmem:$0xA440] =	vst v0  }
0x182: {  	[tilespmem:$0xA4C0] =	vst v0  }
0x183: {  	[tilespmem:$0xA540] =	vst v0  }
0x184: {  	[tilespmem:$0xA5C0] =	vst v0  }
0x185: {  	[tilespmem:$0xA640] =	vst v0  }
0x186: {  	[tilespmem:$0xA6C0] =	vst v0  }
0x187: {  	[tilespmem:$0xA740] =	vst v0  }
0x188: {  	[tilespmem:$0xA7C0] =	vst v0  }
0x189: {  	[tilespmem:$0xA840] =	vst v0  }
0x18a: {  	[tilespmem:$0xA8C0] =	vst v0  }
0x18b: {  	[tilespmem:$0xA940] =	vst v0  }
0x18c: {  	[tilespmem:$0xA9C0] =	vst v0  }
0x18d: {  	[tilespmem:$0xAA40] =	vst v0  }
0x18e: {  	[tilespmem:$0xAAC0] =	vst v0  }
0x18f: {  	[tilespmem:$0xAB40] =	vst v0  }
0x190: {  	[tilespmem:$0xABC0] =	vst v0  }
0x191: {  	[tilespmem:$0xAC40] =	vst v0  }
0x192: {  	[tilespmem:$0xACC0] =	vst v0  }
0x193: {  	[tilespmem:$0xAD40] =	vst v0  }
0x194: {  	[tilespmem:$0xADC0] =	vst v0  }
0x195: {  	[tilespmem:$0xAE40] =	vst v0  }
0x196: {  	[tilespmem:$0xAEC0] =	vst v0  }
0x197: {  	[tilespmem:$0xAF40] =	vst v0  }
0x198: {  	[tilespmem:$0xAFC0] =	vst v0  }
0x199: {  	[tilespmem:$0xB040] =	vst v0  }
0x19a: {  	s28 =	simm.s32 $0x0;
	_ =	swait.ge [sflag:s21], $0x2000  }
0x19b: {  	s29 =	simm.s32 $0x0;
	s30 =	simm.s32 $0x0;
	[sflag:s21] =	ssyncset.done $0x0  }
0x19c: {  	s29 =	sand.u32 $0x1000, s29;
	s31 =	sand.u32 $0xC00, s28;
	[sflag:s21] =	ssyncadd.s32 $0xFFFFE000  }
0x19d: {  	s30 =	sand.u32 $0x380, s30;
	s29 =	sor.u32 s31, s29;
	_ =	swait.ge [sflag:s22], $0x2000  }
0x19e: {  	s31 =	sand.u32 $0x40, s28;
	s29 =	sor.u32 s30, s29;
	[sflag:s22] =	ssyncset.done $0x0  }
0x19f: {  	s29 =	sor.u32 s31, s29;
	[sflag:s22] =	ssyncadd.s32 $0xFFFFE000  }
0x1a0: {  	v3 =	vld [tilespmem:s29+$0x10D0];
	_ =	sdelay $0x2  }
0x1a1: {  	v5 =	vld [tilespmem:s29+$0x10E0]  }
0x1a2: {  	v6 =	vld [tilespmem:s29+$0x10F0];
	_ =	sdelay $0x1  }
0x1a3: {  	v7 =	vld [tilespmem:s29+$0x10C0]  }
0x1a4: {  	v9 =	vld [tilespmem:s29+$0x30E0]  }
0x1a5: {  	v4 =	vld.idx.msk [tilespmem:v3+s20+$0x0], $0xffff;
	_ =	sdelay $0x2  }
0x1a6: {  	v10 =	vld.idx.msk [tilespmem:v5+s20+$0x0], $0xffff  }
0x1a7: {  	v5 =	vld.idx.msk [tilespmem:v6+s20+$0x0], $0xffff  }
0x1a8: {  	v3 =	vshll.u32 v9, $0x7;
	v6 =	vshll.u32 v4, $0x7  }
0x1a9: {  	v8 =	vor.u32 v1, v3;
	v3 =	vor.u32 v1, v6;
	v6 =	vld.idx.msk [tilespmem:v7+s20+$0x0], $0xffff;
	_ =	sdelay $0x1  }
0x1aa: {  	v11 =	vshll.u32 v10, $0x7  }
0x1ab: {  	s30 =	simm.s32 $0x0;
	s31 =	simm.s32 $0x0;
	vm0 =	veq.s32 v10, v9;
	v9 =	vshll.u32 v5, $0x7;
	v7 =	vor.u32 v1, v11  }
.LBB2_4:
0x1ac: {  	s30 =	sadd.s32 $0x4, s30;
	v10 =	vld [tilespmem:s29+$0x30C0]  }
0x1ad: {  	v11 =	vshll.u32 v6, $0x7;
	s28 =	sadd.s32 $0x200, s28;
	s1 =	sshll.u32 s30, $0x4;
	s0 =	sshll.u32 s30, $0x2;
	v12 =	vld [tilespmem:s29+$0x30F0]  }
0x1ae: {  	s14 =	sand.u32 $0xC00, s28;
	s1 =	sand.u32 $0x1000, s1;
	s0 =	sand.u32 $0x380, s0;
	v13 =	vld [tilespmem:s29+$0x30D0]  }
0x1af: {  	s31 =	sadd.s32 $0x40, s31;
	p1 =	slt.u32 s30, $0x1FC;
	s1 =	sor.u32 s14, s1;
	[tilespmem:v3+s23+$0x0] =	vst.idx.add.s32.msk $0xffff, v2  }
0x1b0: {  	s14 =	sand.u32 $0x40, s31;
	s0 =	sor.u32 s0, s1;
	[tilespmem:v7+s23+$0x0] =	vst.idx.add.s32.msk $0xffff, v2  }
0x1b1: {  	s29 =	sor.u32 s14, s0;
	v14 =	vshll.u32 v10, $0x7;
	vm1 =	veq.s32 v6, v10;
	[tilespmem:v8+s24+$0x0] =	vst.idx.add.s32.msk $0xffff, v2  }
0x1b2: {  	v8 =	vor.u32 v1, v9;
	v6 =	vld [tilespmem:s29+$0x10D0];
	v9 =	vshll.u32 v12, $0x7  }
0x1b3: {  	vm3 =	veq.s32 v5, v12;
	v10 =	vld [tilespmem:s29+$0x10C0];
	vm2 =	veq.s32 v4, v13;
	v4 =	vor.u32 v1, v9  }
0x1b4: {  	v5 =	vld [tilespmem:s29+$0x10E0]  }
0x1b5: {  	v9 =	vld [tilespmem:s29+$0x10F0]  }
0x1b6: {  	[tilespmem:v7+s25+$0x0] =	vst.idx.add.s32.msk vm0, v2  }
0x1b7: {  	[tilespmem:v8+s23+$0x0] =	vst.idx.add.s32.msk $0xffff, v2  }
0x1b8: {  	v7 =	vshll.u32 v13, $0x7;
	[tilespmem:v4+s24+$0x0] =	vst.idx.add.s32.msk $0xffff, v2  }
0x1b9: {  	v7 =	vor.u32 v1, v7;
	[tilespmem:v8+s25+$0x0] =	vst.idx.add.s32.msk vm3, v2  }
0x1ba: {  	v12 =	vld [tilespmem:s29+$0x30E0]  }
0x1bb: {  	v4 =	vld.idx.msk [tilespmem:v6+s20+$0x0], $0xffff  }
0x1bc: {  	v11 =	vor.u32 v1, v11;
	v13 =	vld.idx.msk [tilespmem:v5+s20+$0x0], $0xffff  }
0x1bd: {  	v5 =	vld.idx.msk [tilespmem:v9+s20+$0x0], $0xffff;
	v9 =	vor.u32 v1, v14  }
0x1be: {  	[tilespmem:v7+s24+$0x0] =	vst.idx.add.s32.msk $0xffff, v2  }
.Ltmp1:
0x1bf: {  	v6 =	vld.idx.msk [tilespmem:v10+s20+$0x0], $0xffff;
	v7 =	vshll.u32 v12, $0x7;
	(pc) =	sbr.rel @p1 .LBB2_4-.Ltmp1, $4  }
0x1c0: {  	v8 =	vor.u32 v1, v7;
	[tilespmem:v3+s25+$0x0] =	vst.idx.add.s32.msk vm2, v2  }
0x1c1: {  	v3 =	vshll.u32 v4, $0x7;
	[tilespmem:v11+s23+$0x0] =	vst.idx.add.s32.msk $0xffff, v2  }
0x1c2: {  	v3 =	vor.u32 v1, v3;
	v7 =	vshll.u32 v13, $0x7;
	vm0 =	veq.s32 v13, v12;
	[tilespmem:v9+s24+$0x0] =	vst.idx.add.s32.msk $0xffff, v2  }
0x1c3: {  	v7 =	vor.u32 v1, v7;
	v9 =	vshll.u32 v5, $0x7;
	[tilespmem:v11+s25+$0x0] =	vst.idx.add.s32.msk vm1, v2  }
0x1c4: {  	v10 =	vld [tilespmem:s29+$0x30F0]  }
0x1c5: {  	v11 =	vld [tilespmem:s29+$0x30D0]  }
0x1c6: {  	v12 =	vld [tilespmem:s29+$0x30C0];
	_ =	sdelay $0x1  }
0x1c7: {  	v9 =	vor.u32 v1, v9;
	v61 =	vshll.u32 v6, $0x7  }
0x1c8: {  	[tilespmem:v3+s23+$0x0] =	vst.idx.add.s32.msk $0xffff, v2;
	v13 =	vshll.u32 v10, $0x7;
	vm1 =	veq.s32 v5, v10;
	v5 =	vor.u32 v1, v61  }
0x1c9: {  	[tilespmem:v7+s23+$0x0] =	vst.idx.add.s32.msk $0xffff, v2;
	v59 =	vshll.u32 v11, $0x7;
	v13 =	vor.u32 v1, v13  }
0x1ca: {  	[tilespmem:v8+s24+$0x0] =	vst.idx.add.s32.msk $0xffff, v2;
	v62 =	vshll.u32 v12, $0x7;
	v60 =	vor.u32 v1, v59  }
0x1cb: {  	[tilespmem:v7+s25+$0x0] =	vst.idx.add.s32.msk vm0, v2;
	v63 =	vor.u32 v1, v62  }
0x1cc: {  	vm2 =	veq.s32 v4, v11;
	[tilespmem:v9+s23+$0x0] =	vst.idx.add.s32.msk $0xffff, v2  }
0x1cd: {  	vm15 =	veq.s32 v6, v12;
	[tilespmem:v5+s23+$0x0] =	vst.idx.add.s32.msk $0xffff, v2  }
0x1ce: {  	[tilespmem:v13+s24+$0x0] =	vst.idx.add.s32.msk $0xffff, v2  }
0x1cf: {  	[tilespmem:v60+s24+$0x0] =	vst.idx.add.s32.msk $0xffff, v2  }
0x1d0: {  	[tilespmem:v63+s24+$0x0] =	vst.idx.add.s32.msk $0xffff, v2  }
0x1d1: {  	[tilespmem:v9+s25+$0x0] =	vst.idx.add.s32.msk vm1, v2  }
0x1d2: {  	[tilespmem:v3+s25+$0x0] =	vst.idx.add.s32.msk vm2, v2  }
0x1d3: {  	[tilespmem:v5+s25+$0x0] =	vst.idx.add.s32.msk vm15, v2  }
0x1d4: {  	[hbm4b:s8+s3] =	stream.linear.scatter [tilespmem:s23], [sflag:$0x3], $0x2000, $0x38;
	[tilespmem:$0xB0C0] =	vst v63  }
0x1d5: {  	_ =	swait.ge [sflag:s18], $0x2000  }
0x1d6: {  	[sflag:s18] =	ssyncset.done $0x0  }
0x1d7: {  	[sflag:s18] =	ssyncadd.s32 $0xFFFFE000  }
0x1d8: {  	[hbm4b:s9+s3] =	stream.linear.scatter [tilespmem:s24], [sflag:$0x3], $0x2000, $0x38;
	[tilespmem:$0xB0C0] =	vst v63  }
0x1d9: {  	s26 =	sadd.s32 $0x1, s26;
	_ =	swait.ge [sflag:s18], $0x2000  }
0x1da: {  	p1 =	sne.s32 s26, s11;
	[sflag:s18] =	ssyncset.done $0x0  }
.Ltmp2:
0x1db: {  	[sflag:s18] =	ssyncadd.s32 $0xFFFFE000;
	(pc) =	sbr.rel @p1 .LBB2_1-.Ltmp2, $4  }
0x1dc: {  	[hbm4b:s10+s3] =	stream.linear.scatter [tilespmem:s25], [sflag:$0x3], $0x2000, $0x38;
	[tilespmem:$0xB0C0] =	vst v63  }
0x1dd: {  	_ =	swait.ge [sflag:s18], $0x2000  }
0x1de: {  	[sflag:s18] =	ssyncset.done $0x0  }
0x1df: {  	[sflag:s18] =	ssyncadd.s32 $0xFFFFE000  }
0x1e0: {  	_ =	sfence.sel $0x180000  }
0x1e1: {  	[bflag:$0x0] =	sbarrier.arrive $0xFFFF  }
0x1e2: {  	_ =	strace $0x90000047  }
0x1e3: {  	s0 =	stileid.u32;
	[bflag:$0x2] =	sbarrier.arrive $0xFFFF  }
0x1e4: {  	p0 =	sne.s32 s0, $0x0;
	s0 =	rddreg [dreg:$0x5]  }
0x1e5: {  	s0 =	sadd.s32 @!p0 $0x100000, s0  }
0x1e6: {  	[sflag:s0] =	ssyncadd.tile.s32 @!p0 $0x1;
	_ =	shalt  }
.Lfunc_end2:
_tile_overlayer_lowered:
.L_overlay_start_2:
0x1e7: {  	(tag) =	ssettag $0x2  }
0x1e8: {  	s0 =	rddreg [dreg:$0x0];
	s2 =	stileid.u32  }
0x1e9: {  	s1 =	rddreg [dreg:$0x1];
	p0 =	sne.s32 s2, $0x0  }
0x1ea: {  	s3 =	rddreg [dreg:$0x2];
	[bflag:$0x3] =	sbarrier.arrive $0xFFFF;
	s2 =	simm.s32 @!p0 $0x1C03  }
0x1eb: {  	[timem:s3], [sflag:s2] =	dma.local @!p0 [hbm:s0], s1  }
0x1ec: {  	s0 =	simm.s32 @!p0 $0x3  }
0x1ed: {  	_ =	swait.ge @!p0 [sflag:s0], s1  }
0x1ee: {  	s1 =	ssub.s32 @!p0 $0x0, s1;
	[sflag:s0] =	ssyncset.done @!p0 $0x0  }
0x1ef: {  	[sflag:s0] =	ssyncadd.s32 @!p0 s1  }
0x1f0: {  	[bflag:$0x3] =	sbarrier.arrive $0xFFFF  }
0x1f1: {  	_ =	shalt  }

</sc_bundles>
